<compile_context>
chip_gen: v7x
topology: tpu7x:2x2x1
jax: 0.10.2.dev20260603
libtpu: 0.0.44.dev20260713+nightly
codegen_flags: <defaults>
</compile_context>

<pallas_src>
import functools

import jax
import jax.numpy as jnp
from jax import lax
from jax.experimental import pallas as pl
from jax.experimental.pallas import tpu as pltpu
from jax.experimental.pallas import tpu_sc as plsc

S = 2048
B = 4
D = 1024
BD = B * D

NC = 2
NS = 16
NW = NC * NS
RPW = S // NW
CH = 4
NBUF = 6
LANES = 16


def _make_sc_kernel(ch, nbuf):
    nch = RPW // ch

    jp = D // LANES

    def compute_chunk(xb, pb):
        def fbody(i, carry):
            r = i >> 6
            col = (i & (jp - 1)) * LANES
            pe_v = pb[r, pl.ds(col, LANES)]
            for b in range(B):
                plsc.addupdate(xb.at[r, b, pl.ds(col, LANES)], pe_v)
            return carry
        lax.fori_loop(0, ch * jp, fbody, 0, unroll=2)

    def body(*refs):
        x_hbm, pe_hbm, out_hbm = refs[:3]
        xbs = refs[3:3 + nbuf]
        pbs = refs[3 + nbuf:3 + 2 * nbuf]
        isems = refs[3 + 2 * nbuf:3 + 3 * nbuf]
        osems = refs[3 + 3 * nbuf:3 + 4 * nbuf]

        wid = lax.axis_index("s") * NC + lax.axis_index("c")
        base = wid * RPW

        def start_in(c):
            i = c % nbuf
            row0 = base + c * ch
            cx = pltpu.async_copy(x_hbm.at[pl.ds(row0, ch)], xbs[i], isems[i])
            cp = pltpu.async_copy(pe_hbm.at[pl.ds(row0, ch)], pbs[i], isems[i])
            return cx, cp

        in_fl = {c: start_in(c) for c in range(min(nbuf - 1, nch))}
        out_fl = {}
        for c in range(nch):
            i = c % nbuf
            row0 = base + c * ch
            for cpy in in_fl.pop(c):
                cpy.wait()
            compute_chunk(xbs[i], pbs[i])
            out_fl[c] = (
                pltpu.async_copy(
                    xbs[i], out_hbm.at[pl.ds(row0, ch)], osems[i]),
            )
            nxt = c + nbuf - 1
            if nxt < nch:
                prev = nxt - nbuf
                if prev >= 0:
                    for cpy in out_fl.pop(prev):
                        cpy.wait()
                in_fl[nxt] = start_in(nxt)
        for pair in out_fl.values():
            for cpy in pair:
                cpy.wait()

    return pl.kernel(
        body,
        mesh=plsc.VectorSubcoreMesh(core_axis_name="c", subcore_axis_name="s"),
        out_type=jax.ShapeDtypeStruct((S, B, D), jnp.float32),
        scratch_types=(
            [pltpu.VMEM((ch, B, D), jnp.float32) for _ in range(nbuf)]
            + [pltpu.VMEM((ch, D), jnp.float32) for _ in range(nbuf)]
            + [pltpu.SemaphoreType.DMA for _ in range(2 * nbuf)]
        ),
    )


_pe_add_sc = _make_sc_kernel(CH, NBUF)


def kernel(x, pos_embed):
    return _pe_add_sc(x, pos_embed)

# --- scband reference (transcript-rebuilt; emitter-appended) ---
"""Pipeline reference for scband-positional-encoding-lut-44470091382888 (READ-ONLY COPY).

The authoritative reference and input builder live on the scoring server;
editing this copy changes nothing except your own understanding.
"""

import jax, jax.numpy as jnp
import numpy as np

D_MODEL = 1024
MAX_LEN = 2048
SEQ = 2048
BATCH = 4

def setup_inputs(seed: int = 0) -> dict:
    key = jax.random.key(seed)
    k1, k2 = jax.random.split(key)
    x = jax.random.normal(k1, (SEQ, BATCH, D_MODEL), dtype=jnp.float32)
    # pos_embed weight, kaiming-normal-ish init (fan_in = d_model)
    pos_embed = jax.random.normal(k2, (MAX_LEN, D_MODEL), dtype=jnp.float32) * jnp.sqrt(2.0 / D_MODEL)
    return {"x": x, "pos_embed": pos_embed}

def reference(x, pos_embed):
    # pos = position[0 : 0 + x.size(0)] -> shape [S, 1] of ints 0..S-1
    S = x.shape[0]
    pos = jnp.arange(S, dtype=jnp.int32)[:, None]          # [S, 1]
    pe = jnp.take(pos_embed, pos, axis=0)                  # [S, 1, d_model] (embedding lookup)
    out = x + pe                                           # broadcast over batch dim
    # dropout p=0.0 -> identity
    return out

if __name__ == "__main__":
    import jax
    _d = setup_inputs()
    print(jax.jit(kernel)(*tuple(_d.values())))

</pallas_src>

<mosaic_0001>
#map = affine_map<(d0, d1) -> (0, 0, 0)>
#map1 = affine_map<(d0, d1) -> (0, 0)>
module attributes {stable_mosaic.version = 14 : i64} {
  func.func @body(%arg0: i32, %arg1: i32, %arg2: memref<2048x4x1024xf32, #tpu.memory_space<hbm>>, %arg3: memref<2048x1024xf32, #tpu.memory_space<hbm>>, %arg4: memref<2048x4x1024xf32, #tpu.memory_space<hbm>>, %arg5: memref<4x4x1024xf32, #tpu.memory_space<vmem>>, %arg6: memref<4x4x1024xf32, #tpu.memory_space<vmem>>, %arg7: memref<4x4x1024xf32, #tpu.memory_space<vmem>>, %arg8: memref<4x4x1024xf32, #tpu.memory_space<vmem>>, %arg9: memref<4x4x1024xf32, #tpu.memory_space<vmem>>, %arg10: memref<4x4x1024xf32, #tpu.memory_space<vmem>>, %arg11: memref<4x1024xf32, #tpu.memory_space<vmem>>, %arg12: memref<4x1024xf32, #tpu.memory_space<vmem>>, %arg13: memref<4x1024xf32, #tpu.memory_space<vmem>>, %arg14: memref<4x1024xf32, #tpu.memory_space<vmem>>, %arg15: memref<4x1024xf32, #tpu.memory_space<vmem>>, %arg16: memref<4x1024xf32, #tpu.memory_space<vmem>>, %arg17: memref<!tpu.dma_semaphore, #tpu.memory_space<semaphore_mem>>, %arg18: memref<!tpu.dma_semaphore, #tpu.memory_space<semaphore_mem>>, %arg19: memref<!tpu.dma_semaphore, #tpu.memory_space<semaphore_mem>>, %arg20: memref<!tpu.dma_semaphore, #tpu.memory_space<semaphore_mem>>, %arg21: memref<!tpu.dma_semaphore, #tpu.memory_space<semaphore_mem>>, %arg22: memref<!tpu.dma_semaphore, #tpu.memory_space<semaphore_mem>>, %arg23: memref<!tpu.dma_semaphore, #tpu.memory_space<semaphore_mem>>, %arg24: memref<!tpu.dma_semaphore, #tpu.memory_space<semaphore_mem>>, %arg25: memref<!tpu.dma_semaphore, #tpu.memory_space<semaphore_mem>>, %arg26: memref<!tpu.dma_semaphore, #tpu.memory_space<semaphore_mem>>, %arg27: memref<!tpu.dma_semaphore, #tpu.memory_space<semaphore_mem>>, %arg28: memref<!tpu.dma_semaphore, #tpu.memory_space<semaphore_mem>>) attributes {dimension_semantics = [#tpu.dimension_semantics<core_parallel>, #tpu.dimension_semantics<subcore_parallel>], iteration_bounds = array<i64: 2, 16>, scalar_prefetch = 0 : i64, scratch_operands = 24 : i64, tpu.core_type = #tpu.core_type<sc_vector_subcore>, window_params = [{transform_indices = #map}, {transform_indices = #map1}, {transform_indices = #map}]} {
    %mul3A = arith.constant 2 : i32
    %mul3A_0 = arith.muli %arg1, %mul3A : i32
    %add3A = arith.addi %mul3A_0, %arg0 : i32
    %mul3A_1 = arith.constant 64 : i32
    %mul3A_2 = arith.muli %add3A, %mul3A_1 : i32
    %add3A_3 = arith.constant 0 : i32
    %add3A_4 = arith.addi %mul3A_2, %add3A_3 : i32
    %dma_start3A = arith.constant 0 : i32
    %dma_start3A_5 = arith.constant 0 : i32
    %dma_start3A_6 = tpu.memref_slice %arg2[%add3A_4, %dma_start3A, %dma_start3A_5] : memref<2048x4x1024xf32, #tpu.memory_space<hbm>> -> memref<4x4x1024xf32, #tpu.memory_space<hbm>>
    %dma_start3A_7 = arith.constant 0 : i32
    %dma_start3A_8 = arith.constant 0 : i32
    %dma_start3A_9 = tpu.memref_slice %arg2[%add3A_4, %dma_start3A_7, %dma_start3A_8] : memref<2048x4x1024xf32, #tpu.memory_space<hbm>> -> memref<4x4x1024xf32, #tpu.memory_space<hbm>>
    tpu.enqueue_dma source(%dma_start3A_9 : memref<4x4x1024xf32, #tpu.memory_space<hbm>>) target(%arg5 : memref<4x4x1024xf32, #tpu.memory_space<vmem>>) target_semaphore(%arg17 : memref<!tpu.dma_semaphore, #tpu.memory_space<semaphore_mem>>)
    %dma_start3A_10 = arith.constant 0 : i32
    %dma_start3A_11 = tpu.memref_slice %arg3[%add3A_4, %dma_start3A_10] : memref<2048x1024xf32, #tpu.memory_space<hbm>> -> memref<4x1024xf32, #tpu.memory_space<hbm>>
    %dma_start3A_12 = arith.constant 0 : i32
    %dma_start3A_13 = tpu.memref_slice %arg3[%add3A_4, %dma_start3A_12] : memref<2048x1024xf32, #tpu.memory_space<hbm>> -> memref<4x1024xf32, #tpu.memory_space<hbm>>
    tpu.enqueue_dma source(%dma_start3A_13 : memref<4x1024xf32, #tpu.memory_space<hbm>>) target(%arg11 : memref<4x1024xf32, #tpu.memory_space<vmem>>) target_semaphore(%arg17 : memref<!tpu.dma_semaphore, #tpu.memory_space<semaphore_mem>>)
    %add3A_14 = arith.constant 4 : i32
    %add3A_15 = arith.addi %mul3A_2, %add3A_14 : i32
    %dma_start3A_16 = arith.constant 0 : i32
    %dma_start3A_17 = arith.constant 0 : i32
    %dma_start3A_18 = tpu.memref_slice %arg2[%add3A_15, %dma_start3A_16, %dma_start3A_17] : memref<2048x4x1024xf32, #tpu.memory_space<hbm>> -> memref<4x4x1024xf32, #tpu.memory_space<hbm>>
    %dma_start3A_19 = arith.constant 0 : i32
    %dma_start3A_20 = arith.constant 0 : i32
    %dma_start3A_21 = tpu.memref_slice %arg2[%add3A_15, %dma_start3A_19, %dma_start3A_20] : memref<2048x4x1024xf32, #tpu.memory_space<hbm>> -> memref<4x4x1024xf32, #tpu.memory_space<hbm>>
    tpu.enqueue_dma source(%dma_start3A_21 : memref<4x4x1024xf32, #tpu.memory_space<hbm>>) target(%arg6 : memref<4x4x1024xf32, #tpu.memory_space<vmem>>) target_semaphore(%arg18 : memref<!tpu.dma_semaphore, #tpu.memory_space<semaphore_mem>>)
    %dma_start3A_22 = arith.constant 0 : i32
    %dma_start3A_23 = tpu.memref_slice %arg3[%add3A_15, %dma_start3A_22] : memref<2048x1024xf32, #tpu.memory_space<hbm>> -> memref<4x1024xf32, #tpu.memory_space<hbm>>
    %dma_start3A_24 = arith.constant 0 : i32
    %dma_start3A_25 = tpu.memref_slice %arg3[%add3A_15, %dma_start3A_24] : memref<2048x1024xf32, #tpu.memory_space<hbm>> -> memref<4x1024xf32, #tpu.memory_space<hbm>>
    tpu.enqueue_dma source(%dma_start3A_25 : memref<4x1024xf32, #tpu.memory_space<hbm>>) target(%arg12 : memref<4x1024xf32, #tpu.memory_space<vmem>>) target_semaphore(%arg18 : memref<!tpu.dma_semaphore, #tpu.memory_space<semaphore_mem>>)
    %add3A_26 = arith.constant 8 : i32
    %add3A_27 = arith.addi %mul3A_2, %add3A_26 : i32
    %dma_start3A_28 = arith.constant 0 : i32
    %dma_start3A_29 = arith.constant 0 : i32
    %dma_start3A_30 = tpu.memref_slice %arg2[%add3A_27, %dma_start3A_28, %dma_start3A_29] : memref<2048x4x1024xf32, #tpu.memory_space<hbm>> -> memref<4x4x1024xf32, #tpu.memory_space<hbm>>
    %dma_start3A_31 = arith.constant 0 : i32
    %dma_start3A_32 = arith.constant 0 : i32
    %dma_start3A_33 = tpu.memref_slice %arg2[%add3A_27, %dma_start3A_31, %dma_start3A_32] : memref<2048x4x1024xf32, #tpu.memory_space<hbm>> -> memref<4x4x1024xf32, #tpu.memory_space<hbm>>
    tpu.enqueue_dma source(%dma_start3A_33 : memref<4x4x1024xf32, #tpu.memory_space<hbm>>) target(%arg7 : memref<4x4x1024xf32, #tpu.memory_space<vmem>>) target_semaphore(%arg19 : memref<!tpu.dma_semaphore, #tpu.memory_space<semaphore_mem>>)
    %dma_start3A_34 = arith.constant 0 : i32
    %dma_start3A_35 = tpu.memref_slice %arg3[%add3A_27, %dma_start3A_34] : memref<2048x1024xf32, #tpu.memory_space<hbm>> -> memref<4x1024xf32, #tpu.memory_space<hbm>>
    %dma_start3A_36 = arith.constant 0 : i32
    %dma_start3A_37 = tpu.memref_slice %arg3[%add3A_27, %dma_start3A_36] : memref<2048x1024xf32, #tpu.memory_space<hbm>> -> memref<4x1024xf32, #tpu.memory_space<hbm>>
    tpu.enqueue_dma source(%dma_start3A_37 : memref<4x1024xf32, #tpu.memory_space<hbm>>) target(%arg13 : memref<4x1024xf32, #tpu.memory_space<vmem>>) target_semaphore(%arg19 : memref<!tpu.dma_semaphore, #tpu.memory_space<semaphore_mem>>)
    %add3A_38 = arith.constant 12 : i32
    %add3A_39 = arith.addi %mul3A_2, %add3A_38 : i32
    %dma_start3A_40 = arith.constant 0 : i32
    %dma_start3A_41 = arith.constant 0 : i32
    %dma_start3A_42 = tpu.memref_slice %arg2[%add3A_39, %dma_start3A_40, %dma_start3A_41] : memref<2048x4x1024xf32, #tpu.memory_space<hbm>> -> memref<4x4x1024xf32, #tpu.memory_space<hbm>>
    %dma_start3A_43 = arith.constant 0 : i32
    %dma_start3A_44 = arith.constant 0 : i32
    %dma_start3A_45 = tpu.memref_slice %arg2[%add3A_39, %dma_start3A_43, %dma_start3A_44] : memref<2048x4x1024xf32, #tpu.memory_space<hbm>> -> memref<4x4x1024xf32, #tpu.memory_space<hbm>>
    tpu.enqueue_dma source(%dma_start3A_45 : memref<4x4x1024xf32, #tpu.memory_space<hbm>>) target(%arg8 : memref<4x4x1024xf32, #tpu.memory_space<vmem>>) target_semaphore(%arg20 : memref<!tpu.dma_semaphore, #tpu.memory_space<semaphore_mem>>)
    %dma_start3A_46 = arith.constant 0 : i32
    %dma_start3A_47 = tpu.memref_slice %arg3[%add3A_39, %dma_start3A_46] : memref<2048x1024xf32, #tpu.memory_space<hbm>> -> memref<4x1024xf32, #tpu.memory_space<hbm>>
    %dma_start3A_48 = arith.constant 0 : i32
    %dma_start3A_49 = tpu.memref_slice %arg3[%add3A_39, %dma_start3A_48] : memref<2048x1024xf32, #tpu.memory_space<hbm>> -> memref<4x1024xf32, #tpu.memory_space<hbm>>
    tpu.enqueue_dma source(%dma_start3A_49 : memref<4x1024xf32, #tpu.memory_space<hbm>>) target(%arg14 : memref<4x1024xf32, #tpu.memory_space<vmem>>) target_semaphore(%arg20 : memref<!tpu.dma_semaphore, #tpu.memory_space<semaphore_mem>>)
    %add3A_50 = arith.constant 16 : i32
    %add3A_51 = arith.addi %mul3A_2, %add3A_50 : i32
    %dma_start3A_52 = arith.constant 0 : i32
    %dma_start3A_53 = arith.constant 0 : i32
    %dma_start3A_54 = tpu.memref_slice %arg2[%add3A_51, %dma_start3A_52, %dma_start3A_53] : memref<2048x4x1024xf32, #tpu.memory_space<hbm>> -> memref<4x4x1024xf32, #tpu.memory_space<hbm>>
    %dma_start3A_55 = arith.constant 0 : i32
    %dma_start3A_56 = arith.constant 0 : i32
    %dma_start3A_57 = tpu.memref_slice %arg2[%add3A_51, %dma_start3A_55, %dma_start3A_56] : memref<2048x4x1024xf32, #tpu.memory_space<hbm>> -> memref<4x4x1024xf32, #tpu.memory_space<hbm>>
    tpu.enqueue_dma source(%dma_start3A_57 : memref<4x4x1024xf32, #tpu.memory_space<hbm>>) target(%arg9 : memref<4x4x1024xf32, #tpu.memory_space<vmem>>) target_semaphore(%arg21 : memref<!tpu.dma_semaphore, #tpu.memory_space<semaphore_mem>>)
    %dma_start3A_58 = arith.constant 0 : i32
    %dma_start3A_59 = tpu.memref_slice %arg3[%add3A_51, %dma_start3A_58] : memref<2048x1024xf32, #tpu.memory_space<hbm>> -> memref<4x1024xf32, #tpu.memory_space<hbm>>
    %dma_start3A_60 = arith.constant 0 : i32
    %dma_start3A_61 = tpu.memref_slice %arg3[%add3A_51, %dma_start3A_60] : memref<2048x1024xf32, #tpu.memory_space<hbm>> -> memref<4x1024xf32, #tpu.memory_space<hbm>>
    tpu.enqueue_dma source(%dma_start3A_61 : memref<4x1024xf32, #tpu.memory_space<hbm>>) target(%arg15 : memref<4x1024xf32, #tpu.memory_space<vmem>>) target_semaphore(%arg21 : memref<!tpu.dma_semaphore, #tpu.memory_space<semaphore_mem>>)
    %add3A_62 = arith.constant 0 : i32
    %add3A_63 = arith.addi %mul3A_2, %add3A_62 : i32
    %dma_wait3A = arith.constant 0 : i32
    %dma_wait3A_64 = arith.constant 0 : i32
    %dma_wait3A_65 = tpu.memref_slice %arg2[%add3A_4, %dma_wait3A, %dma_wait3A_64] : memref<2048x4x1024xf32, #tpu.memory_space<hbm>> -> memref<4x4x1024xf32, #tpu.memory_space<hbm>>
    %dma_wait3A_66 = arith.constant 0 : i32
    %dma_wait3A_67 = arith.constant 0 : i32
    %dma_wait3A_68 = tpu.memref_slice %arg2[%add3A_4, %dma_wait3A_66, %dma_wait3A_67] : memref<2048x4x1024xf32, #tpu.memory_space<hbm>> -> memref<4x4x1024xf32, #tpu.memory_space<hbm>>
    tpu.wait_dma2 semaphore(%arg17 : memref<!tpu.dma_semaphore, #tpu.memory_space<semaphore_mem>>) src(%dma_wait3A_68 : memref<4x4x1024xf32, #tpu.memory_space<hbm>>) dst(%arg5 : memref<4x4x1024xf32, #tpu.memory_space<vmem>>)
    %dma_wait3A_69 = arith.constant 0 : i32
    %dma_wait3A_70 = tpu.memref_slice %arg3[%add3A_4, %dma_wait3A_69] : memref<2048x1024xf32, #tpu.memory_space<hbm>> -> memref<4x1024xf32, #tpu.memory_space<hbm>>
    %dma_wait3A_71 = arith.constant 0 : i32
    %dma_wait3A_72 = tpu.memref_slice %arg3[%add3A_4, %dma_wait3A_71] : memref<2048x1024xf32, #tpu.memory_space<hbm>> -> memref<4x1024xf32, #tpu.memory_space<hbm>>
    tpu.wait_dma2 semaphore(%arg17 : memref<!tpu.dma_semaphore, #tpu.memory_space<semaphore_mem>>) src(%dma_wait3A_72 : memref<4x1024xf32, #tpu.memory_space<hbm>>) dst(%arg11 : memref<4x1024xf32, #tpu.memory_space<vmem>>)
    %scan3A = arith.constant 0 : i32
    %scan3A_73 = arith.constant 0 : i32
    %scan3A_74 = arith.constant 256 : i32
    %scan3A_75 = arith.addi %scan3A_73, %scan3A_74 : i32
    %scan3A_76 = arith.constant 2 : i32
    scf.for %scan3A_672 = %scan3A_73 to %scan3A_75 step %scan3A_76  : i32 {
      %shift_right_arithmetic3A = arith.constant 6 : i32
      %shift_right_arithmetic3A_673 = arith.shrsi %scan3A_672, %shift_right_arithmetic3A : i32
      %and3A = arith.constant 63 : i32
      %and3A_674 = arith.andi %scan3A_672, %and3A : i32
      %mul3A_675 = arith.constant 16 : i32
      %mul3A_676 = arith.muli %and3A_674, %mul3A_675 : i32
      %get3A = arith.index_cast %shift_right_arithmetic3A_673 : i32 to index
      %get3A_677 = arith.index_cast %mul3A_676 : i32 to index
      %get3A_678 = tpu.vector_load %arg11[%get3A, %get3A_677] {strides = array<i32>} : memref<4x1024xf32, #tpu.memory_space<vmem>>, vector<1x16xf32>,
      %get3A_679 = vector.shape_cast %get3A_678 : vector<1x16xf32> to vector<16xf32>
      %swap3A = arith.constant 0 : i32
      %swap3A_680 = arith.index_cast %shift_right_arithmetic3A_673 : i32 to index
      %swap3A_681 = arith.index_cast %swap3A : i32 to index
      %swap3A_682 = arith.index_cast %mul3A_676 : i32 to index
      %swap3A_683 = tpu.vector_load %arg5[%swap3A_680, %swap3A_681, %swap3A_682] {strides = array<i32>} : memref<4x4x1024xf32, #tpu.memory_space<vmem>>, vector<1x1x16xf32>,
      %swap3A_684 = vector.shape_cast %swap3A_683 : vector<1x1x16xf32> to vector<16xf32>
      %swap3A_685 = vector.shape_cast %get3A_679 : vector<16xf32> to vector<1x1x16xf32>
      tpu.vector_store %arg5[%swap3A_680, %swap3A_681, %swap3A_682], %swap3A_685 {add = true, strides = array<i32>} : memref<4x4x1024xf32, #tpu.memory_space<vmem>>, vector<1x1x16xf32>,
      %swap3A_686 = arith.constant 1 : i32
      %swap3A_687 = arith.index_cast %shift_right_arithmetic3A_673 : i32 to index
      %swap3A_688 = arith.index_cast %swap3A_686 : i32 to index
      %swap3A_689 = arith.index_cast %mul3A_676 : i32 to index
      %swap3A_690 = tpu.vector_load %arg5[%swap3A_687, %swap3A_688, %swap3A_689] {strides = array<i32>} : memref<4x4x1024xf32, #tpu.memory_space<vmem>>, vector<1x1x16xf32>,
      %swap3A_691 = vector.shape_cast %swap3A_690 : vector<1x1x16xf32> to vector<16xf32>
      %swap3A_692 = vector.shape_cast %get3A_679 : vector<16xf32> to vector<1x1x16xf32>
      tpu.vector_store %arg5[%swap3A_687, %swap3A_688, %swap3A_689], %swap3A_692 {add = true, strides = array<i32>} : memref<4x4x1024xf32, #tpu.memory_space<vmem>>, vector<1x1x16xf32>,
      %swap3A_693 = arith.constant 2 : i32
      %swap3A_694 = arith.index_cast %shift_right_arithmetic3A_673 : i32 to index
      %swap3A_695 = arith.index_cast %swap3A_693 : i32 to index
      %swap3A_696 = arith.index_cast %mul3A_676 : i32 to index
      %swap3A_697 = tpu.vector_load %arg5[%swap3A_694, %swap3A_695, %swap3A_696] {strides = array<i32>} : memref<4x4x1024xf32, #tpu.memory_space<vmem>>, vector<1x1x16xf32>,
      %swap3A_698 = vector.shape_cast %swap3A_697 : vector<1x1x16xf32> to vector<16xf32>
      %swap3A_699 = vector.shape_cast %get3A_679 : vector<16xf32> to vector<1x1x16xf32>
      tpu.vector_store %arg5[%swap3A_694, %swap3A_695, %swap3A_696], %swap3A_699 {add = true, strides = array<i32>} : memref<4x4x1024xf32, #tpu.memory_space<vmem>>, vector<1x1x16xf32>,
      %swap3A_700 = arith.constant 3 : i32
      %swap3A_701 = arith.index_cast %shift_right_arithmetic3A_673 : i32 to index
      %swap3A_702 = arith.index_cast %swap3A_700 : i32 to index
      %swap3A_703 = arith.index_cast %mul3A_676 : i32 to index
      %swap3A_704 = tpu.vector_load %arg5[%swap3A_701, %swap3A_702, %swap3A_703] {strides = array<i32>} : memref<4x4x1024xf32, #tpu.memory_space<vmem>>, vector<1x1x16xf32>,
      %swap3A_705 = vector.shape_cast %swap3A_704 : vector<1x1x16xf32> to vector<16xf32>
      %swap3A_706 = vector.shape_cast %get3A_679 : vector<16xf32> to vector<1x1x16xf32>
      tpu.vector_store %arg5[%swap3A_701, %swap3A_702, %swap3A_703], %swap3A_706 {add = true, strides = array<i32>} : memref<4x4x1024xf32, #tpu.memory_space<vmem>>, vector<1x1x16xf32>,
      %scan3A_707 = arith.constant 1 : i32
      %scan3A_708 = arith.addi %scan3A_672, %scan3A_707 : i32
      %shift_right_arithmetic3A_709 = arith.constant 6 : i32
      %shift_right_arithmetic3A_710 = arith.shrsi %scan3A_708, %shift_right_arithmetic3A_709 : i32
      %and3A_711 = arith.constant 63 : i32
      %and3A_712 = arith.andi %scan3A_708, %and3A_711 : i32
      %mul3A_713 = arith.constant 16 : i32
      %mul3A_714 = arith.muli %and3A_712, %mul3A_713 : i32
      %get3A_715 = arith.index_cast %shift_right_arithmetic3A_710 : i32 to index
      %get3A_716 = arith.index_cast %mul3A_714 : i32 to index
      %get3A_717 = tpu.vector_load %arg11[%get3A_715, %get3A_716] {strides = array<i32>} : memref<4x1024xf32, #tpu.memory_space<vmem>>, vector<1x16xf32>,
      %get3A_718 = vector.shape_cast %get3A_717 : vector<1x16xf32> to vector<16xf32>
      %swap3A_719 = arith.constant 0 : i32
      %swap3A_720 = arith.index_cast %shift_right_arithmetic3A_710 : i32 to index
      %swap3A_721 = arith.index_cast %swap3A_719 : i32 to index
      %swap3A_722 = arith.index_cast %mul3A_714 : i32 to index
      %swap3A_723 = tpu.vector_load %arg5[%swap3A_720, %swap3A_721, %swap3A_722] {strides = array<i32>} : memref<4x4x1024xf32, #tpu.memory_space<vmem>>, vector<1x1x16xf32>,
      %swap3A_724 = vector.shape_cast %swap3A_723 : vector<1x1x16xf32> to vector<16xf32>
      %swap3A_725 = vector.shape_cast %get3A_718 : vector<16xf32> to vector<1x1x16xf32>
      tpu.vector_store %arg5[%swap3A_720, %swap3A_721, %swap3A_722], %swap3A_725 {add = true, strides = array<i32>} : memref<4x4x1024xf32, #tpu.memory_space<vmem>>, vector<1x1x16xf32>,
      %swap3A_726 = arith.constant 1 : i32
      %swap3A_727 = arith.index_cast %shift_right_arithmetic3A_710 : i32 to index
      %swap3A_728 = arith.index_cast %swap3A_726 : i32 to index
      %swap3A_729 = arith.index_cast %mul3A_714 : i32 to index
      %swap3A_730 = tpu.vector_load %arg5[%swap3A_727, %swap3A_728, %swap3A_729] {strides = array<i32>} : memref<4x4x1024xf32, #tpu.memory_space<vmem>>, vector<1x1x16xf32>,
      %swap3A_731 = vector.shape_cast %swap3A_730 : vector<1x1x16xf32> to vector<16xf32>
      %swap3A_732 = vector.shape_cast %get3A_718 : vector<16xf32> to vector<1x1x16xf32>
      tpu.vector_store %arg5[%swap3A_727, %swap3A_728, %swap3A_729], %swap3A_732 {add = true, strides = array<i32>} : memref<4x4x1024xf32, #tpu.memory_space<vmem>>, vector<1x1x16xf32>,
      %swap3A_733 = arith.constant 2 : i32
      %swap3A_734 = arith.index_cast %shift_right_arithmetic3A_710 : i32 to index
      %swap3A_735 = arith.index_cast %swap3A_733 : i32 to index
      %swap3A_736 = arith.index_cast %mul3A_714 : i32 to index
      %swap3A_737 = tpu.vector_load %arg5[%swap3A_734, %swap3A_735, %swap3A_736] {strides = array<i32>} : memref<4x4x1024xf32, #tpu.memory_space<vmem>>, vector<1x1x16xf32>,
      %swap3A_738 = vector.shape_cast %swap3A_737 : vector<1x1x16xf32> to vector<16xf32>
      %swap3A_739 = vector.shape_cast %get3A_718 : vector<16xf32> to vector<1x1x16xf32>
      tpu.vector_store %arg5[%swap3A_734, %swap3A_735, %swap3A_736], %swap3A_739 {add = true, strides = array<i32>} : memref<4x4x1024xf32, #tpu.memory_space<vmem>>, vector<1x1x16xf32>,
      %swap3A_740 = arith.constant 3 : i32
      %swap3A_741 = arith.index_cast %shift_right_arithmetic3A_710 : i32 to index
      %swap3A_742 = arith.index_cast %swap3A_740 : i32 to index
      %swap3A_743 = arith.index_cast %mul3A_714 : i32 to index
      %swap3A_744 = tpu.vector_load %arg5[%swap3A_741, %swap3A_742, %swap3A_743] {strides = array<i32>} : memref<4x4x1024xf32, #tpu.memory_space<vmem>>, vector<1x1x16xf32>,
      %swap3A_745 = vector.shape_cast %swap3A_744 : vector<1x1x16xf32> to vector<16xf32>
      %swap3A_746 = vector.shape_cast %get3A_718 : vector<16xf32> to vector<1x1x16xf32>
      tpu.vector_store %arg5[%swap3A_741, %swap3A_742, %swap3A_743], %swap3A_746 {add = true, strides = array<i32>} : memref<4x4x1024xf32, #tpu.memory_space<vmem>>, vector<1x1x16xf32>,
    }
    %scan3A_77 = arith.constant 256 : i32
    %dma_start3A_78 = arith.constant 0 : i32
    %dma_start3A_79 = arith.constant 0 : i32
    %dma_start3A_80 = tpu.memref_slice %arg4[%add3A_63, %dma_start3A_78, %dma_start3A_79] : memref<2048x4x1024xf32, #tpu.memory_space<hbm>> -> memref<4x4x1024xf32, #tpu.memory_space<hbm>>
    %dma_start3A_81 = arith.constant 0 : i32
    %dma_start3A_82 = arith.constant 0 : i32
    %dma_start3A_83 = tpu.memref_slice %arg4[%add3A_63, %dma_start3A_81, %dma_start3A_82] : memref<2048x4x1024xf32, #tpu.memory_space<hbm>> -> memref<4x4x1024xf32, #tpu.memory_space<hbm>>
    tpu.enqueue_dma source(%arg5 : memref<4x4x1024xf32, #tpu.memory_space<vmem>>) target(%dma_start3A_83 : memref<4x4x1024xf32, #tpu.memory_space<hbm>>) target_semaphore(%arg23 : memref<!tpu.dma_semaphore, #tpu.memory_space<semaphore_mem>>)
    %add3A_84 = arith.constant 20 : i32
    %add3A_85 = arith.addi %mul3A_2, %add3A_84 : i32
    %dma_start3A_86 = arith.constant 0 : i32
    %dma_start3A_87 = arith.constant 0 : i32
    %dma_start3A_88 = tpu.memref_slice %arg2[%add3A_85, %dma_start3A_86, %dma_start3A_87] : memref<2048x4x1024xf32, #tpu.memory_space<hbm>> -> memref<4x4x1024xf32, #tpu.memory_space<hbm>>
    %dma_start3A_89 = arith.constant 0 : i32
    %dma_start3A_90 = arith.constant 0 : i32
    %dma_start3A_91 = tpu.memref_slice %arg2[%add3A_85, %dma_start3A_89, %dma_start3A_90] : memref<2048x4x1024xf32, #tpu.memory_space<hbm>> -> memref<4x4x1024xf32, #tpu.memory_space<hbm>>
    tpu.enqueue_dma source(%dma_start3A_91 : memref<4x4x1024xf32, #tpu.memory_space<hbm>>) target(%arg10 : memref<4x4x1024xf32, #tpu.memory_space<vmem>>) target_semaphore(%arg22 : memref<!tpu.dma_semaphore, #tpu.memory_space<semaphore_mem>>)
    %dma_start3A_92 = arith.constant 0 : i32
    %dma_start3A_93 = tpu.memref_slice %arg3[%add3A_85, %dma_start3A_92] : memref<2048x1024xf32, #tpu.memory_space<hbm>> -> memref<4x1024xf32, #tpu.memory_space<hbm>>
    %dma_start3A_94 = arith.constant 0 : i32
    %dma_start3A_95 = tpu.memref_slice %arg3[%add3A_85, %dma_start3A_94] : memref<2048x1024xf32, #tpu.memory_space<hbm>> -> memref<4x1024xf32, #tpu.memory_space<hbm>>
    tpu.enqueue_dma source(%dma_start3A_95 : memref<4x1024xf32, #tpu.memory_space<hbm>>) target(%arg16 : memref<4x1024xf32, #tpu.memory_space<vmem>>) target_semaphore(%arg22 : memref<!tpu.dma_semaphore, #tpu.memory_space<semaphore_mem>>)
    %add3A_96 = arith.constant 4 : i32
    %add3A_97 = arith.addi %mul3A_2, %add3A_96 : i32
    %dma_wait3A_98 = arith.constant 0 : i32
    %dma_wait3A_99 = arith.constant 0 : i32
    %dma_wait3A_100 = tpu.memref_slice %arg2[%add3A_15, %dma_wait3A_98, %dma_wait3A_99] : memref<2048x4x1024xf32, #tpu.memory_space<hbm>> -> memref<4x4x1024xf32, #tpu.memory_space<hbm>>
    %dma_wait3A_101 = arith.constant 0 : i32
    %dma_wait3A_102 = arith.constant 0 : i32
    %dma_wait3A_103 = tpu.memref_slice %arg2[%add3A_15, %dma_wait3A_101, %dma_wait3A_102] : memref<2048x4x1024xf32, #tpu.memory_space<hbm>> -> memref<4x4x1024xf32, #tpu.memory_space<hbm>>
    tpu.wait_dma2 semaphore(%arg18 : memref<!tpu.dma_semaphore, #tpu.memory_space<semaphore_mem>>) src(%dma_wait3A_103 : memref<4x4x1024xf32, #tpu.memory_space<hbm>>) dst(%arg6 : memref<4x4x1024xf32, #tpu.memory_space<vmem>>)
    %dma_wait3A_104 = arith.constant 0 : i32
    %dma_wait3A_105 = tpu.memref_slice %arg3[%add3A_15, %dma_wait3A_104] : memref<2048x1024xf32, #tpu.memory_space<hbm>> -> memref<4x1024xf32, #tpu.memory_space<hbm>>
    %dma_wait3A_106 = arith.constant 0 : i32
    %dma_wait3A_107 = tpu.memref_slice %arg3[%add3A_15, %dma_wait3A_106] : memref<2048x1024xf32, #tpu.memory_space<hbm>> -> memref<4x1024xf32, #tpu.memory_space<hbm>>
    tpu.wait_dma2 semaphore(%arg18 : memref<!tpu.dma_semaphore, #tpu.memory_space<semaphore_mem>>) src(%dma_wait3A_107 : memref<4x1024xf32, #tpu.memory_space<hbm>>) dst(%arg12 : memref<4x1024xf32, #tpu.memory_space<vmem>>)
    %scan3A_108 = arith.constant 0 : i32
    %scan3A_109 = arith.constant 0 : i32
    %scan3A_110 = arith.constant 256 : i32
    %scan3A_111 = arith.addi %scan3A_109, %scan3A_110 : i32
    %scan3A_112 = arith.constant 2 : i32
    scf.for %scan3A_672 = %scan3A_109 to %scan3A_111 step %scan3A_112  : i32 {
      %shift_right_arithmetic3A = arith.constant 6 : i32
      %shift_right_arithmetic3A_673 = arith.shrsi %scan3A_672, %shift_right_arithmetic3A : i32
      %and3A = arith.constant 63 : i32
      %and3A_674 = arith.andi %scan3A_672, %and3A : i32
      %mul3A_675 = arith.constant 16 : i32
      %mul3A_676 = arith.muli %and3A_674, %mul3A_675 : i32
      %get3A = arith.index_cast %shift_right_arithmetic3A_673 : i32 to index
      %get3A_677 = arith.index_cast %mul3A_676 : i32 to index
      %get3A_678 = tpu.vector_load %arg12[%get3A, %get3A_677] {strides = array<i32>} : memref<4x1024xf32, #tpu.memory_space<vmem>>, vector<1x16xf32>,
      %get3A_679 = vector.shape_cast %get3A_678 : vector<1x16xf32> to vector<16xf32>
      %swap3A = arith.constant 0 : i32
      %swap3A_680 = arith.index_cast %shift_right_arithmetic3A_673 : i32 to index
      %swap3A_681 = arith.index_cast %swap3A : i32 to index
      %swap3A_682 = arith.index_cast %mul3A_676 : i32 to index
      %swap3A_683 = tpu.vector_load %arg6[%swap3A_680, %swap3A_681, %swap3A_682] {strides = array<i32>} : memref<4x4x1024xf32, #tpu.memory_space<vmem>>, vector<1x1x16xf32>,
      %swap3A_684 = vector.shape_cast %swap3A_683 : vector<1x1x16xf32> to vector<16xf32>
      %swap3A_685 = vector.shape_cast %get3A_679 : vector<16xf32> to vector<1x1x16xf32>
      tpu.vector_store %arg6[%swap3A_680, %swap3A_681, %swap3A_682], %swap3A_685 {add = true, strides = array<i32>} : memref<4x4x1024xf32, #tpu.memory_space<vmem>>, vector<1x1x16xf32>,
      %swap3A_686 = arith.constant 1 : i32
      %swap3A_687 = arith.index_cast %shift_right_arithmetic3A_673 : i32 to index
      %swap3A_688 = arith.index_cast %swap3A_686 : i32 to index
      %swap3A_689 = arith.index_cast %mul3A_676 : i32 to index
      %swap3A_690 = tpu.vector_load %arg6[%swap3A_687, %swap3A_688, %swap3A_689] {strides = array<i32>} : memref<4x4x1024xf32, #tpu.memory_space<vmem>>, vector<1x1x16xf32>,
      %swap3A_691 = vector.shape_cast %swap3A_690 : vector<1x1x16xf32> to vector<16xf32>
      %swap3A_692 = vector.shape_cast %get3A_679 : vector<16xf32> to vector<1x1x16xf32>
      tpu.vector_store %arg6[%swap3A_687, %swap3A_688, %swap3A_689], %swap3A_692 {add = true, strides = array<i32>} : memref<4x4x1024xf32, #tpu.memory_space<vmem>>, vector<1x1x16xf32>,
      %swap3A_693 = arith.constant 2 : i32
      %swap3A_694 = arith.index_cast %shift_right_arithmetic3A_673 : i32 to index
      %swap3A_695 = arith.index_cast %swap3A_693 : i32 to index
      %swap3A_696 = arith.index_cast %mul3A_676 : i32 to index
      %swap3A_697 = tpu.vector_load %arg6[%swap3A_694, %swap3A_695, %swap3A_696] {strides = array<i32>} : memref<4x4x1024xf32, #tpu.memory_space<vmem>>, vector<1x1x16xf32>,
      %swap3A_698 = vector.shape_cast %swap3A_697 : vector<1x1x16xf32> to vector<16xf32>
      %swap3A_699 = vector.shape_cast %get3A_679 : vector<16xf32> to vector<1x1x16xf32>
      tpu.vector_store %arg6[%swap3A_694, %swap3A_695, %swap3A_696], %swap3A_699 {add = true, strides = array<i32>} : memref<4x4x1024xf32, #tpu.memory_space<vmem>>, vector<1x1x16xf32>,
      %swap3A_700 = arith.constant 3 : i32
      %swap3A_701 = arith.index_cast %shift_right_arithmetic3A_673 : i32 to index
      %swap3A_702 = arith.index_cast %swap3A_700 : i32 to index
      %swap3A_703 = arith.index_cast %mul3A_676 : i32 to index
      %swap3A_704 = tpu.vector_load %arg6[%swap3A_701, %swap3A_702, %swap3A_703] {strides = array<i32>} : memref<4x4x1024xf32, #tpu.memory_space<vmem>>, vector<1x1x16xf32>,
      %swap3A_705 = vector.shape_cast %swap3A_704 : vector<1x1x16xf32> to vector<16xf32>
      %swap3A_706 = vector.shape_cast %get3A_679 : vector<16xf32> to vector<1x1x16xf32>
      tpu.vector_store %arg6[%swap3A_701, %swap3A_702, %swap3A_703], %swap3A_706 {add = true, strides = array<i32>} : memref<4x4x1024xf32, #tpu.memory_space<vmem>>, vector<1x1x16xf32>,
      %scan3A_707 = arith.constant 1 : i32
      %scan3A_708 = arith.addi %scan3A_672, %scan3A_707 : i32
      %shift_right_arithmetic3A_709 = arith.constant 6 : i32
      %shift_right_arithmetic3A_710 = arith.shrsi %scan3A_708, %shift_right_arithmetic3A_709 : i32
      %and3A_711 = arith.constant 63 : i32
      %and3A_712 = arith.andi %scan3A_708, %and3A_711 : i32
      %mul3A_713 = arith.constant 16 : i32
      %mul3A_714 = arith.muli %and3A_712, %mul3A_713 : i32
      %get3A_715 = arith.index_cast %shift_right_arithmetic3A_710 : i32 to index
      %get3A_716 = arith.index_cast %mul3A_714 : i32 to index
      %get3A_717 = tpu.vector_load %arg12[%get3A_715, %get3A_716] {strides = array<i32>} : memref<4x1024xf32, #tpu.memory_space<vmem>>, vector<1x16xf32>,
      %get3A_718 = vector.shape_cast %get3A_717 : vector<1x16xf32> to vector<16xf32>
      %swap3A_719 = arith.constant 0 : i32
      %swap3A_720 = arith.index_cast %shift_right_arithmetic3A_710 : i32 to index
      %swap3A_721 = arith.index_cast %swap3A_719 : i32 to index
      %swap3A_722 = arith.index_cast %mul3A_714 : i32 to index
      %swap3A_723 = tpu.vector_load %arg6[%swap3A_720, %swap3A_721, %swap3A_722] {strides = array<i32>} : memref<4x4x1024xf32, #tpu.memory_space<vmem>>, vector<1x1x16xf32>,
      %swap3A_724 = vector.shape_cast %swap3A_723 : vector<1x1x16xf32> to vector<16xf32>
      %swap3A_725 = vector.shape_cast %get3A_718 : vector<16xf32> to vector<1x1x16xf32>
      tpu.vector_store %arg6[%swap3A_720, %swap3A_721, %swap3A_722], %swap3A_725 {add = true, strides = array<i32>} : memref<4x4x1024xf32, #tpu.memory_space<vmem>>, vector<1x1x16xf32>,
      %swap3A_726 = arith.constant 1 : i32
      %swap3A_727 = arith.index_cast %shift_right_arithmetic3A_710 : i32 to index
      %swap3A_728 = arith.index_cast %swap3A_726 : i32 to index
      %swap3A_729 = arith.index_cast %mul3A_714 : i32 to index
      %swap3A_730 = tpu.vector_load %arg6[%swap3A_727, %swap3A_728, %swap3A_729] {strides = array<i32>} : memref<4x4x1024xf32, #tpu.memory_space<vmem>>, vector<1x1x16xf32>,
      %swap3A_731 = vector.shape_cast %swap3A_730 : vector<1x1x16xf32> to vector<16xf32>
      %swap3A_732 = vector.shape_cast %get3A_718 : vector<16xf32> to vector<1x1x16xf32>
      tpu.vector_store %arg6[%swap3A_727, %swap3A_728, %swap3A_729], %swap3A_732 {add = true, strides = array<i32>} : memref<4x4x1024xf32, #tpu.memory_space<vmem>>, vector<1x1x16xf32>,
      %swap3A_733 = arith.constant 2 : i32
      %swap3A_734 = arith.index_cast %shift_right_arithmetic3A_710 : i32 to index
      %swap3A_735 = arith.index_cast %swap3A_733 : i32 to index
      %swap3A_736 = arith.index_cast %mul3A_714 : i32 to index
      %swap3A_737 = tpu.vector_load %arg6[%swap3A_734, %swap3A_735, %swap3A_736] {strides = array<i32>} : memref<4x4x1024xf32, #tpu.memory_space<vmem>>, vector<1x1x16xf32>,
      %swap3A_738 = vector.shape_cast %swap3A_737 : vector<1x1x16xf32> to vector<16xf32>
      %swap3A_739 = vector.shape_cast %get3A_718 : vector<16xf32> to vector<1x1x16xf32>
      tpu.vector_store %arg6[%swap3A_734, %swap3A_735, %swap3A_736], %swap3A_739 {add = true, strides = array<i32>} : memref<4x4x1024xf32, #tpu.memory_space<vmem>>, vector<1x1x16xf32>,
      %swap3A_740 = arith.constant 3 : i32
      %swap3A_741 = arith.index_cast %shift_right_arithmetic3A_710 : i32 to index
      %swap3A_742 = arith.index_cast %swap3A_740 : i32 to index
      %swap3A_743 = arith.index_cast %mul3A_714 : i32 to index
      %swap3A_744 = tpu.vector_load %arg6[%swap3A_741, %swap3A_742, %swap3A_743] {strides = array<i32>} : memref<4x4x1024xf32, #tpu.memory_space<vmem>>, vector<1x1x16xf32>,
      %swap3A_745 = vector.shape_cast %swap3A_744 : vector<1x1x16xf32> to vector<16xf32>
      %swap3A_746 = vector.shape_cast %get3A_718 : vector<16xf32> to vector<1x1x16xf32>
      tpu.vector_store %arg6[%swap3A_741, %swap3A_742, %swap3A_743], %swap3A_746 {add = true, strides = array<i32>} : memref<4x4x1024xf32, #tpu.memory_space<vmem>>, vector<1x1x16xf32>,
    }
    %scan3A_113 = arith.constant 256 : i32
    %dma_start3A_114 = arith.constant 0 : i32
    %dma_start3A_115 = arith.constant 0 : i32
    %dma_start3A_116 = tpu.memref_slice %arg4[%add3A_97, %dma_start3A_114, %dma_start3A_115] : memref<2048x4x1024xf32, #tpu.memory_space<hbm>> -> memref<4x4x1024xf32, #tpu.memory_space<hbm>>
    %dma_start3A_117 = arith.constant 0 : i32
    %dma_start3A_118 = arith.constant 0 : i32
    %dma_start3A_119 = tpu.memref_slice %arg4[%add3A_97, %dma_start3A_117, %dma_start3A_118] : memref<2048x4x1024xf32, #tpu.memory_space<hbm>> -> memref<4x4x1024xf32, #tpu.memory_space<hbm>>
    tpu.enqueue_dma source(%arg6 : memref<4x4x1024xf32, #tpu.memory_space<vmem>>) target(%dma_start3A_119 : memref<4x4x1024xf32, #tpu.memory_space<hbm>>) target_semaphore(%arg24 : memref<!tpu.dma_semaphore, #tpu.memory_space<semaphore_mem>>)
    %dma_wait3A_120 = arith.constant 0 : i32
    %dma_wait3A_121 = arith.constant 0 : i32
    %dma_wait3A_122 = tpu.memref_slice %arg4[%add3A_63, %dma_wait3A_120, %dma_wait3A_121] : memref<2048x4x1024xf32, #tpu.memory_space<hbm>> -> memref<4x4x1024xf32, #tpu.memory_space<hbm>>
    %dma_wait3A_123 = arith.constant 0 : i32
    %dma_wait3A_124 = arith.constant 0 : i32
    %dma_wait3A_125 = tpu.memref_slice %arg4[%add3A_63, %dma_wait3A_123, %dma_wait3A_124] : memref<2048x4x1024xf32, #tpu.memory_space<hbm>> -> memref<4x4x1024xf32, #tpu.memory_space<hbm>>
    tpu.wait_dma2 semaphore(%arg23 : memref<!tpu.dma_semaphore, #tpu.memory_space<semaphore_mem>>) src(%arg5 : memref<4x4x1024xf32, #tpu.memory_space<vmem>>) dst(%dma_wait3A_125 : memref<4x4x1024xf32, #tpu.memory_space<hbm>>)
    %add3A_126 = arith.constant 24 : i32
    %add3A_127 = arith.addi %mul3A_2, %add3A_126 : i32
    %dma_start3A_128 = arith.constant 0 : i32
    %dma_start3A_129 = arith.constant 0 : i32
    %dma_start3A_130 = tpu.memref_slice %arg2[%add3A_127, %dma_start3A_128, %dma_start3A_129] : memref<2048x4x1024xf32, #tpu.memory_space<hbm>> -> memref<4x4x1024xf32, #tpu.memory_space<hbm>>
    %dma_start3A_131 = arith.constant 0 : i32
    %dma_start3A_132 = arith.constant 0 : i32
    %dma_start3A_133 = tpu.memref_slice %arg2[%add3A_127, %dma_start3A_131, %dma_start3A_132] : memref<2048x4x1024xf32, #tpu.memory_space<hbm>> -> memref<4x4x1024xf32, #tpu.memory_space<hbm>>
    tpu.enqueue_dma source(%dma_start3A_133 : memref<4x4x1024xf32, #tpu.memory_space<hbm>>) target(%arg5 : memref<4x4x1024xf32, #tpu.memory_space<vmem>>) target_semaphore(%arg17 : memref<!tpu.dma_semaphore, #tpu.memory_space<semaphore_mem>>)
    %dma_start3A_134 = arith.constant 0 : i32
    %dma_start3A_135 = tpu.memref_slice %arg3[%add3A_127, %dma_start3A_134] : memref<2048x1024xf32, #tpu.memory_space<hbm>> -> memref<4x1024xf32, #tpu.memory_space<hbm>>
    %dma_start3A_136 = arith.constant 0 : i32
    %dma_start3A_137 = tpu.memref_slice %arg3[%add3A_127, %dma_start3A_136] : memref<2048x1024xf32, #tpu.memory_space<hbm>> -> memref<4x1024xf32, #tpu.memory_space<hbm>>
    tpu.enqueue_dma source(%dma_start3A_137 : memref<4x1024xf32, #tpu.memory_space<hbm>>) target(%arg11 : memref<4x1024xf32, #tpu.memory_space<vmem>>) target_semaphore(%arg17 : memref<!tpu.dma_semaphore, #tpu.memory_space<semaphore_mem>>)
    %add3A_138 = arith.constant 8 : i32
    %add3A_139 = arith.addi %mul3A_2, %add3A_138 : i32
    %dma_wait3A_140 = arith.constant 0 : i32
    %dma_wait3A_141 = arith.constant 0 : i32
    %dma_wait3A_142 = tpu.memref_slice %arg2[%add3A_27, %dma_wait3A_140, %dma_wait3A_141] : memref<2048x4x1024xf32, #tpu.memory_space<hbm>> -> memref<4x4x1024xf32, #tpu.memory_space<hbm>>
    %dma_wait3A_143 = arith.constant 0 : i32
    %dma_wait3A_144 = arith.constant 0 : i32
    %dma_wait3A_145 = tpu.memref_slice %arg2[%add3A_27, %dma_wait3A_143, %dma_wait3A_144] : memref<2048x4x1024xf32, #tpu.memory_space<hbm>> -> memref<4x4x1024xf32, #tpu.memory_space<hbm>>
    tpu.wait_dma2 semaphore(%arg19 : memref<!tpu.dma_semaphore, #tpu.memory_space<semaphore_mem>>) src(%dma_wait3A_145 : memref<4x4x1024xf32, #tpu.memory_space<hbm>>) dst(%arg7 : memref<4x4x1024xf32, #tpu.memory_space<vmem>>)
    %dma_wait3A_146 = arith.constant 0 : i32
    %dma_wait3A_147 = tpu.memref_slice %arg3[%add3A_27, %dma_wait3A_146] : memref<2048x1024xf32, #tpu.memory_space<hbm>> -> memref<4x1024xf32, #tpu.memory_space<hbm>>
    %dma_wait3A_148 = arith.constant 0 : i32
    %dma_wait3A_149 = tpu.memref_slice %arg3[%add3A_27, %dma_wait3A_148] : memref<2048x1024xf32, #tpu.memory_space<hbm>> -> memref<4x1024xf32, #tpu.memory_space<hbm>>
    tpu.wait_dma2 semaphore(%arg19 : memref<!tpu.dma_semaphore, #tpu.memory_space<semaphore_mem>>) src(%dma_wait3A_149 : memref<4x1024xf32, #tpu.memory_space<hbm>>) dst(%arg13 : memref<4x1024xf32, #tpu.memory_space<vmem>>)
    %scan3A_150 = arith.constant 0 : i32
    %scan3A_151 = arith.constant 0 : i32
    %scan3A_152 = arith.constant 256 : i32
    %scan3A_153 = arith.addi %scan3A_151, %scan3A_152 : i32
    %scan3A_154 = arith.constant 2 : i32
    scf.for %scan3A_672 = %scan3A_151 to %scan3A_153 step %scan3A_154  : i32 {
      %shift_right_arithmetic3A = arith.constant 6 : i32
      %shift_right_arithmetic3A_673 = arith.shrsi %scan3A_672, %shift_right_arithmetic3A : i32
      %and3A = arith.constant 63 : i32
      %and3A_674 = arith.andi %scan3A_672, %and3A : i32
      %mul3A_675 = arith.constant 16 : i32
      %mul3A_676 = arith.muli %and3A_674, %mul3A_675 : i32
      %get3A = arith.index_cast %shift_right_arithmetic3A_673 : i32 to index
      %get3A_677 = arith.index_cast %mul3A_676 : i32 to index
      %get3A_678 = tpu.vector_load %arg13[%get3A, %get3A_677] {strides = array<i32>} : memref<4x1024xf32, #tpu.memory_space<vmem>>, vector<1x16xf32>,
      %get3A_679 = vector.shape_cast %get3A_678 : vector<1x16xf32> to vector<16xf32>
      %swap3A = arith.constant 0 : i32
      %swap3A_680 = arith.index_cast %shift_right_arithmetic3A_673 : i32 to index
      %swap3A_681 = arith.index_cast %swap3A : i32 to index
      %swap3A_682 = arith.index_cast %mul3A_676 : i32 to index
      %swap3A_683 = tpu.vector_load %arg7[%swap3A_680, %swap3A_681, %swap3A_682] {strides = array<i32>} : memref<4x4x1024xf32, #tpu.memory_space<vmem>>, vector<1x1x16xf32>,
      %swap3A_684 = vector.shape_cast %swap3A_683 : vector<1x1x16xf32> to vector<16xf32>
      %swap3A_685 = vector.shape_cast %get3A_679 : vector<16xf32> to vector<1x1x16xf32>
      tpu.vector_store %arg7[%swap3A_680, %swap3A_681, %swap3A_682], %swap3A_685 {add = true, strides = array<i32>} : memref<4x4x1024xf32, #tpu.memory_space<vmem>>, vector<1x1x16xf32>,
      %swap3A_686 = arith.constant 1 : i32
      %swap3A_687 = arith.index_cast %shift_right_arithmetic3A_673 : i32 to index
      %swap3A_688 = arith.index_cast %swap3A_686 : i32 to index
      %swap3A_689 = arith.index_cast %mul3A_676 : i32 to index
      %swap3A_690 = tpu.vector_load %arg7[%swap3A_687, %swap3A_688, %swap3A_689] {strides = array<i32>} : memref<4x4x1024xf32, #tpu.memory_space<vmem>>, vector<1x1x16xf32>,
      %swap3A_691 = vector.shape_cast %swap3A_690 : vector<1x1x16xf32> to vector<16xf32>
      %swap3A_692 = vector.shape_cast %get3A_679 : vector<16xf32> to vector<1x1x16xf32>
      tpu.vector_store %arg7[%swap3A_687, %swap3A_688, %swap3A_689], %swap3A_692 {add = true, strides = array<i32>} : memref<4x4x1024xf32, #tpu.memory_space<vmem>>, vector<1x1x16xf32>,
      %swap3A_693 = arith.constant 2 : i32
      %swap3A_694 = arith.index_cast %shift_right_arithmetic3A_673 : i32 to index
      %swap3A_695 = arith.index_cast %swap3A_693 : i32 to index
      %swap3A_696 = arith.index_cast %mul3A_676 : i32 to index
      %swap3A_697 = tpu.vector_load %arg7[%swap3A_694, %swap3A_695, %swap3A_696] {strides = array<i32>} : memref<4x4x1024xf32, #tpu.memory_space<vmem>>, vector<1x1x16xf32>,
      %swap3A_698 = vector.shape_cast %swap3A_697 : vector<1x1x16xf32> to vector<16xf32>
      %swap3A_699 = vector.shape_cast %get3A_679 : vector<16xf32> to vector<1x1x16xf32>
      tpu.vector_store %arg7[%swap3A_694, %swap3A_695, %swap3A_696], %swap3A_699 {add = true, strides = array<i32>} : memref<4x4x1024xf32, #tpu.memory_space<vmem>>, vector<1x1x16xf32>,
      %swap3A_700 = arith.constant 3 : i32
      %swap3A_701 = arith.index_cast %shift_right_arithmetic3A_673 : i32 to index
      %swap3A_702 = arith.index_cast %swap3A_700 : i32 to index
      %swap3A_703 = arith.index_cast %mul3A_676 : i32 to index
      %swap3A_704 = tpu.vector_load %arg7[%swap3A_701, %swap3A_702, %swap3A_703] {strides = array<i32>} : memref<4x4x1024xf32, #tpu.memory_space<vmem>>, vector<1x1x16xf32>,
      %swap3A_705 = vector.shape_cast %swap3A_704 : vector<1x1x16xf32> to vector<16xf32>
      %swap3A_706 = vector.shape_cast %get3A_679 : vector<16xf32> to vector<1x1x16xf32>
      tpu.vector_store %arg7[%swap3A_701, %swap3A_702, %swap3A_703], %swap3A_706 {add = true, strides = array<i32>} : memref<4x4x1024xf32, #tpu.memory_space<vmem>>, vector<1x1x16xf32>,
      %scan3A_707 = arith.constant 1 : i32
      %scan3A_708 = arith.addi %scan3A_672, %scan3A_707 : i32
      %shift_right_arithmetic3A_709 = arith.constant 6 : i32
      %shift_right_arithmetic3A_710 = arith.shrsi %scan3A_708, %shift_right_arithmetic3A_709 : i32
      %and3A_711 = arith.constant 63 : i32
      %and3A_712 = arith.andi %scan3A_708, %and3A_711 : i32
      %mul3A_713 = arith.constant 16 : i32
      %mul3A_714 = arith.muli %and3A_712, %mul3A_713 : i32
      %get3A_715 = arith.index_cast %shift_right_arithmetic3A_710 : i32 to index
      %get3A_716 = arith.index_cast %mul3A_714 : i32 to index
      %get3A_717 = tpu.vector_load %arg13[%get3A_715, %get3A_716] {strides = array<i32>} : memref<4x1024xf32, #tpu.memory_space<vmem>>, vector<1x16xf32>,
      %get3A_718 = vector.shape_cast %get3A_717 : vector<1x16xf32> to vector<16xf32>
      %swap3A_719 = arith.constant 0 : i32
      %swap3A_720 = arith.index_cast %shift_right_arithmetic3A_710 : i32 to index
      %swap3A_721 = arith.index_cast %swap3A_719 : i32 to index
      %swap3A_722 = arith.index_cast %mul3A_714 : i32 to index
      %swap3A_723 = tpu.vector_load %arg7[%swap3A_720, %swap3A_721, %swap3A_722] {strides = array<i32>} : memref<4x4x1024xf32, #tpu.memory_space<vmem>>, vector<1x1x16xf32>,
      %swap3A_724 = vector.shape_cast %swap3A_723 : vector<1x1x16xf32> to vector<16xf32>
      %swap3A_725 = vector.shape_cast %get3A_718 : vector<16xf32> to vector<1x1x16xf32>
      tpu.vector_store %arg7[%swap3A_720, %swap3A_721, %swap3A_722], %swap3A_725 {add = true, strides = array<i32>} : memref<4x4x1024xf32, #tpu.memory_space<vmem>>, vector<1x1x16xf32>,
      %swap3A_726 = arith.constant 1 : i32
      %swap3A_727 = arith.index_cast %shift_right_arithmetic3A_710 : i32 to index
      %swap3A_728 = arith.index_cast %swap3A_726 : i32 to index
      %swap3A_729 = arith.index_cast %mul3A_714 : i32 to index
      %swap3A_730 = tpu.vector_load %arg7[%swap3A_727, %swap3A_728, %swap3A_729] {strides = array<i32>} : memref<4x4x1024xf32, #tpu.memory_space<vmem>>, vector<1x1x16xf32>,
      %swap3A_731 = vector.shape_cast %swap3A_730 : vector<1x1x16xf32> to vector<16xf32>
      %swap3A_732 = vector.shape_cast %get3A_718 : vector<16xf32> to vector<1x1x16xf32>
      tpu.vector_store %arg7[%swap3A_727, %swap3A_728, %swap3A_729], %swap3A_732 {add = true, strides = array<i32>} : memref<4x4x1024xf32, #tpu.memory_space<vmem>>, vector<1x1x16xf32>,
      %swap3A_733 = arith.constant 2 : i32
      %swap3A_734 = arith.index_cast %shift_right_arithmetic3A_710 : i32 to index
      %swap3A_735 = arith.index_cast %swap3A_733 : i32 to index
      %swap3A_736 = arith.index_cast %mul3A_714 : i32 to index
      %swap3A_737 = tpu.vector_load %arg7[%swap3A_734, %swap3A_735, %swap3A_736] {strides = array<i32>} : memref<4x4x1024xf32, #tpu.memory_space<vmem>>, vector<1x1x16xf32>,
      %swap3A_738 = vector.shape_cast %swap3A_737 : vector<1x1x16xf32> to vector<16xf32>
      %swap3A_739 = vector.shape_cast %get3A_718 : vector<16xf32> to vector<1x1x16xf32>
      tpu.vector_store %arg7[%swap3A_734, %swap3A_735, %swap3A_736], %swap3A_739 {add = true, strides = array<i32>} : memref<4x4x1024xf32, #tpu.memory_space<vmem>>, vector<1x1x16xf32>,
      %swap3A_740 = arith.constant 3 : i32
      %swap3A_741 = arith.index_cast %shift_right_arithmetic3A_710 : i32 to index
      %swap3A_742 = arith.index_cast %swap3A_740 : i32 to index
      %swap3A_743 = arith.index_cast %mul3A_714 : i32 to index
      %swap3A_744 = tpu.vector_load %arg7[%swap3A_741, %swap3A_742, %swap3A_743] {strides = array<i32>} : memref<4x4x1024xf32, #tpu.memory_space<vmem>>, vector<1x1x16xf32>,
      %swap3A_745 = vector.shape_cast %swap3A_744 : vector<1x1x16xf32> to vector<16xf32>
      %swap3A_746 = vector.shape_cast %get3A_718 : vector<16xf32> to vector<1x1x16xf32>
      tpu.vector_store %arg7[%swap3A_741, %swap3A_742, %swap3A_743], %swap3A_746 {add = true, strides = array<i32>} : memref<4x4x1024xf32, #tpu.memory_space<vmem>>, vector<1x1x16xf32>,
    }
    %scan3A_155 = arith.constant 256 : i32
    %dma_start3A_156 = arith.constant 0 : i32
    %dma_start3A_157 = arith.constant 0 : i32
    %dma_start3A_158 = tpu.memref_slice %arg4[%add3A_139, %dma_start3A_156, %dma_start3A_157] : memref<2048x4x1024xf32, #tpu.memory_space<hbm>> -> memref<4x4x1024xf32, #tpu.memory_space<hbm>>
    %dma_start3A_159 = arith.constant 0 : i32
    %dma_start3A_160 = arith.constant 0 : i32
    %dma_start3A_161 = tpu.memref_slice %arg4[%add3A_139, %dma_start3A_159, %dma_start3A_160] : memref<2048x4x1024xf32, #tpu.memory_space<hbm>> -> memref<4x4x1024xf32, #tpu.memory_space<hbm>>
    tpu.enqueue_dma source(%arg7 : memref<4x4x1024xf32, #tpu.memory_space<vmem>>) target(%dma_start3A_161 : memref<4x4x1024xf32, #tpu.memory_space<hbm>>) target_semaphore(%arg25 : memref<!tpu.dma_semaphore, #tpu.memory_space<semaphore_mem>>)
    %dma_wait3A_162 = arith.constant 0 : i32
    %dma_wait3A_163 = arith.constant 0 : i32
    %dma_wait3A_164 = tpu.memref_slice %arg4[%add3A_97, %dma_wait3A_162, %dma_wait3A_163] : memref<2048x4x1024xf32, #tpu.memory_space<hbm>> -> memref<4x4x1024xf32, #tpu.memory_space<hbm>>
    %dma_wait3A_165 = arith.constant 0 : i32
    %dma_wait3A_166 = arith.constant 0 : i32
    %dma_wait3A_167 = tpu.memref_slice %arg4[%add3A_97, %dma_wait3A_165, %dma_wait3A_166] : memref<2048x4x1024xf32, #tpu.memory_space<hbm>> -> memref<4x4x1024xf32, #tpu.memory_space<hbm>>
    tpu.wait_dma2 semaphore(%arg24 : memref<!tpu.dma_semaphore, #tpu.memory_space<semaphore_mem>>) src(%arg6 : memref<4x4x1024xf32, #tpu.memory_space<vmem>>) dst(%dma_wait3A_167 : memref<4x4x1024xf32, #tpu.memory_space<hbm>>)
    %add3A_168 = arith.constant 28 : i32
    %add3A_169 = arith.addi %mul3A_2, %add3A_168 : i32
    %dma_start3A_170 = arith.constant 0 : i32
    %dma_start3A_171 = arith.constant 0 : i32
    %dma_start3A_172 = tpu.memref_slice %arg2[%add3A_169, %dma_start3A_170, %dma_start3A_171] : memref<2048x4x1024xf32, #tpu.memory_space<hbm>> -> memref<4x4x1024xf32, #tpu.memory_space<hbm>>
    %dma_start3A_173 = arith.constant 0 : i32
    %dma_start3A_174 = arith.constant 0 : i32
    %dma_start3A_175 = tpu.memref_slice %arg2[%add3A_169, %dma_start3A_173, %dma_start3A_174] : memref<2048x4x1024xf32, #tpu.memory_space<hbm>> -> memref<4x4x1024xf32, #tpu.memory_space<hbm>>
    tpu.enqueue_dma source(%dma_start3A_175 : memref<4x4x1024xf32, #tpu.memory_space<hbm>>) target(%arg6 : memref<4x4x1024xf32, #tpu.memory_space<vmem>>) target_semaphore(%arg18 : memref<!tpu.dma_semaphore, #tpu.memory_space<semaphore_mem>>)
    %dma_start3A_176 = arith.constant 0 : i32
    %dma_start3A_177 = tpu.memref_slice %arg3[%add3A_169, %dma_start3A_176] : memref<2048x1024xf32, #tpu.memory_space<hbm>> -> memref<4x1024xf32, #tpu.memory_space<hbm>>
    %dma_start3A_178 = arith.constant 0 : i32
    %dma_start3A_179 = tpu.memref_slice %arg3[%add3A_169, %dma_start3A_178] : memref<2048x1024xf32, #tpu.memory_space<hbm>> -> memref<4x1024xf32, #tpu.memory_space<hbm>>
    tpu.enqueue_dma source(%dma_start3A_179 : memref<4x1024xf32, #tpu.memory_space<hbm>>) target(%arg12 : memref<4x1024xf32, #tpu.memory_space<vmem>>) target_semaphore(%arg18 : memref<!tpu.dma_semaphore, #tpu.memory_space<semaphore_mem>>)
    %add3A_180 = arith.constant 12 : i32
    %add3A_181 = arith.addi %mul3A_2, %add3A_180 : i32
    %dma_wait3A_182 = arith.constant 0 : i32
    %dma_wait3A_183 = arith.constant 0 : i32
    %dma_wait3A_184 = tpu.memref_slice %arg2[%add3A_39, %dma_wait3A_182, %dma_wait3A_183] : memref<2048x4x1024xf32, #tpu.memory_space<hbm>> -> memref<4x4x1024xf32, #tpu.memory_space<hbm>>
    %dma_wait3A_185 = arith.constant 0 : i32
    %dma_wait3A_186 = arith.constant 0 : i32
    %dma_wait3A_187 = tpu.memref_slice %arg2[%add3A_39, %dma_wait3A_185, %dma_wait3A_186] : memref<2048x4x1024xf32, #tpu.memory_space<hbm>> -> memref<4x4x1024xf32, #tpu.memory_space<hbm>>
    tpu.wait_dma2 semaphore(%arg20 : memref<!tpu.dma_semaphore, #tpu.memory_space<semaphore_mem>>) src(%dma_wait3A_187 : memref<4x4x1024xf32, #tpu.memory_space<hbm>>) dst(%arg8 : memref<4x4x1024xf32, #tpu.memory_space<vmem>>)
    %dma_wait3A_188 = arith.constant 0 : i32
    %dma_wait3A_189 = tpu.memref_slice %arg3[%add3A_39, %dma_wait3A_188] : memref<2048x1024xf32, #tpu.memory_space<hbm>> -> memref<4x1024xf32, #tpu.memory_space<hbm>>
    %dma_wait3A_190 = arith.constant 0 : i32
    %dma_wait3A_191 = tpu.memref_slice %arg3[%add3A_39, %dma_wait3A_190] : memref<2048x1024xf32, #tpu.memory_space<hbm>> -> memref<4x1024xf32, #tpu.memory_space<hbm>>
    tpu.wait_dma2 semaphore(%arg20 : memref<!tpu.dma_semaphore, #tpu.memory_space<semaphore_mem>>) src(%dma_wait3A_191 : memref<4x1024xf32, #tpu.memory_space<hbm>>) dst(%arg14 : memref<4x1024xf32, #tpu.memory_space<vmem>>)
    %scan3A_192 = arith.constant 0 : i32
    %scan3A_193 = arith.constant 0 : i32
    %scan3A_194 = arith.constant 256 : i32
    %scan3A_195 = arith.addi %scan3A_193, %scan3A_194 : i32
    %scan3A_196 = arith.constant 2 : i32
    scf.for %scan3A_672 = %scan3A_193 to %scan3A_195 step %scan3A_196  : i32 {
      %shift_right_arithmetic3A = arith.constant 6 : i32
      %shift_right_arithmetic3A_673 = arith.shrsi %scan3A_672, %shift_right_arithmetic3A : i32
      %and3A = arith.constant 63 : i32
      %and3A_674 = arith.andi %scan3A_672, %and3A : i32
      %mul3A_675 = arith.constant 16 : i32
      %mul3A_676 = arith.muli %and3A_674, %mul3A_675 : i32
      %get3A = arith.index_cast %shift_right_arithmetic3A_673 : i32 to index
      %get3A_677 = arith.index_cast %mul3A_676 : i32 to index
      %get3A_678 = tpu.vector_load %arg14[%get3A, %get3A_677] {strides = array<i32>} : memref<4x1024xf32, #tpu.memory_space<vmem>>, vector<1x16xf32>,
      %get3A_679 = vector.shape_cast %get3A_678 : vector<1x16xf32> to vector<16xf32>
      %swap3A = arith.constant 0 : i32
      %swap3A_680 = arith.index_cast %shift_right_arithmetic3A_673 : i32 to index
      %swap3A_681 = arith.index_cast %swap3A : i32 to index
      %swap3A_682 = arith.index_cast %mul3A_676 : i32 to index
      %swap3A_683 = tpu.vector_load %arg8[%swap3A_680, %swap3A_681, %swap3A_682] {strides = array<i32>} : memref<4x4x1024xf32, #tpu.memory_space<vmem>>, vector<1x1x16xf32>,
      %swap3A_684 = vector.shape_cast %swap3A_683 : vector<1x1x16xf32> to vector<16xf32>
      %swap3A_685 = vector.shape_cast %get3A_679 : vector<16xf32> to vector<1x1x16xf32>
      tpu.vector_store %arg8[%swap3A_680, %swap3A_681, %swap3A_682], %swap3A_685 {add = true, strides = array<i32>} : memref<4x4x1024xf32, #tpu.memory_space<vmem>>, vector<1x1x16xf32>,
      %swap3A_686 = arith.constant 1 : i32
      %swap3A_687 = arith.index_cast %shift_right_arithmetic3A_673 : i32 to index
      %swap3A_688 = arith.index_cast %swap3A_686 : i32 to index
      %swap3A_689 = arith.index_cast %mul3A_676 : i32 to index
      %swap3A_690 = tpu.vector_load %arg8[%swap3A_687, %swap3A_688, %swap3A_689] {strides = array<i32>} : memref<4x4x1024xf32, #tpu.memory_space<vmem>>, vector<1x1x16xf32>,
      %swap3A_691 = vector.shape_cast %swap3A_690 : vector<1x1x16xf32> to vector<16xf32>
      %swap3A_692 = vector.shape_cast %get3A_679 : vector<16xf32> to vector<1x1x16xf32>
      tpu.vector_store %arg8[%swap3A_687, %swap3A_688, %swap3A_689], %swap3A_692 {add = true, strides = array<i32>} : memref<4x4x1024xf32, #tpu.memory_space<vmem>>, vector<1x1x16xf32>,
      %swap3A_693 = arith.constant 2 : i32
      %swap3A_694 = arith.index_cast %shift_right_arithmetic3A_673 : i32 to index
      %swap3A_695 = arith.index_cast %swap3A_693 : i32 to index
      %swap3A_696 = arith.index_cast %mul3A_676 : i32 to index
      %swap3A_697 = tpu.vector_load %arg8[%swap3A_694, %swap3A_695, %swap3A_696] {strides = array<i32>} : memref<4x4x1024xf32, #tpu.memory_space<vmem>>, vector<1x1x16xf32>,
      %swap3A_698 = vector.shape_cast %swap3A_697 : vector<1x1x16xf32> to vector<16xf32>
      %swap3A_699 = vector.shape_cast %get3A_679 : vector<16xf32> to vector<1x1x16xf32>
      tpu.vector_store %arg8[%swap3A_694, %swap3A_695, %swap3A_696], %swap3A_699 {add = true, strides = array<i32>} : memref<4x4x1024xf32, #tpu.memory_space<vmem>>, vector<1x1x16xf32>,
      %swap3A_700 = arith.constant 3 : i32
      %swap3A_701 = arith.index_cast %shift_right_arithmetic3A_673 : i32 to index
      %swap3A_702 = arith.index_cast %swap3A_700 : i32 to index
      %swap3A_703 = arith.index_cast %mul3A_676 : i32 to index
      %swap3A_704 = tpu.vector_load %arg8[%swap3A_701, %swap3A_702, %swap3A_703] {strides = array<i32>} : memref<4x4x1024xf32, #tpu.memory_space<vmem>>, vector<1x1x16xf32>,
      %swap3A_705 = vector.shape_cast %swap3A_704 : vector<1x1x16xf32> to vector<16xf32>
      %swap3A_706 = vector.shape_cast %get3A_679 : vector<16xf32> to vector<1x1x16xf32>
      tpu.vector_store %arg8[%swap3A_701, %swap3A_702, %swap3A_703], %swap3A_706 {add = true, strides = array<i32>} : memref<4x4x1024xf32, #tpu.memory_space<vmem>>, vector<1x1x16xf32>,
      %scan3A_707 = arith.constant 1 : i32
      %scan3A_708 = arith.addi %scan3A_672, %scan3A_707 : i32
      %shift_right_arithmetic3A_709 = arith.constant 6 : i32
      %shift_right_arithmetic3A_710 = arith.shrsi %scan3A_708, %shift_right_arithmetic3A_709 : i32
      %and3A_711 = arith.constant 63 : i32
      %and3A_712 = arith.andi %scan3A_708, %and3A_711 : i32
      %mul3A_713 = arith.constant 16 : i32
      %mul3A_714 = arith.muli %and3A_712, %mul3A_713 : i32
      %get3A_715 = arith.index_cast %shift_right_arithmetic3A_710 : i32 to index
      %get3A_716 = arith.index_cast %mul3A_714 : i32 to index
      %get3A_717 = tpu.vector_load %arg14[%get3A_715, %get3A_716] {strides = array<i32>} : memref<4x1024xf32, #tpu.memory_space<vmem>>, vector<1x16xf32>,
      %get3A_718 = vector.shape_cast %get3A_717 : vector<1x16xf32> to vector<16xf32>
      %swap3A_719 = arith.constant 0 : i32
      %swap3A_720 = arith.index_cast %shift_right_arithmetic3A_710 : i32 to index
      %swap3A_721 = arith.index_cast %swap3A_719 : i32 to index
      %swap3A_722 = arith.index_cast %mul3A_714 : i32 to index
      %swap3A_723 = tpu.vector_load %arg8[%swap3A_720, %swap3A_721, %swap3A_722] {strides = array<i32>} : memref<4x4x1024xf32, #tpu.memory_space<vmem>>, vector<1x1x16xf32>,
      %swap3A_724 = vector.shape_cast %swap3A_723 : vector<1x1x16xf32> to vector<16xf32>
      %swap3A_725 = vector.shape_cast %get3A_718 : vector<16xf32> to vector<1x1x16xf32>
      tpu.vector_store %arg8[%swap3A_720, %swap3A_721, %swap3A_722], %swap3A_725 {add = true, strides = array<i32>} : memref<4x4x1024xf32, #tpu.memory_space<vmem>>, vector<1x1x16xf32>,
      %swap3A_726 = arith.constant 1 : i32
      %swap3A_727 = arith.index_cast %shift_right_arithmetic3A_710 : i32 to index
      %swap3A_728 = arith.index_cast %swap3A_726 : i32 to index
      %swap3A_729 = arith.index_cast %mul3A_714 : i32 to index
      %swap3A_730 = tpu.vector_load %arg8[%swap3A_727, %swap3A_728, %swap3A_729] {strides = array<i32>} : memref<4x4x1024xf32, #tpu.memory_space<vmem>>, vector<1x1x16xf32>,
      %swap3A_731 = vector.shape_cast %swap3A_730 : vector<1x1x16xf32> to vector<16xf32>
      %swap3A_732 = vector.shape_cast %get3A_718 : vector<16xf32> to vector<1x1x16xf32>
      tpu.vector_store %arg8[%swap3A_727, %swap3A_728, %swap3A_729], %swap3A_732 {add = true, strides = array<i32>} : memref<4x4x1024xf32, #tpu.memory_space<vmem>>, vector<1x1x16xf32>,
      %swap3A_733 = arith.constant 2 : i32
      %swap3A_734 = arith.index_cast %shift_right_arithmetic3A_710 : i32 to index
      %swap3A_735 = arith.index_cast %swap3A_733 : i32 to index
      %swap3A_736 = arith.index_cast %mul3A_714 : i32 to index
      %swap3A_737 = tpu.vector_load %arg8[%swap3A_734, %swap3A_735, %swap3A_736] {strides = array<i32>} : memref<4x4x1024xf32, #tpu.memory_space<vmem>>, vector<1x1x16xf32>,
      %swap3A_738 = vector.shape_cast %swap3A_737 : vector<1x1x16xf32> to vector<16xf32>
      %swap3A_739 = vector.shape_cast %get3A_718 : vector<16xf32> to vector<1x1x16xf32>
      tpu.vector_store %arg8[%swap3A_734, %swap3A_735, %swap3A_736], %swap3A_739 {add = true, strides = array<i32>} : memref<4x4x1024xf32, #tpu.memory_space<vmem>>, vector<1x1x16xf32>,
      %swap3A_740 = arith.constant 3 : i32
      %swap3A_741 = arith.index_cast %shift_right_arithmetic3A_710 : i32 to index
      %swap3A_742 = arith.index_cast %swap3A_740 : i32 to index
      %swap3A_743 = arith.index_cast %mul3A_714 : i32 to index
      %swap3A_744 = tpu.vector_load %arg8[%swap3A_741, %swap3A_742, %swap3A_743] {strides = array<i32>} : memref<4x4x1024xf32, #tpu.memory_space<vmem>>, vector<1x1x16xf32>,
      %swap3A_745 = vector.shape_cast %swap3A_744 : vector<1x1x16xf32> to vector<16xf32>
      %swap3A_746 = vector.shape_cast %get3A_718 : vector<16xf32> to vector<1x1x16xf32>
      tpu.vector_store %arg8[%swap3A_741, %swap3A_742, %swap3A_743], %swap3A_746 {add = true, strides = array<i32>} : memref<4x4x1024xf32, #tpu.memory_space<vmem>>, vector<1x1x16xf32>,
    }
    %scan3A_197 = arith.constant 256 : i32
    %dma_start3A_198 = arith.constant 0 : i32
    %dma_start3A_199 = arith.constant 0 : i32
    %dma_start3A_200 = tpu.memref_slice %arg4[%add3A_181, %dma_start3A_198, %dma_start3A_199] : memref<2048x4x1024xf32, #tpu.memory_space<hbm>> -> memref<4x4x1024xf32, #tpu.memory_space<hbm>>
    %dma_start3A_201 = arith.constant 0 : i32
    %dma_start3A_202 = arith.constant 0 : i32
    %dma_start3A_203 = tpu.memref_slice %arg4[%add3A_181, %dma_start3A_201, %dma_start3A_202] : memref<2048x4x1024xf32, #tpu.memory_space<hbm>> -> memref<4x4x1024xf32, #tpu.memory_space<hbm>>
    tpu.enqueue_dma source(%arg8 : memref<4x4x1024xf32, #tpu.memory_space<vmem>>) target(%dma_start3A_203 : memref<4x4x1024xf32, #tpu.memory_space<hbm>>) target_semaphore(%arg26 : memref<!tpu.dma_semaphore, #tpu.memory_space<semaphore_mem>>)
    %dma_wait3A_204 = arith.constant 0 : i32
    %dma_wait3A_205 = arith.constant 0 : i32
    %dma_wait3A_206 = tpu.memref_slice %arg4[%add3A_139, %dma_wait3A_204, %dma_wait3A_205] : memref<2048x4x1024xf32, #tpu.memory_space<hbm>> -> memref<4x4x1024xf32, #tpu.memory_space<hbm>>
    %dma_wait3A_207 = arith.constant 0 : i32
    %dma_wait3A_208 = arith.constant 0 : i32
    %dma_wait3A_209 = tpu.memref_slice %arg4[%add3A_139, %dma_wait3A_207, %dma_wait3A_208] : memref<2048x4x1024xf32, #tpu.memory_space<hbm>> -> memref<4x4x1024xf32, #tpu.memory_space<hbm>>
    tpu.wait_dma2 semaphore(%arg25 : memref<!tpu.dma_semaphore, #tpu.memory_space<semaphore_mem>>) src(%arg7 : memref<4x4x1024xf32, #tpu.memory_space<vmem>>) dst(%dma_wait3A_209 : memref<4x4x1024xf32, #tpu.memory_space<hbm>>)
    %add3A_210 = arith.constant 32 : i32
    %add3A_211 = arith.addi %mul3A_2, %add3A_210 : i32
    %dma_start3A_212 = arith.constant 0 : i32
    %dma_start3A_213 = arith.constant 0 : i32
    %dma_start3A_214 = tpu.memref_slice %arg2[%add3A_211, %dma_start3A_212, %dma_start3A_213] : memref<2048x4x1024xf32, #tpu.memory_space<hbm>> -> memref<4x4x1024xf32, #tpu.memory_space<hbm>>
    %dma_start3A_215 = arith.constant 0 : i32
    %dma_start3A_216 = arith.constant 0 : i32
    %dma_start3A_217 = tpu.memref_slice %arg2[%add3A_211, %dma_start3A_215, %dma_start3A_216] : memref<2048x4x1024xf32, #tpu.memory_space<hbm>> -> memref<4x4x1024xf32, #tpu.memory_space<hbm>>
    tpu.enqueue_dma source(%dma_start3A_217 : memref<4x4x1024xf32, #tpu.memory_space<hbm>>) target(%arg7 : memref<4x4x1024xf32, #tpu.memory_space<vmem>>) target_semaphore(%arg19 : memref<!tpu.dma_semaphore, #tpu.memory_space<semaphore_mem>>)
    %dma_start3A_218 = arith.constant 0 : i32
    %dma_start3A_219 = tpu.memref_slice %arg3[%add3A_211, %dma_start3A_218] : memref<2048x1024xf32, #tpu.memory_space<hbm>> -> memref<4x1024xf32, #tpu.memory_space<hbm>>
    %dma_start3A_220 = arith.constant 0 : i32
    %dma_start3A_221 = tpu.memref_slice %arg3[%add3A_211, %dma_start3A_220] : memref<2048x1024xf32, #tpu.memory_space<hbm>> -> memref<4x1024xf32, #tpu.memory_space<hbm>>
    tpu.enqueue_dma source(%dma_start3A_221 : memref<4x1024xf32, #tpu.memory_space<hbm>>) target(%arg13 : memref<4x1024xf32, #tpu.memory_space<vmem>>) target_semaphore(%arg19 : memref<!tpu.dma_semaphore, #tpu.memory_space<semaphore_mem>>)
    %add3A_222 = arith.constant 16 : i32
    %add3A_223 = arith.addi %mul3A_2, %add3A_222 : i32
    %dma_wait3A_224 = arith.constant 0 : i32
    %dma_wait3A_225 = arith.constant 0 : i32
    %dma_wait3A_226 = tpu.memref_slice %arg2[%add3A_51, %dma_wait3A_224, %dma_wait3A_225] : memref<2048x4x1024xf32, #tpu.memory_space<hbm>> -> memref<4x4x1024xf32, #tpu.memory_space<hbm>>
    %dma_wait3A_227 = arith.constant 0 : i32
    %dma_wait3A_228 = arith.constant 0 : i32
    %dma_wait3A_229 = tpu.memref_slice %arg2[%add3A_51, %dma_wait3A_227, %dma_wait3A_228] : memref<2048x4x1024xf32, #tpu.memory_space<hbm>> -> memref<4x4x1024xf32, #tpu.memory_space<hbm>>
    tpu.wait_dma2 semaphore(%arg21 : memref<!tpu.dma_semaphore, #tpu.memory_space<semaphore_mem>>) src(%dma_wait3A_229 : memref<4x4x1024xf32, #tpu.memory_space<hbm>>) dst(%arg9 : memref<4x4x1024xf32, #tpu.memory_space<vmem>>)
    %dma_wait3A_230 = arith.constant 0 : i32
    %dma_wait3A_231 = tpu.memref_slice %arg3[%add3A_51, %dma_wait3A_230] : memref<2048x1024xf32, #tpu.memory_space<hbm>> -> memref<4x1024xf32, #tpu.memory_space<hbm>>
    %dma_wait3A_232 = arith.constant 0 : i32
    %dma_wait3A_233 = tpu.memref_slice %arg3[%add3A_51, %dma_wait3A_232] : memref<2048x1024xf32, #tpu.memory_space<hbm>> -> memref<4x1024xf32, #tpu.memory_space<hbm>>
    tpu.wait_dma2 semaphore(%arg21 : memref<!tpu.dma_semaphore, #tpu.memory_space<semaphore_mem>>) src(%dma_wait3A_233 : memref<4x1024xf32, #tpu.memory_space<hbm>>) dst(%arg15 : memref<4x1024xf32, #tpu.memory_space<vmem>>)
    %scan3A_234 = arith.constant 0 : i32
    %scan3A_235 = arith.constant 0 : i32
    %scan3A_236 = arith.constant 256 : i32
    %scan3A_237 = arith.addi %scan3A_235, %scan3A_236 : i32
    %scan3A_238 = arith.constant 2 : i32
    scf.for %scan3A_672 = %scan3A_235 to %scan3A_237 step %scan3A_238  : i32 {
      %shift_right_arithmetic3A = arith.constant 6 : i32
      %shift_right_arithmetic3A_673 = arith.shrsi %scan3A_672, %shift_right_arithmetic3A : i32
      %and3A = arith.constant 63 : i32
      %and3A_674 = arith.andi %scan3A_672, %and3A : i32
      %mul3A_675 = arith.constant 16 : i32
      %mul3A_676 = arith.muli %and3A_674, %mul3A_675 : i32
      %get3A = arith.index_cast %shift_right_arithmetic3A_673 : i32 to index
      %get3A_677 = arith.index_cast %mul3A_676 : i32 to index
      %get3A_678 = tpu.vector_load %arg15[%get3A, %get3A_677] {strides = array<i32>} : memref<4x1024xf32, #tpu.memory_space<vmem>>, vector<1x16xf32>,
      %get3A_679 = vector.shape_cast %get3A_678 : vector<1x16xf32> to vector<16xf32>
      %swap3A = arith.constant 0 : i32
      %swap3A_680 = arith.index_cast %shift_right_arithmetic3A_673 : i32 to index
      %swap3A_681 = arith.index_cast %swap3A : i32 to index
      %swap3A_682 = arith.index_cast %mul3A_676 : i32 to index
      %swap3A_683 = tpu.vector_load %arg9[%swap3A_680, %swap3A_681, %swap3A_682] {strides = array<i32>} : memref<4x4x1024xf32, #tpu.memory_space<vmem>>, vector<1x1x16xf32>,
      %swap3A_684 = vector.shape_cast %swap3A_683 : vector<1x1x16xf32> to vector<16xf32>
      %swap3A_685 = vector.shape_cast %get3A_679 : vector<16xf32> to vector<1x1x16xf32>
      tpu.vector_store %arg9[%swap3A_680, %swap3A_681, %swap3A_682], %swap3A_685 {add = true, strides = array<i32>} : memref<4x4x1024xf32, #tpu.memory_space<vmem>>, vector<1x1x16xf32>,
      %swap3A_686 = arith.constant 1 : i32
      %swap3A_687 = arith.index_cast %shift_right_arithmetic3A_673 : i32 to index
      %swap3A_688 = arith.index_cast %swap3A_686 : i32 to index
      %swap3A_689 = arith.index_cast %mul3A_676 : i32 to index
      %swap3A_690 = tpu.vector_load %arg9[%swap3A_687, %swap3A_688, %swap3A_689] {strides = array<i32>} : memref<4x4x1024xf32, #tpu.memory_space<vmem>>, vector<1x1x16xf32>,
      %swap3A_691 = vector.shape_cast %swap3A_690 : vector<1x1x16xf32> to vector<16xf32>
      %swap3A_692 = vector.shape_cast %get3A_679 : vector<16xf32> to vector<1x1x16xf32>
      tpu.vector_store %arg9[%swap3A_687, %swap3A_688, %swap3A_689], %swap3A_692 {add = true, strides = array<i32>} : memref<4x4x1024xf32, #tpu.memory_space<vmem>>, vector<1x1x16xf32>,
      %swap3A_693 = arith.constant 2 : i32
      %swap3A_694 = arith.index_cast %shift_right_arithmetic3A_673 : i32 to index
      %swap3A_695 = arith.index_cast %swap3A_693 : i32 to index
      %swap3A_696 = arith.index_cast %mul3A_676 : i32 to index
      %swap3A_697 = tpu.vector_load %arg9[%swap3A_694, %swap3A_695, %swap3A_696] {strides = array<i32>} : memref<4x4x1024xf32, #tpu.memory_space<vmem>>, vector<1x1x16xf32>,
      %swap3A_698 = vector.shape_cast %swap3A_697 : vector<1x1x16xf32> to vector<16xf32>
      %swap3A_699 = vector.shape_cast %get3A_679 : vector<16xf32> to vector<1x1x16xf32>
      tpu.vector_store %arg9[%swap3A_694, %swap3A_695, %swap3A_696], %swap3A_699 {add = true, strides = array<i32>} : memref<4x4x1024xf32, #tpu.memory_space<vmem>>, vector<1x1x16xf32>,
      %swap3A_700 = arith.constant 3 : i32
      %swap3A_701 = arith.index_cast %shift_right_arithmetic3A_673 : i32 to index
      %swap3A_702 = arith.index_cast %swap3A_700 : i32 to index
      %swap3A_703 = arith.index_cast %mul3A_676 : i32 to index
      %swap3A_704 = tpu.vector_load %arg9[%swap3A_701, %swap3A_702, %swap3A_703] {strides = array<i32>} : memref<4x4x1024xf32, #tpu.memory_space<vmem>>, vector<1x1x16xf32>,
      %swap3A_705 = vector.shape_cast %swap3A_704 : vector<1x1x16xf32> to vector<16xf32>
      %swap3A_706 = vector.shape_cast %get3A_679 : vector<16xf32> to vector<1x1x16xf32>
      tpu.vector_store %arg9[%swap3A_701, %swap3A_702, %swap3A_703], %swap3A_706 {add = true, strides = array<i32>} : memref<4x4x1024xf32, #tpu.memory_space<vmem>>, vector<1x1x16xf32>,
      %scan3A_707 = arith.constant 1 : i32
      %scan3A_708 = arith.addi %scan3A_672, %scan3A_707 : i32
      %shift_right_arithmetic3A_709 = arith.constant 6 : i32
      %shift_right_arithmetic3A_710 = arith.shrsi %scan3A_708, %shift_right_arithmetic3A_709 : i32
      %and3A_711 = arith.constant 63 : i32
      %and3A_712 = arith.andi %scan3A_708, %and3A_711 : i32
      %mul3A_713 = arith.constant 16 : i32
      %mul3A_714 = arith.muli %and3A_712, %mul3A_713 : i32
      %get3A_715 = arith.index_cast %shift_right_arithmetic3A_710 : i32 to index
      %get3A_716 = arith.index_cast %mul3A_714 : i32 to index
      %get3A_717 = tpu.vector_load %arg15[%get3A_715, %get3A_716] {strides = array<i32>} : memref<4x1024xf32, #tpu.memory_space<vmem>>, vector<1x16xf32>,
      %get3A_718 = vector.shape_cast %get3A_717 : vector<1x16xf32> to vector<16xf32>
      %swap3A_719 = arith.constant 0 : i32
      %swap3A_720 = arith.index_cast %shift_right_arithmetic3A_710 : i32 to index
      %swap3A_721 = arith.index_cast %swap3A_719 : i32 to index
      %swap3A_722 = arith.index_cast %mul3A_714 : i32 to index
      %swap3A_723 = tpu.vector_load %arg9[%swap3A_720, %swap3A_721, %swap3A_722] {strides = array<i32>} : memref<4x4x1024xf32, #tpu.memory_space<vmem>>, vector<1x1x16xf32>,
      %swap3A_724 = vector.shape_cast %swap3A_723 : vector<1x1x16xf32> to vector<16xf32>
      %swap3A_725 = vector.shape_cast %get3A_718 : vector<16xf32> to vector<1x1x16xf32>
      tpu.vector_store %arg9[%swap3A_720, %swap3A_721, %swap3A_722], %swap3A_725 {add = true, strides = array<i32>} : memref<4x4x1024xf32, #tpu.memory_space<vmem>>, vector<1x1x16xf32>,
      %swap3A_726 = arith.constant 1 : i32
      %swap3A_727 = arith.index_cast %shift_right_arithmetic3A_710 : i32 to index
      %swap3A_728 = arith.index_cast %swap3A_726 : i32 to index
      %swap3A_729 = arith.index_cast %mul3A_714 : i32 to index
      %swap3A_730 = tpu.vector_load %arg9[%swap3A_727, %swap3A_728, %swap3A_729] {strides = array<i32>} : memref<4x4x1024xf32, #tpu.memory_space<vmem>>, vector<1x1x16xf32>,
      %swap3A_731 = vector.shape_cast %swap3A_730 : vector<1x1x16xf32> to vector<16xf32>
      %swap3A_732 = vector.shape_cast %get3A_718 : vector<16xf32> to vector<1x1x16xf32>
      tpu.vector_store %arg9[%swap3A_727, %swap3A_728, %swap3A_729], %swap3A_732 {add = true, strides = array<i32>} : memref<4x4x1024xf32, #tpu.memory_space<vmem>>, vector<1x1x16xf32>,
      %swap3A_733 = arith.constant 2 : i32
      %swap3A_734 = arith.index_cast %shift_right_arithmetic3A_710 : i32 to index
      %swap3A_735 = arith.index_cast %swap3A_733 : i32 to index
      %swap3A_736 = arith.index_cast %mul3A_714 : i32 to index
      %swap3A_737 = tpu.vector_load %arg9[%swap3A_734, %swap3A_735, %swap3A_736] {strides = array<i32>} : memref<4x4x1024xf32, #tpu.memory_space<vmem>>, vector<1x1x16xf32>,
      %swap3A_738 = vector.shape_cast %swap3A_737 : vector<1x1x16xf32> to vector<16xf32>
      %swap3A_739 = vector.shape_cast %get3A_718 : vector<16xf32> to vector<1x1x16xf32>
      tpu.vector_store %arg9[%swap3A_734, %swap3A_735, %swap3A_736], %swap3A_739 {add = true, strides = array<i32>} : memref<4x4x1024xf32, #tpu.memory_space<vmem>>, vector<1x1x16xf32>,
      %swap3A_740 = arith.constant 3 : i32
      %swap3A_741 = arith.index_cast %shift_right_arithmetic3A_710 : i32 to index
      %swap3A_742 = arith.index_cast %swap3A_740 : i32 to index
      %swap3A_743 = arith.index_cast %mul3A_714 : i32 to index
      %swap3A_744 = tpu.vector_load %arg9[%swap3A_741, %swap3A_742, %swap3A_743] {strides = array<i32>} : memref<4x4x1024xf32, #tpu.memory_space<vmem>>, vector<1x1x16xf32>,
      %swap3A_745 = vector.shape_cast %swap3A_744 : vector<1x1x16xf32> to vector<16xf32>
      %swap3A_746 = vector.shape_cast %get3A_718 : vector<16xf32> to vector<1x1x16xf32>
      tpu.vector_store %arg9[%swap3A_741, %swap3A_742, %swap3A_743], %swap3A_746 {add = true, strides = array<i32>} : memref<4x4x1024xf32, #tpu.memory_space<vmem>>, vector<1x1x16xf32>,
    }
    %scan3A_239 = arith.constant 256 : i32
    %dma_start3A_240 = arith.constant 0 : i32
    %dma_start3A_241 = arith.constant 0 : i32
    %dma_start3A_242 = tpu.memref_slice %arg4[%add3A_223, %dma_start3A_240, %dma_start3A_241] : memref<2048x4x1024xf32, #tpu.memory_space<hbm>> -> memref<4x4x1024xf32, #tpu.memory_space<hbm>>
    %dma_start3A_243 = arith.constant 0 : i32
    %dma_start3A_244 = arith.constant 0 : i32
    %dma_start3A_245 = tpu.memref_slice %arg4[%add3A_223, %dma_start3A_243, %dma_start3A_244] : memref<2048x4x1024xf32, #tpu.memory_space<hbm>> -> memref<4x4x1024xf32, #tpu.memory_space<hbm>>
    tpu.enqueue_dma source(%arg9 : memref<4x4x1024xf32, #tpu.memory_space<vmem>>) target(%dma_start3A_245 : memref<4x4x1024xf32, #tpu.memory_space<hbm>>) target_semaphore(%arg27 : memref<!tpu.dma_semaphore, #tpu.memory_space<semaphore_mem>>)
    %dma_wait3A_246 = arith.constant 0 : i32
    %dma_wait3A_247 = arith.constant 0 : i32
    %dma_wait3A_248 = tpu.memref_slice %arg4[%add3A_181, %dma_wait3A_246, %dma_wait3A_247] : memref<2048x4x1024xf32, #tpu.memory_space<hbm>> -> memref<4x4x1024xf32, #tpu.memory_space<hbm>>
    %dma_wait3A_249 = arith.constant 0 : i32
    %dma_wait3A_250 = arith.constant 0 : i32
    %dma_wait3A_251 = tpu.memref_slice %arg4[%add3A_181, %dma_wait3A_249, %dma_wait3A_250] : memref<2048x4x1024xf32, #tpu.memory_space<hbm>> -> memref<4x4x1024xf32, #tpu.memory_space<hbm>>
    tpu.wait_dma2 semaphore(%arg26 : memref<!tpu.dma_semaphore, #tpu.memory_space<semaphore_mem>>) src(%arg8 : memref<4x4x1024xf32, #tpu.memory_space<vmem>>) dst(%dma_wait3A_251 : memref<4x4x1024xf32, #tpu.memory_space<hbm>>)
    %add3A_252 = arith.constant 36 : i32
    %add3A_253 = arith.addi %mul3A_2, %add3A_252 : i32
    %dma_start3A_254 = arith.constant 0 : i32
    %dma_start3A_255 = arith.constant 0 : i32
    %dma_start3A_256 = tpu.memref_slice %arg2[%add3A_253, %dma_start3A_254, %dma_start3A_255] : memref<2048x4x1024xf32, #tpu.memory_space<hbm>> -> memref<4x4x1024xf32, #tpu.memory_space<hbm>>
    %dma_start3A_257 = arith.constant 0 : i32
    %dma_start3A_258 = arith.constant 0 : i32
    %dma_start3A_259 = tpu.memref_slice %arg2[%add3A_253, %dma_start3A_257, %dma_start3A_258] : memref<2048x4x1024xf32, #tpu.memory_space<hbm>> -> memref<4x4x1024xf32, #tpu.memory_space<hbm>>
    tpu.enqueue_dma source(%dma_start3A_259 : memref<4x4x1024xf32, #tpu.memory_space<hbm>>) target(%arg8 : memref<4x4x1024xf32, #tpu.memory_space<vmem>>) target_semaphore(%arg20 : memref<!tpu.dma_semaphore, #tpu.memory_space<semaphore_mem>>)
    %dma_start3A_260 = arith.constant 0 : i32
    %dma_start3A_261 = tpu.memref_slice %arg3[%add3A_253, %dma_start3A_260] : memref<2048x1024xf32, #tpu.memory_space<hbm>> -> memref<4x1024xf32, #tpu.memory_space<hbm>>
    %dma_start3A_262 = arith.constant 0 : i32
    %dma_start3A_263 = tpu.memref_slice %arg3[%add3A_253, %dma_start3A_262] : memref<2048x1024xf32, #tpu.memory_space<hbm>> -> memref<4x1024xf32, #tpu.memory_space<hbm>>
    tpu.enqueue_dma source(%dma_start3A_263 : memref<4x1024xf32, #tpu.memory_space<hbm>>) target(%arg14 : memref<4x1024xf32, #tpu.memory_space<vmem>>) target_semaphore(%arg20 : memref<!tpu.dma_semaphore, #tpu.memory_space<semaphore_mem>>)
    %add3A_264 = arith.constant 20 : i32
    %add3A_265 = arith.addi %mul3A_2, %add3A_264 : i32
    %dma_wait3A_266 = arith.constant 0 : i32
    %dma_wait3A_267 = arith.constant 0 : i32
    %dma_wait3A_268 = tpu.memref_slice %arg2[%add3A_85, %dma_wait3A_266, %dma_wait3A_267] : memref<2048x4x1024xf32, #tpu.memory_space<hbm>> -> memref<4x4x1024xf32, #tpu.memory_space<hbm>>
    %dma_wait3A_269 = arith.constant 0 : i32
    %dma_wait3A_270 = arith.constant 0 : i32
    %dma_wait3A_271 = tpu.memref_slice %arg2[%add3A_85, %dma_wait3A_269, %dma_wait3A_270] : memref<2048x4x1024xf32, #tpu.memory_space<hbm>> -> memref<4x4x1024xf32, #tpu.memory_space<hbm>>
    tpu.wait_dma2 semaphore(%arg22 : memref<!tpu.dma_semaphore, #tpu.memory_space<semaphore_mem>>) src(%dma_wait3A_271 : memref<4x4x1024xf32, #tpu.memory_space<hbm>>) dst(%arg10 : memref<4x4x1024xf32, #tpu.memory_space<vmem>>)
    %dma_wait3A_272 = arith.constant 0 : i32
    %dma_wait3A_273 = tpu.memref_slice %arg3[%add3A_85, %dma_wait3A_272] : memref<2048x1024xf32, #tpu.memory_space<hbm>> -> memref<4x1024xf32, #tpu.memory_space<hbm>>
    %dma_wait3A_274 = arith.constant 0 : i32
    %dma_wait3A_275 = tpu.memref_slice %arg3[%add3A_85, %dma_wait3A_274] : memref<2048x1024xf32, #tpu.memory_space<hbm>> -> memref<4x1024xf32, #tpu.memory_space<hbm>>
    tpu.wait_dma2 semaphore(%arg22 : memref<!tpu.dma_semaphore, #tpu.memory_space<semaphore_mem>>) src(%dma_wait3A_275 : memref<4x1024xf32, #tpu.memory_space<hbm>>) dst(%arg16 : memref<4x1024xf32, #tpu.memory_space<vmem>>)
    %scan3A_276 = arith.constant 0 : i32
    %scan3A_277 = arith.constant 0 : i32
    %scan3A_278 = arith.constant 256 : i32
    %scan3A_279 = arith.addi %scan3A_277, %scan3A_278 : i32
    %scan3A_280 = arith.constant 2 : i32
    scf.for %scan3A_672 = %scan3A_277 to %scan3A_279 step %scan3A_280  : i32 {
      %shift_right_arithmetic3A = arith.constant 6 : i32
      %shift_right_arithmetic3A_673 = arith.shrsi %scan3A_672, %shift_right_arithmetic3A : i32
      %and3A = arith.constant 63 : i32
      %and3A_674 = arith.andi %scan3A_672, %and3A : i32
      %mul3A_675 = arith.constant 16 : i32
      %mul3A_676 = arith.muli %and3A_674, %mul3A_675 : i32
      %get3A = arith.index_cast %shift_right_arithmetic3A_673 : i32 to index
      %get3A_677 = arith.index_cast %mul3A_676 : i32 to index
      %get3A_678 = tpu.vector_load %arg16[%get3A, %get3A_677] {strides = array<i32>} : memref<4x1024xf32, #tpu.memory_space<vmem>>, vector<1x16xf32>,
      %get3A_679 = vector.shape_cast %get3A_678 : vector<1x16xf32> to vector<16xf32>
      %swap3A = arith.constant 0 : i32
      %swap3A_680 = arith.index_cast %shift_right_arithmetic3A_673 : i32 to index
      %swap3A_681 = arith.index_cast %swap3A : i32 to index
      %swap3A_682 = arith.index_cast %mul3A_676 : i32 to index
      %swap3A_683 = tpu.vector_load %arg10[%swap3A_680, %swap3A_681, %swap3A_682] {strides = array<i32>} : memref<4x4x1024xf32, #tpu.memory_space<vmem>>, vector<1x1x16xf32>,
      %swap3A_684 = vector.shape_cast %swap3A_683 : vector<1x1x16xf32> to vector<16xf32>
      %swap3A_685 = vector.shape_cast %get3A_679 : vector<16xf32> to vector<1x1x16xf32>
      tpu.vector_store %arg10[%swap3A_680, %swap3A_681, %swap3A_682], %swap3A_685 {add = true, strides = array<i32>} : memref<4x4x1024xf32, #tpu.memory_space<vmem>>, vector<1x1x16xf32>,
      %swap3A_686 = arith.constant 1 : i32
      %swap3A_687 = arith.index_cast %shift_right_arithmetic3A_673 : i32 to index
      %swap3A_688 = arith.index_cast %swap3A_686 : i32 to index
      %swap3A_689 = arith.index_cast %mul3A_676 : i32 to index
      %swap3A_690 = tpu.vector_load %arg10[%swap3A_687, %swap3A_688, %swap3A_689] {strides = array<i32>} : memref<4x4x1024xf32, #tpu.memory_space<vmem>>, vector<1x1x16xf32>,
      %swap3A_691 = vector.shape_cast %swap3A_690 : vector<1x1x16xf32> to vector<16xf32>
      %swap3A_692 = vector.shape_cast %get3A_679 : vector<16xf32> to vector<1x1x16xf32>
      tpu.vector_store %arg10[%swap3A_687, %swap3A_688, %swap3A_689], %swap3A_692 {add = true, strides = array<i32>} : memref<4x4x1024xf32, #tpu.memory_space<vmem>>, vector<1x1x16xf32>,
      %swap3A_693 = arith.constant 2 : i32
      %swap3A_694 = arith.index_cast %shift_right_arithmetic3A_673 : i32 to index
      %swap3A_695 = arith.index_cast %swap3A_693 : i32 to index
      %swap3A_696 = arith.index_cast %mul3A_676 : i32 to index
      %swap3A_697 = tpu.vector_load %arg10[%swap3A_694, %swap3A_695, %swap3A_696] {strides = array<i32>} : memref<4x4x1024xf32, #tpu.memory_space<vmem>>, vector<1x1x16xf32>,
      %swap3A_698 = vector.shape_cast %swap3A_697 : vector<1x1x16xf32> to vector<16xf32>
      %swap3A_699 = vector.shape_cast %get3A_679 : vector<16xf32> to vector<1x1x16xf32>
      tpu.vector_store %arg10[%swap3A_694, %swap3A_695, %swap3A_696], %swap3A_699 {add = true, strides = array<i32>} : memref<4x4x1024xf32, #tpu.memory_space<vmem>>, vector<1x1x16xf32>,
      %swap3A_700 = arith.constant 3 : i32
      %swap3A_701 = arith.index_cast %shift_right_arithmetic3A_673 : i32 to index
      %swap3A_702 = arith.index_cast %swap3A_700 : i32 to index
      %swap3A_703 = arith.index_cast %mul3A_676 : i32 to index
      %swap3A_704 = tpu.vector_load %arg10[%swap3A_701, %swap3A_702, %swap3A_703] {strides = array<i32>} : memref<4x4x1024xf32, #tpu.memory_space<vmem>>, vector<1x1x16xf32>,
      %swap3A_705 = vector.shape_cast %swap3A_704 : vector<1x1x16xf32> to vector<16xf32>
      %swap3A_706 = vector.shape_cast %get3A_679 : vector<16xf32> to vector<1x1x16xf32>
      tpu.vector_store %arg10[%swap3A_701, %swap3A_702, %swap3A_703], %swap3A_706 {add = true, strides = array<i32>} : memref<4x4x1024xf32, #tpu.memory_space<vmem>>, vector<1x1x16xf32>,
      %scan3A_707 = arith.constant 1 : i32
      %scan3A_708 = arith.addi %scan3A_672, %scan3A_707 : i32
      %shift_right_arithmetic3A_709 = arith.constant 6 : i32
      %shift_right_arithmetic3A_710 = arith.shrsi %scan3A_708, %shift_right_arithmetic3A_709 : i32
      %and3A_711 = arith.constant 63 : i32
      %and3A_712 = arith.andi %scan3A_708, %and3A_711 : i32
      %mul3A_713 = arith.constant 16 : i32
      %mul3A_714 = arith.muli %and3A_712, %mul3A_713 : i32
      %get3A_715 = arith.index_cast %shift_right_arithmetic3A_710 : i32 to index
      %get3A_716 = arith.index_cast %mul3A_714 : i32 to index
      %get3A_717 = tpu.vector_load %arg16[%get3A_715, %get3A_716] {strides = array<i32>} : memref<4x1024xf32, #tpu.memory_space<vmem>>, vector<1x16xf32>,
      %get3A_718 = vector.shape_cast %get3A_717 : vector<1x16xf32> to vector<16xf32>
      %swap3A_719 = arith.constant 0 : i32
      %swap3A_720 = arith.index_cast %shift_right_arithmetic3A_710 : i32 to index
      %swap3A_721 = arith.index_cast %swap3A_719 : i32 to index
      %swap3A_722 = arith.index_cast %mul3A_714 : i32 to index
      %swap3A_723 = tpu.vector_load %arg10[%swap3A_720, %swap3A_721, %swap3A_722] {strides = array<i32>} : memref<4x4x1024xf32, #tpu.memory_space<vmem>>, vector<1x1x16xf32>,
      %swap3A_724 = vector.shape_cast %swap3A_723 : vector<1x1x16xf32> to vector<16xf32>
      %swap3A_725 = vector.shape_cast %get3A_718 : vector<16xf32> to vector<1x1x16xf32>
      tpu.vector_store %arg10[%swap3A_720, %swap3A_721, %swap3A_722], %swap3A_725 {add = true, strides = array<i32>} : memref<4x4x1024xf32, #tpu.memory_space<vmem>>, vector<1x1x16xf32>,
      %swap3A_726 = arith.constant 1 : i32
      %swap3A_727 = arith.index_cast %shift_right_arithmetic3A_710 : i32 to index
      %swap3A_728 = arith.index_cast %swap3A_726 : i32 to index
      %swap3A_729 = arith.index_cast %mul3A_714 : i32 to index
      %swap3A_730 = tpu.vector_load %arg10[%swap3A_727, %swap3A_728, %swap3A_729] {strides = array<i32>} : memref<4x4x1024xf32, #tpu.memory_space<vmem>>, vector<1x1x16xf32>,
      %swap3A_731 = vector.shape_cast %swap3A_730 : vector<1x1x16xf32> to vector<16xf32>
      %swap3A_732 = vector.shape_cast %get3A_718 : vector<16xf32> to vector<1x1x16xf32>
      tpu.vector_store %arg10[%swap3A_727, %swap3A_728, %swap3A_729], %swap3A_732 {add = true, strides = array<i32>} : memref<4x4x1024xf32, #tpu.memory_space<vmem>>, vector<1x1x16xf32>,
      %swap3A_733 = arith.constant 2 : i32
      %swap3A_734 = arith.index_cast %shift_right_arithmetic3A_710 : i32 to index
      %swap3A_735 = arith.index_cast %swap3A_733 : i32 to index
      %swap3A_736 = arith.index_cast %mul3A_714 : i32 to index
      %swap3A_737 = tpu.vector_load %arg10[%swap3A_734, %swap3A_735, %swap3A_736] {strides = array<i32>} : memref<4x4x1024xf32, #tpu.memory_space<vmem>>, vector<1x1x16xf32>,
      %swap3A_738 = vector.shape_cast %swap3A_737 : vector<1x1x16xf32> to vector<16xf32>
      %swap3A_739 = vector.shape_cast %get3A_718 : vector<16xf32> to vector<1x1x16xf32>
      tpu.vector_store %arg10[%swap3A_734, %swap3A_735, %swap3A_736], %swap3A_739 {add = true, strides = array<i32>} : memref<4x4x1024xf32, #tpu.memory_space<vmem>>, vector<1x1x16xf32>,
      %swap3A_740 = arith.constant 3 : i32
      %swap3A_741 = arith.index_cast %shift_right_arithmetic3A_710 : i32 to index
      %swap3A_742 = arith.index_cast %swap3A_740 : i32 to index
      %swap3A_743 = arith.index_cast %mul3A_714 : i32 to index
      %swap3A_744 = tpu.vector_load %arg10[%swap3A_741, %swap3A_742, %swap3A_743] {strides = array<i32>} : memref<4x4x1024xf32, #tpu.memory_space<vmem>>, vector<1x1x16xf32>,
      %swap3A_745 = vector.shape_cast %swap3A_744 : vector<1x1x16xf32> to vector<16xf32>
      %swap3A_746 = vector.shape_cast %get3A_718 : vector<16xf32> to vector<1x1x16xf32>
      tpu.vector_store %arg10[%swap3A_741, %swap3A_742, %swap3A_743], %swap3A_746 {add = true, strides = array<i32>} : memref<4x4x1024xf32, #tpu.memory_space<vmem>>, vector<1x1x16xf32>,
    }
    %scan3A_281 = arith.constant 256 : i32
    %dma_start3A_282 = arith.constant 0 : i32
    %dma_start3A_283 = arith.constant 0 : i32
    %dma_start3A_284 = tpu.memref_slice %arg4[%add3A_265, %dma_start3A_282, %dma_start3A_283] : memref<2048x4x1024xf32, #tpu.memory_space<hbm>> -> memref<4x4x1024xf32, #tpu.memory_space<hbm>>
    %dma_start3A_285 = arith.constant 0 : i32
    %dma_start3A_286 = arith.constant 0 : i32
    %dma_start3A_287 = tpu.memref_slice %arg4[%add3A_265, %dma_start3A_285, %dma_start3A_286] : memref<2048x4x1024xf32, #tpu.memory_space<hbm>> -> memref<4x4x1024xf32, #tpu.memory_space<hbm>>
    tpu.enqueue_dma source(%arg10 : memref<4x4x1024xf32, #tpu.memory_space<vmem>>) target(%dma_start3A_287 : memref<4x4x1024xf32, #tpu.memory_space<hbm>>) target_semaphore(%arg28 : memref<!tpu.dma_semaphore, #tpu.memory_space<semaphore_mem>>)
    %dma_wait3A_288 = arith.constant 0 : i32
    %dma_wait3A_289 = arith.constant 0 : i32
    %dma_wait3A_290 = tpu.memref_slice %arg4[%add3A_223, %dma_wait3A_288, %dma_wait3A_289] : memref<2048x4x1024xf32, #tpu.memory_space<hbm>> -> memref<4x4x1024xf32, #tpu.memory_space<hbm>>
    %dma_wait3A_291 = arith.constant 0 : i32
    %dma_wait3A_292 = arith.constant 0 : i32
    %dma_wait3A_293 = tpu.memref_slice %arg4[%add3A_223, %dma_wait3A_291, %dma_wait3A_292] : memref<2048x4x1024xf32, #tpu.memory_space<hbm>> -> memref<4x4x1024xf32, #tpu.memory_space<hbm>>
    tpu.wait_dma2 semaphore(%arg27 : memref<!tpu.dma_semaphore, #tpu.memory_space<semaphore_mem>>) src(%arg9 : memref<4x4x1024xf32, #tpu.memory_space<vmem>>) dst(%dma_wait3A_293 : memref<4x4x1024xf32, #tpu.memory_space<hbm>>)
    %add3A_294 = arith.constant 40 : i32
    %add3A_295 = arith.addi %mul3A_2, %add3A_294 : i32
    %dma_start3A_296 = arith.constant 0 : i32
    %dma_start3A_297 = arith.constant 0 : i32
    %dma_start3A_298 = tpu.memref_slice %arg2[%add3A_295, %dma_start3A_296, %dma_start3A_297] : memref<2048x4x1024xf32, #tpu.memory_space<hbm>> -> memref<4x4x1024xf32, #tpu.memory_space<hbm>>
    %dma_start3A_299 = arith.constant 0 : i32
    %dma_start3A_300 = arith.constant 0 : i32
    %dma_start3A_301 = tpu.memref_slice %arg2[%add3A_295, %dma_start3A_299, %dma_start3A_300] : memref<2048x4x1024xf32, #tpu.memory_space<hbm>> -> memref<4x4x1024xf32, #tpu.memory_space<hbm>>
    tpu.enqueue_dma source(%dma_start3A_301 : memref<4x4x1024xf32, #tpu.memory_space<hbm>>) target(%arg9 : memref<4x4x1024xf32, #tpu.memory_space<vmem>>) target_semaphore(%arg21 : memref<!tpu.dma_semaphore, #tpu.memory_space<semaphore_mem>>)
    %dma_start3A_302 = arith.constant 0 : i32
    %dma_start3A_303 = tpu.memref_slice %arg3[%add3A_295, %dma_start3A_302] : memref<2048x1024xf32, #tpu.memory_space<hbm>> -> memref<4x1024xf32, #tpu.memory_space<hbm>>
    %dma_start3A_304 = arith.constant 0 : i32
    %dma_start3A_305 = tpu.memref_slice %arg3[%add3A_295, %dma_start3A_304] : memref<2048x1024xf32, #tpu.memory_space<hbm>> -> memref<4x1024xf32, #tpu.memory_space<hbm>>
    tpu.enqueue_dma source(%dma_start3A_305 : memref<4x1024xf32, #tpu.memory_space<hbm>>) target(%arg15 : memref<4x1024xf32, #tpu.memory_space<vmem>>) target_semaphore(%arg21 : memref<!tpu.dma_semaphore, #tpu.memory_space<semaphore_mem>>)
    %add3A_306 = arith.constant 24 : i32
    %add3A_307 = arith.addi %mul3A_2, %add3A_306 : i32
    %dma_wait3A_308 = arith.constant 0 : i32
    %dma_wait3A_309 = arith.constant 0 : i32
    %dma_wait3A_310 = tpu.memref_slice %arg2[%add3A_127, %dma_wait3A_308, %dma_wait3A_309] : memref<2048x4x1024xf32, #tpu.memory_space<hbm>> -> memref<4x4x1024xf32, #tpu.memory_space<hbm>>
    %dma_wait3A_311 = arith.constant 0 : i32
    %dma_wait3A_312 = arith.constant 0 : i32
    %dma_wait3A_313 = tpu.memref_slice %arg2[%add3A_127, %dma_wait3A_311, %dma_wait3A_312] : memref<2048x4x1024xf32, #tpu.memory_space<hbm>> -> memref<4x4x1024xf32, #tpu.memory_space<hbm>>
    tpu.wait_dma2 semaphore(%arg17 : memref<!tpu.dma_semaphore, #tpu.memory_space<semaphore_mem>>) src(%dma_wait3A_313 : memref<4x4x1024xf32, #tpu.memory_space<hbm>>) dst(%arg5 : memref<4x4x1024xf32, #tpu.memory_space<vmem>>)
    %dma_wait3A_314 = arith.constant 0 : i32
    %dma_wait3A_315 = tpu.memref_slice %arg3[%add3A_127, %dma_wait3A_314] : memref<2048x1024xf32, #tpu.memory_space<hbm>> -> memref<4x1024xf32, #tpu.memory_space<hbm>>
    %dma_wait3A_316 = arith.constant 0 : i32
    %dma_wait3A_317 = tpu.memref_slice %arg3[%add3A_127, %dma_wait3A_316] : memref<2048x1024xf32, #tpu.memory_space<hbm>> -> memref<4x1024xf32, #tpu.memory_space<hbm>>
    tpu.wait_dma2 semaphore(%arg17 : memref<!tpu.dma_semaphore, #tpu.memory_space<semaphore_mem>>) src(%dma_wait3A_317 : memref<4x1024xf32, #tpu.memory_space<hbm>>) dst(%arg11 : memref<4x1024xf32, #tpu.memory_space<vmem>>)
    %scan3A_318 = arith.constant 0 : i32
    %scan3A_319 = arith.constant 0 : i32
    %scan3A_320 = arith.constant 256 : i32
    %scan3A_321 = arith.addi %scan3A_319, %scan3A_320 : i32
    %scan3A_322 = arith.constant 2 : i32
    scf.for %scan3A_672 = %scan3A_319 to %scan3A_321 step %scan3A_322  : i32 {
      %shift_right_arithmetic3A = arith.constant 6 : i32
      %shift_right_arithmetic3A_673 = arith.shrsi %scan3A_672, %shift_right_arithmetic3A : i32
      %and3A = arith.constant 63 : i32
      %and3A_674 = arith.andi %scan3A_672, %and3A : i32
      %mul3A_675 = arith.constant 16 : i32
      %mul3A_676 = arith.muli %and3A_674, %mul3A_675 : i32
      %get3A = arith.index_cast %shift_right_arithmetic3A_673 : i32 to index
      %get3A_677 = arith.index_cast %mul3A_676 : i32 to index
      %get3A_678 = tpu.vector_load %arg11[%get3A, %get3A_677] {strides = array<i32>} : memref<4x1024xf32, #tpu.memory_space<vmem>>, vector<1x16xf32>,
      %get3A_679 = vector.shape_cast %get3A_678 : vector<1x16xf32> to vector<16xf32>
      %swap3A = arith.constant 0 : i32
      %swap3A_680 = arith.index_cast %shift_right_arithmetic3A_673 : i32 to index
      %swap3A_681 = arith.index_cast %swap3A : i32 to index
      %swap3A_682 = arith.index_cast %mul3A_676 : i32 to index
      %swap3A_683 = tpu.vector_load %arg5[%swap3A_680, %swap3A_681, %swap3A_682] {strides = array<i32>} : memref<4x4x1024xf32, #tpu.memory_space<vmem>>, vector<1x1x16xf32>,
      %swap3A_684 = vector.shape_cast %swap3A_683 : vector<1x1x16xf32> to vector<16xf32>
      %swap3A_685 = vector.shape_cast %get3A_679 : vector<16xf32> to vector<1x1x16xf32>
      tpu.vector_store %arg5[%swap3A_680, %swap3A_681, %swap3A_682], %swap3A_685 {add = true, strides = array<i32>} : memref<4x4x1024xf32, #tpu.memory_space<vmem>>, vector<1x1x16xf32>,
      %swap3A_686 = arith.constant 1 : i32
      %swap3A_687 = arith.index_cast %shift_right_arithmetic3A_673 : i32 to index
      %swap3A_688 = arith.index_cast %swap3A_686 : i32 to index
      %swap3A_689 = arith.index_cast %mul3A_676 : i32 to index
      %swap3A_690 = tpu.vector_load %arg5[%swap3A_687, %swap3A_688, %swap3A_689] {strides = array<i32>} : memref<4x4x1024xf32, #tpu.memory_space<vmem>>, vector<1x1x16xf32>,
      %swap3A_691 = vector.shape_cast %swap3A_690 : vector<1x1x16xf32> to vector<16xf32>
      %swap3A_692 = vector.shape_cast %get3A_679 : vector<16xf32> to vector<1x1x16xf32>
      tpu.vector_store %arg5[%swap3A_687, %swap3A_688, %swap3A_689], %swap3A_692 {add = true, strides = array<i32>} : memref<4x4x1024xf32, #tpu.memory_space<vmem>>, vector<1x1x16xf32>,
      %swap3A_693 = arith.constant 2 : i32
      %swap3A_694 = arith.index_cast %shift_right_arithmetic3A_673 : i32 to index
      %swap3A_695 = arith.index_cast %swap3A_693 : i32 to index
      %swap3A_696 = arith.index_cast %mul3A_676 : i32 to index
      %swap3A_697 = tpu.vector_load %arg5[%swap3A_694, %swap3A_695, %swap3A_696] {strides = array<i32>} : memref<4x4x1024xf32, #tpu.memory_space<vmem>>, vector<1x1x16xf32>,
      %swap3A_698 = vector.shape_cast %swap3A_697 : vector<1x1x16xf32> to vector<16xf32>
      %swap3A_699 = vector.shape_cast %get3A_679 : vector<16xf32> to vector<1x1x16xf32>
      tpu.vector_store %arg5[%swap3A_694, %swap3A_695, %swap3A_696], %swap3A_699 {add = true, strides = array<i32>} : memref<4x4x1024xf32, #tpu.memory_space<vmem>>, vector<1x1x16xf32>,
      %swap3A_700 = arith.constant 3 : i32
      %swap3A_701 = arith.index_cast %shift_right_arithmetic3A_673 : i32 to index
      %swap3A_702 = arith.index_cast %swap3A_700 : i32 to index
      %swap3A_703 = arith.index_cast %mul3A_676 : i32 to index
      %swap3A_704 = tpu.vector_load %arg5[%swap3A_701, %swap3A_702, %swap3A_703] {strides = array<i32>} : memref<4x4x1024xf32, #tpu.memory_space<vmem>>, vector<1x1x16xf32>,
      %swap3A_705 = vector.shape_cast %swap3A_704 : vector<1x1x16xf32> to vector<16xf32>
      %swap3A_706 = vector.shape_cast %get3A_679 : vector<16xf32> to vector<1x1x16xf32>
      tpu.vector_store %arg5[%swap3A_701, %swap3A_702, %swap3A_703], %swap3A_706 {add = true, strides = array<i32>} : memref<4x4x1024xf32, #tpu.memory_space<vmem>>, vector<1x1x16xf32>,
      %scan3A_707 = arith.constant 1 : i32
      %scan3A_708 = arith.addi %scan3A_672, %scan3A_707 : i32
      %shift_right_arithmetic3A_709 = arith.constant 6 : i32
      %shift_right_arithmetic3A_710 = arith.shrsi %scan3A_708, %shift_right_arithmetic3A_709 : i32
      %and3A_711 = arith.constant 63 : i32
      %and3A_712 = arith.andi %scan3A_708, %and3A_711 : i32
      %mul3A_713 = arith.constant 16 : i32
      %mul3A_714 = arith.muli %and3A_712, %mul3A_713 : i32
      %get3A_715 = arith.index_cast %shift_right_arithmetic3A_710 : i32 to index
      %get3A_716 = arith.index_cast %mul3A_714 : i32 to index
      %get3A_717 = tpu.vector_load %arg11[%get3A_715, %get3A_716] {strides = array<i32>} : memref<4x1024xf32, #tpu.memory_space<vmem>>, vector<1x16xf32>,
      %get3A_718 = vector.shape_cast %get3A_717 : vector<1x16xf32> to vector<16xf32>
      %swap3A_719 = arith.constant 0 : i32
      %swap3A_720 = arith.index_cast %shift_right_arithmetic3A_710 : i32 to index
      %swap3A_721 = arith.index_cast %swap3A_719 : i32 to index
      %swap3A_722 = arith.index_cast %mul3A_714 : i32 to index
      %swap3A_723 = tpu.vector_load %arg5[%swap3A_720, %swap3A_721, %swap3A_722] {strides = array<i32>} : memref<4x4x1024xf32, #tpu.memory_space<vmem>>, vector<1x1x16xf32>,
      %swap3A_724 = vector.shape_cast %swap3A_723 : vector<1x1x16xf32> to vector<16xf32>
      %swap3A_725 = vector.shape_cast %get3A_718 : vector<16xf32> to vector<1x1x16xf32>
      tpu.vector_store %arg5[%swap3A_720, %swap3A_721, %swap3A_722], %swap3A_725 {add = true, strides = array<i32>} : memref<4x4x1024xf32, #tpu.memory_space<vmem>>, vector<1x1x16xf32>,
      %swap3A_726 = arith.constant 1 : i32
      %swap3A_727 = arith.index_cast %shift_right_arithmetic3A_710 : i32 to index
      %swap3A_728 = arith.index_cast %swap3A_726 : i32 to index
      %swap3A_729 = arith.index_cast %mul3A_714 : i32 to index
      %swap3A_730 = tpu.vector_load %arg5[%swap3A_727, %swap3A_728, %swap3A_729] {strides = array<i32>} : memref<4x4x1024xf32, #tpu.memory_space<vmem>>, vector<1x1x16xf32>,
      %swap3A_731 = vector.shape_cast %swap3A_730 : vector<1x1x16xf32> to vector<16xf32>
      %swap3A_732 = vector.shape_cast %get3A_718 : vector<16xf32> to vector<1x1x16xf32>
      tpu.vector_store %arg5[%swap3A_727, %swap3A_728, %swap3A_729], %swap3A_732 {add = true, strides = array<i32>} : memref<4x4x1024xf32, #tpu.memory_space<vmem>>, vector<1x1x16xf32>,
      %swap3A_733 = arith.constant 2 : i32
      %swap3A_734 = arith.index_cast %shift_right_arithmetic3A_710 : i32 to index
      %swap3A_735 = arith.index_cast %swap3A_733 : i32 to index
      %swap3A_736 = arith.index_cast %mul3A_714 : i32 to index
      %swap3A_737 = tpu.vector_load %arg5[%swap3A_734, %swap3A_735, %swap3A_736] {strides = array<i32>} : memref<4x4x1024xf32, #tpu.memory_space<vmem>>, vector<1x1x16xf32>,
      %swap3A_738 = vector.shape_cast %swap3A_737 : vector<1x1x16xf32> to vector<16xf32>
      %swap3A_739 = vector.shape_cast %get3A_718 : vector<16xf32> to vector<1x1x16xf32>
      tpu.vector_store %arg5[%swap3A_734, %swap3A_735, %swap3A_736], %swap3A_739 {add = true, strides = array<i32>} : memref<4x4x1024xf32, #tpu.memory_space<vmem>>, vector<1x1x16xf32>,
      %swap3A_740 = arith.constant 3 : i32
      %swap3A_741 = arith.index_cast %shift_right_arithmetic3A_710 : i32 to index
      %swap3A_742 = arith.index_cast %swap3A_740 : i32 to index
      %swap3A_743 = arith.index_cast %mul3A_714 : i32 to index
      %swap3A_744 = tpu.vector_load %arg5[%swap3A_741, %swap3A_742, %swap3A_743] {strides = array<i32>} : memref<4x4x1024xf32, #tpu.memory_space<vmem>>, vector<1x1x16xf32>,
      %swap3A_745 = vector.shape_cast %swap3A_744 : vector<1x1x16xf32> to vector<16xf32>
      %swap3A_746 = vector.shape_cast %get3A_718 : vector<16xf32> to vector<1x1x16xf32>
      tpu.vector_store %arg5[%swap3A_741, %swap3A_742, %swap3A_743], %swap3A_746 {add = true, strides = array<i32>} : memref<4x4x1024xf32, #tpu.memory_space<vmem>>, vector<1x1x16xf32>,
    }
    %scan3A_323 = arith.constant 256 : i32
    %dma_start3A_324 = arith.constant 0 : i32
    %dma_start3A_325 = arith.constant 0 : i32
    %dma_start3A_326 = tpu.memref_slice %arg4[%add3A_307, %dma_start3A_324, %dma_start3A_325] : memref<2048x4x1024xf32, #tpu.memory_space<hbm>> -> memref<4x4x1024xf32, #tpu.memory_space<hbm>>
    %dma_start3A_327 = arith.constant 0 : i32
    %dma_start3A_328 = arith.constant 0 : i32
    %dma_start3A_329 = tpu.memref_slice %arg4[%add3A_307, %dma_start3A_327, %dma_start3A_328] : memref<2048x4x1024xf32, #tpu.memory_space<hbm>> -> memref<4x4x1024xf32, #tpu.memory_space<hbm>>
    tpu.enqueue_dma source(%arg5 : memref<4x4x1024xf32, #tpu.memory_space<vmem>>) target(%dma_start3A_329 : memref<4x4x1024xf32, #tpu.memory_space<hbm>>) target_semaphore(%arg23 : memref<!tpu.dma_semaphore, #tpu.memory_space<semaphore_mem>>)
    %dma_wait3A_330 = arith.constant 0 : i32
    %dma_wait3A_331 = arith.constant 0 : i32
    %dma_wait3A_332 = tpu.memref_slice %arg4[%add3A_265, %dma_wait3A_330, %dma_wait3A_331] : memref<2048x4x1024xf32, #tpu.memory_space<hbm>> -> memref<4x4x1024xf32, #tpu.memory_space<hbm>>
    %dma_wait3A_333 = arith.constant 0 : i32
    %dma_wait3A_334 = arith.constant 0 : i32
    %dma_wait3A_335 = tpu.memref_slice %arg4[%add3A_265, %dma_wait3A_333, %dma_wait3A_334] : memref<2048x4x1024xf32, #tpu.memory_space<hbm>> -> memref<4x4x1024xf32, #tpu.memory_space<hbm>>
    tpu.wait_dma2 semaphore(%arg28 : memref<!tpu.dma_semaphore, #tpu.memory_space<semaphore_mem>>) src(%arg10 : memref<4x4x1024xf32, #tpu.memory_space<vmem>>) dst(%dma_wait3A_335 : memref<4x4x1024xf32, #tpu.memory_space<hbm>>)
    %add3A_336 = arith.constant 44 : i32
    %add3A_337 = arith.addi %mul3A_2, %add3A_336 : i32
    %dma_start3A_338 = arith.constant 0 : i32
    %dma_start3A_339 = arith.constant 0 : i32
    %dma_start3A_340 = tpu.memref_slice %arg2[%add3A_337, %dma_start3A_338, %dma_start3A_339] : memref<2048x4x1024xf32, #tpu.memory_space<hbm>> -> memref<4x4x1024xf32, #tpu.memory_space<hbm>>
    %dma_start3A_341 = arith.constant 0 : i32
    %dma_start3A_342 = arith.constant 0 : i32
    %dma_start3A_343 = tpu.memref_slice %arg2[%add3A_337, %dma_start3A_341, %dma_start3A_342] : memref<2048x4x1024xf32, #tpu.memory_space<hbm>> -> memref<4x4x1024xf32, #tpu.memory_space<hbm>>
    tpu.enqueue_dma source(%dma_start3A_343 : memref<4x4x1024xf32, #tpu.memory_space<hbm>>) target(%arg10 : memref<4x4x1024xf32, #tpu.memory_space<vmem>>) target_semaphore(%arg22 : memref<!tpu.dma_semaphore, #tpu.memory_space<semaphore_mem>>)
    %dma_start3A_344 = arith.constant 0 : i32
    %dma_start3A_345 = tpu.memref_slice %arg3[%add3A_337, %dma_start3A_344] : memref<2048x1024xf32, #tpu.memory_space<hbm>> -> memref<4x1024xf32, #tpu.memory_space<hbm>>
    %dma_start3A_346 = arith.constant 0 : i32
    %dma_start3A_347 = tpu.memref_slice %arg3[%add3A_337, %dma_start3A_346] : memref<2048x1024xf32, #tpu.memory_space<hbm>> -> memref<4x1024xf32, #tpu.memory_space<hbm>>
    tpu.enqueue_dma source(%dma_start3A_347 : memref<4x1024xf32, #tpu.memory_space<hbm>>) target(%arg16 : memref<4x1024xf32, #tpu.memory_space<vmem>>) target_semaphore(%arg22 : memref<!tpu.dma_semaphore, #tpu.memory_space<semaphore_mem>>)
    %add3A_348 = arith.constant 28 : i32
    %add3A_349 = arith.addi %mul3A_2, %add3A_348 : i32
    %dma_wait3A_350 = arith.constant 0 : i32
    %dma_wait3A_351 = arith.constant 0 : i32
    %dma_wait3A_352 = tpu.memref_slice %arg2[%add3A_169, %dma_wait3A_350, %dma_wait3A_351] : memref<2048x4x1024xf32, #tpu.memory_space<hbm>> -> memref<4x4x1024xf32, #tpu.memory_space<hbm>>
    %dma_wait3A_353 = arith.constant 0 : i32
    %dma_wait3A_354 = arith.constant 0 : i32
    %dma_wait3A_355 = tpu.memref_slice %arg2[%add3A_169, %dma_wait3A_353, %dma_wait3A_354] : memref<2048x4x1024xf32, #tpu.memory_space<hbm>> -> memref<4x4x1024xf32, #tpu.memory_space<hbm>>
    tpu.wait_dma2 semaphore(%arg18 : memref<!tpu.dma_semaphore, #tpu.memory_space<semaphore_mem>>) src(%dma_wait3A_355 : memref<4x4x1024xf32, #tpu.memory_space<hbm>>) dst(%arg6 : memref<4x4x1024xf32, #tpu.memory_space<vmem>>)
    %dma_wait3A_356 = arith.constant 0 : i32
    %dma_wait3A_357 = tpu.memref_slice %arg3[%add3A_169, %dma_wait3A_356] : memref<2048x1024xf32, #tpu.memory_space<hbm>> -> memref<4x1024xf32, #tpu.memory_space<hbm>>
    %dma_wait3A_358 = arith.constant 0 : i32
    %dma_wait3A_359 = tpu.memref_slice %arg3[%add3A_169, %dma_wait3A_358] : memref<2048x1024xf32, #tpu.memory_space<hbm>> -> memref<4x1024xf32, #tpu.memory_space<hbm>>
    tpu.wait_dma2 semaphore(%arg18 : memref<!tpu.dma_semaphore, #tpu.memory_space<semaphore_mem>>) src(%dma_wait3A_359 : memref<4x1024xf32, #tpu.memory_space<hbm>>) dst(%arg12 : memref<4x1024xf32, #tpu.memory_space<vmem>>)
    %scan3A_360 = arith.constant 0 : i32
    %scan3A_361 = arith.constant 0 : i32
    %scan3A_362 = arith.constant 256 : i32
    %scan3A_363 = arith.addi %scan3A_361, %scan3A_362 : i32
    %scan3A_364 = arith.constant 2 : i32
    scf.for %scan3A_672 = %scan3A_361 to %scan3A_363 step %scan3A_364  : i32 {
      %shift_right_arithmetic3A = arith.constant 6 : i32
      %shift_right_arithmetic3A_673 = arith.shrsi %scan3A_672, %shift_right_arithmetic3A : i32
      %and3A = arith.constant 63 : i32
      %and3A_674 = arith.andi %scan3A_672, %and3A : i32
      %mul3A_675 = arith.constant 16 : i32
      %mul3A_676 = arith.muli %and3A_674, %mul3A_675 : i32
      %get3A = arith.index_cast %shift_right_arithmetic3A_673 : i32 to index
      %get3A_677 = arith.index_cast %mul3A_676 : i32 to index
      %get3A_678 = tpu.vector_load %arg12[%get3A, %get3A_677] {strides = array<i32>} : memref<4x1024xf32, #tpu.memory_space<vmem>>, vector<1x16xf32>,
      %get3A_679 = vector.shape_cast %get3A_678 : vector<1x16xf32> to vector<16xf32>
      %swap3A = arith.constant 0 : i32
      %swap3A_680 = arith.index_cast %shift_right_arithmetic3A_673 : i32 to index
      %swap3A_681 = arith.index_cast %swap3A : i32 to index
      %swap3A_682 = arith.index_cast %mul3A_676 : i32 to index
      %swap3A_683 = tpu.vector_load %arg6[%swap3A_680, %swap3A_681, %swap3A_682] {strides = array<i32>} : memref<4x4x1024xf32, #tpu.memory_space<vmem>>, vector<1x1x16xf32>,
      %swap3A_684 = vector.shape_cast %swap3A_683 : vector<1x1x16xf32> to vector<16xf32>
      %swap3A_685 = vector.shape_cast %get3A_679 : vector<16xf32> to vector<1x1x16xf32>
      tpu.vector_store %arg6[%swap3A_680, %swap3A_681, %swap3A_682], %swap3A_685 {add = true, strides = array<i32>} : memref<4x4x1024xf32, #tpu.memory_space<vmem>>, vector<1x1x16xf32>,
      %swap3A_686 = arith.constant 1 : i32
      %swap3A_687 = arith.index_cast %shift_right_arithmetic3A_673 : i32 to index
      %swap3A_688 = arith.index_cast %swap3A_686 : i32 to index
      %swap3A_689 = arith.index_cast %mul3A_676 : i32 to index
      %swap3A_690 = tpu.vector_load %arg6[%swap3A_687, %swap3A_688, %swap3A_689] {strides = array<i32>} : memref<4x4x1024xf32, #tpu.memory_space<vmem>>, vector<1x1x16xf32>,
      %swap3A_691 = vector.shape_cast %swap3A_690 : vector<1x1x16xf32> to vector<16xf32>
      %swap3A_692 = vector.shape_cast %get3A_679 : vector<16xf32> to vector<1x1x16xf32>
      tpu.vector_store %arg6[%swap3A_687, %swap3A_688, %swap3A_689], %swap3A_692 {add = true, strides = array<i32>} : memref<4x4x1024xf32, #tpu.memory_space<vmem>>, vector<1x1x16xf32>,
      %swap3A_693 = arith.constant 2 : i32
      %swap3A_694 = arith.index_cast %shift_right_arithmetic3A_673 : i32 to index
      %swap3A_695 = arith.index_cast %swap3A_693 : i32 to index
      %swap3A_696 = arith.index_cast %mul3A_676 : i32 to index
      %swap3A_697 = tpu.vector_load %arg6[%swap3A_694, %swap3A_695, %swap3A_696] {strides = array<i32>} : memref<4x4x1024xf32, #tpu.memory_space<vmem>>, vector<1x1x16xf32>,
      %swap3A_698 = vector.shape_cast %swap3A_697 : vector<1x1x16xf32> to vector<16xf32>
      %swap3A_699 = vector.shape_cast %get3A_679 : vector<16xf32> to vector<1x1x16xf32>
      tpu.vector_store %arg6[%swap3A_694, %swap3A_695, %swap3A_696], %swap3A_699 {add = true, strides = array<i32>} : memref<4x4x1024xf32, #tpu.memory_space<vmem>>, vector<1x1x16xf32>,
      %swap3A_700 = arith.constant 3 : i32
      %swap3A_701 = arith.index_cast %shift_right_arithmetic3A_673 : i32 to index
      %swap3A_702 = arith.index_cast %swap3A_700 : i32 to index
      %swap3A_703 = arith.index_cast %mul3A_676 : i32 to index
      %swap3A_704 = tpu.vector_load %arg6[%swap3A_701, %swap3A_702, %swap3A_703] {strides = array<i32>} : memref<4x4x1024xf32, #tpu.memory_space<vmem>>, vector<1x1x16xf32>,
      %swap3A_705 = vector.shape_cast %swap3A_704 : vector<1x1x16xf32> to vector<16xf32>
      %swap3A_706 = vector.shape_cast %get3A_679 : vector<16xf32> to vector<1x1x16xf32>
      tpu.vector_store %arg6[%swap3A_701, %swap3A_702, %swap3A_703], %swap3A_706 {add = true, strides = array<i32>} : memref<4x4x1024xf32, #tpu.memory_space<vmem>>, vector<1x1x16xf32>,
      %scan3A_707 = arith.constant 1 : i32
      %scan3A_708 = arith.addi %scan3A_672, %scan3A_707 : i32
      %shift_right_arithmetic3A_709 = arith.constant 6 : i32
      %shift_right_arithmetic3A_710 = arith.shrsi %scan3A_708, %shift_right_arithmetic3A_709 : i32
      %and3A_711 = arith.constant 63 : i32
      %and3A_712 = arith.andi %scan3A_708, %and3A_711 : i32
      %mul3A_713 = arith.constant 16 : i32
      %mul3A_714 = arith.muli %and3A_712, %mul3A_713 : i32
      %get3A_715 = arith.index_cast %shift_right_arithmetic3A_710 : i32 to index
      %get3A_716 = arith.index_cast %mul3A_714 : i32 to index
      %get3A_717 = tpu.vector_load %arg12[%get3A_715, %get3A_716] {strides = array<i32>} : memref<4x1024xf32, #tpu.memory_space<vmem>>, vector<1x16xf32>,
      %get3A_718 = vector.shape_cast %get3A_717 : vector<1x16xf32> to vector<16xf32>
      %swap3A_719 = arith.constant 0 : i32
      %swap3A_720 = arith.index_cast %shift_right_arithmetic3A_710 : i32 to index
      %swap3A_721 = arith.index_cast %swap3A_719 : i32 to index
      %swap3A_722 = arith.index_cast %mul3A_714 : i32 to index
      %swap3A_723 = tpu.vector_load %arg6[%swap3A_720, %swap3A_721, %swap3A_722] {strides = array<i32>} : memref<4x4x1024xf32, #tpu.memory_space<vmem>>, vector<1x1x16xf32>,
      %swap3A_724 = vector.shape_cast %swap3A_723 : vector<1x1x16xf32> to vector<16xf32>
      %swap3A_725 = vector.shape_cast %get3A_718 : vector<16xf32> to vector<1x1x16xf32>
      tpu.vector_store %arg6[%swap3A_720, %swap3A_721, %swap3A_722], %swap3A_725 {add = true, strides = array<i32>} : memref<4x4x1024xf32, #tpu.memory_space<vmem>>, vector<1x1x16xf32>,
      %swap3A_726 = arith.constant 1 : i32
      %swap3A_727 = arith.index_cast %shift_right_arithmetic3A_710 : i32 to index
      %swap3A_728 = arith.index_cast %swap3A_726 : i32 to index
      %swap3A_729 = arith.index_cast %mul3A_714 : i32 to index
      %swap3A_730 = tpu.vector_load %arg6[%swap3A_727, %swap3A_728, %swap3A_729] {strides = array<i32>} : memref<4x4x1024xf32, #tpu.memory_space<vmem>>, vector<1x1x16xf32>,
      %swap3A_731 = vector.shape_cast %swap3A_730 : vector<1x1x16xf32> to vector<16xf32>
      %swap3A_732 = vector.shape_cast %get3A_718 : vector<16xf32> to vector<1x1x16xf32>
      tpu.vector_store %arg6[%swap3A_727, %swap3A_728, %swap3A_729], %swap3A_732 {add = true, strides = array<i32>} : memref<4x4x1024xf32, #tpu.memory_space<vmem>>, vector<1x1x16xf32>,
      %swap3A_733 = arith.constant 2 : i32
      %swap3A_734 = arith.index_cast %shift_right_arithmetic3A_710 : i32 to index
      %swap3A_735 = arith.index_cast %swap3A_733 : i32 to index
      %swap3A_736 = arith.index_cast %mul3A_714 : i32 to index
      %swap3A_737 = tpu.vector_load %arg6[%swap3A_734, %swap3A_735, %swap3A_736] {strides = array<i32>} : memref<4x4x1024xf32, #tpu.memory_space<vmem>>, vector<1x1x16xf32>,
      %swap3A_738 = vector.shape_cast %swap3A_737 : vector<1x1x16xf32> to vector<16xf32>
      %swap3A_739 = vector.shape_cast %get3A_718 : vector<16xf32> to vector<1x1x16xf32>
      tpu.vector_store %arg6[%swap3A_734, %swap3A_735, %swap3A_736], %swap3A_739 {add = true, strides = array<i32>} : memref<4x4x1024xf32, #tpu.memory_space<vmem>>, vector<1x1x16xf32>,
      %swap3A_740 = arith.constant 3 : i32
      %swap3A_741 = arith.index_cast %shift_right_arithmetic3A_710 : i32 to index
      %swap3A_742 = arith.index_cast %swap3A_740 : i32 to index
      %swap3A_743 = arith.index_cast %mul3A_714 : i32 to index
      %swap3A_744 = tpu.vector_load %arg6[%swap3A_741, %swap3A_742, %swap3A_743] {strides = array<i32>} : memref<4x4x1024xf32, #tpu.memory_space<vmem>>, vector<1x1x16xf32>,
      %swap3A_745 = vector.shape_cast %swap3A_744 : vector<1x1x16xf32> to vector<16xf32>
      %swap3A_746 = vector.shape_cast %get3A_718 : vector<16xf32> to vector<1x1x16xf32>
      tpu.vector_store %arg6[%swap3A_741, %swap3A_742, %swap3A_743], %swap3A_746 {add = true, strides = array<i32>} : memref<4x4x1024xf32, #tpu.memory_space<vmem>>, vector<1x1x16xf32>,
    }
    %scan3A_365 = arith.constant 256 : i32
    %dma_start3A_366 = arith.constant 0 : i32
    %dma_start3A_367 = arith.constant 0 : i32
    %dma_start3A_368 = tpu.memref_slice %arg4[%add3A_349, %dma_start3A_366, %dma_start3A_367] : memref<2048x4x1024xf32, #tpu.memory_space<hbm>> -> memref<4x4x1024xf32, #tpu.memory_space<hbm>>
    %dma_start3A_369 = arith.constant 0 : i32
    %dma_start3A_370 = arith.constant 0 : i32
    %dma_start3A_371 = tpu.memref_slice %arg4[%add3A_349, %dma_start3A_369, %dma_start3A_370] : memref<2048x4x1024xf32, #tpu.memory_space<hbm>> -> memref<4x4x1024xf32, #tpu.memory_space<hbm>>
    tpu.enqueue_dma source(%arg6 : memref<4x4x1024xf32, #tpu.memory_space<vmem>>) target(%dma_start3A_371 : memref<4x4x1024xf32, #tpu.memory_space<hbm>>) target_semaphore(%arg24 : memref<!tpu.dma_semaphore, #tpu.memory_space<semaphore_mem>>)
    %dma_wait3A_372 = arith.constant 0 : i32
    %dma_wait3A_373 = arith.constant 0 : i32
    %dma_wait3A_374 = tpu.memref_slice %arg4[%add3A_307, %dma_wait3A_372, %dma_wait3A_373] : memref<2048x4x1024xf32, #tpu.memory_space<hbm>> -> memref<4x4x1024xf32, #tpu.memory_space<hbm>>
    %dma_wait3A_375 = arith.constant 0 : i32
    %dma_wait3A_376 = arith.constant 0 : i32
    %dma_wait3A_377 = tpu.memref_slice %arg4[%add3A_307, %dma_wait3A_375, %dma_wait3A_376] : memref<2048x4x1024xf32, #tpu.memory_space<hbm>> -> memref<4x4x1024xf32, #tpu.memory_space<hbm>>
    tpu.wait_dma2 semaphore(%arg23 : memref<!tpu.dma_semaphore, #tpu.memory_space<semaphore_mem>>) src(%arg5 : memref<4x4x1024xf32, #tpu.memory_space<vmem>>) dst(%dma_wait3A_377 : memref<4x4x1024xf32, #tpu.memory_space<hbm>>)
    %add3A_378 = arith.constant 48 : i32
    %add3A_379 = arith.addi %mul3A_2, %add3A_378 : i32
    %dma_start3A_380 = arith.constant 0 : i32
    %dma_start3A_381 = arith.constant 0 : i32
    %dma_start3A_382 = tpu.memref_slice %arg2[%add3A_379, %dma_start3A_380, %dma_start3A_381] : memref<2048x4x1024xf32, #tpu.memory_space<hbm>> -> memref<4x4x1024xf32, #tpu.memory_space<hbm>>
    %dma_start3A_383 = arith.constant 0 : i32
    %dma_start3A_384 = arith.constant 0 : i32
    %dma_start3A_385 = tpu.memref_slice %arg2[%add3A_379, %dma_start3A_383, %dma_start3A_384] : memref<2048x4x1024xf32, #tpu.memory_space<hbm>> -> memref<4x4x1024xf32, #tpu.memory_space<hbm>>
    tpu.enqueue_dma source(%dma_start3A_385 : memref<4x4x1024xf32, #tpu.memory_space<hbm>>) target(%arg5 : memref<4x4x1024xf32, #tpu.memory_space<vmem>>) target_semaphore(%arg17 : memref<!tpu.dma_semaphore, #tpu.memory_space<semaphore_mem>>)
    %dma_start3A_386 = arith.constant 0 : i32
    %dma_start3A_387 = tpu.memref_slice %arg3[%add3A_379, %dma_start3A_386] : memref<2048x1024xf32, #tpu.memory_space<hbm>> -> memref<4x1024xf32, #tpu.memory_space<hbm>>
    %dma_start3A_388 = arith.constant 0 : i32
    %dma_start3A_389 = tpu.memref_slice %arg3[%add3A_379, %dma_start3A_388] : memref<2048x1024xf32, #tpu.memory_space<hbm>> -> memref<4x1024xf32, #tpu.memory_space<hbm>>
    tpu.enqueue_dma source(%dma_start3A_389 : memref<4x1024xf32, #tpu.memory_space<hbm>>) target(%arg11 : memref<4x1024xf32, #tpu.memory_space<vmem>>) target_semaphore(%arg17 : memref<!tpu.dma_semaphore, #tpu.memory_space<semaphore_mem>>)
    %add3A_390 = arith.constant 32 : i32
    %add3A_391 = arith.addi %mul3A_2, %add3A_390 : i32
    %dma_wait3A_392 = arith.constant 0 : i32
    %dma_wait3A_393 = arith.constant 0 : i32
    %dma_wait3A_394 = tpu.memref_slice %arg2[%add3A_211, %dma_wait3A_392, %dma_wait3A_393] : memref<2048x4x1024xf32, #tpu.memory_space<hbm>> -> memref<4x4x1024xf32, #tpu.memory_space<hbm>>
    %dma_wait3A_395 = arith.constant 0 : i32
    %dma_wait3A_396 = arith.constant 0 : i32
    %dma_wait3A_397 = tpu.memref_slice %arg2[%add3A_211, %dma_wait3A_395, %dma_wait3A_396] : memref<2048x4x1024xf32, #tpu.memory_space<hbm>> -> memref<4x4x1024xf32, #tpu.memory_space<hbm>>
    tpu.wait_dma2 semaphore(%arg19 : memref<!tpu.dma_semaphore, #tpu.memory_space<semaphore_mem>>) src(%dma_wait3A_397 : memref<4x4x1024xf32, #tpu.memory_space<hbm>>) dst(%arg7 : memref<4x4x1024xf32, #tpu.memory_space<vmem>>)
    %dma_wait3A_398 = arith.constant 0 : i32
    %dma_wait3A_399 = tpu.memref_slice %arg3[%add3A_211, %dma_wait3A_398] : memref<2048x1024xf32, #tpu.memory_space<hbm>> -> memref<4x1024xf32, #tpu.memory_space<hbm>>
    %dma_wait3A_400 = arith.constant 0 : i32
    %dma_wait3A_401 = tpu.memref_slice %arg3[%add3A_211, %dma_wait3A_400] : memref<2048x1024xf32, #tpu.memory_space<hbm>> -> memref<4x1024xf32, #tpu.memory_space<hbm>>
    tpu.wait_dma2 semaphore(%arg19 : memref<!tpu.dma_semaphore, #tpu.memory_space<semaphore_mem>>) src(%dma_wait3A_401 : memref<4x1024xf32, #tpu.memory_space<hbm>>) dst(%arg13 : memref<4x1024xf32, #tpu.memory_space<vmem>>)
    %scan3A_402 = arith.constant 0 : i32
    %scan3A_403 = arith.constant 0 : i32
    %scan3A_404 = arith.constant 256 : i32
    %scan3A_405 = arith.addi %scan3A_403, %scan3A_404 : i32
    %scan3A_406 = arith.constant 2 : i32
    scf.for %scan3A_672 = %scan3A_403 to %scan3A_405 step %scan3A_406  : i32 {
      %shift_right_arithmetic3A = arith.constant 6 : i32
      %shift_right_arithmetic3A_673 = arith.shrsi %scan3A_672, %shift_right_arithmetic3A : i32
      %and3A = arith.constant 63 : i32
      %and3A_674 = arith.andi %scan3A_672, %and3A : i32
      %mul3A_675 = arith.constant 16 : i32
      %mul3A_676 = arith.muli %and3A_674, %mul3A_675 : i32
      %get3A = arith.index_cast %shift_right_arithmetic3A_673 : i32 to index
      %get3A_677 = arith.index_cast %mul3A_676 : i32 to index
      %get3A_678 = tpu.vector_load %arg13[%get3A, %get3A_677] {strides = array<i32>} : memref<4x1024xf32, #tpu.memory_space<vmem>>, vector<1x16xf32>,
      %get3A_679 = vector.shape_cast %get3A_678 : vector<1x16xf32> to vector<16xf32>
      %swap3A = arith.constant 0 : i32
      %swap3A_680 = arith.index_cast %shift_right_arithmetic3A_673 : i32 to index
      %swap3A_681 = arith.index_cast %swap3A : i32 to index
      %swap3A_682 = arith.index_cast %mul3A_676 : i32 to index
      %swap3A_683 = tpu.vector_load %arg7[%swap3A_680, %swap3A_681, %swap3A_682] {strides = array<i32>} : memref<4x4x1024xf32, #tpu.memory_space<vmem>>, vector<1x1x16xf32>,
      %swap3A_684 = vector.shape_cast %swap3A_683 : vector<1x1x16xf32> to vector<16xf32>
      %swap3A_685 = vector.shape_cast %get3A_679 : vector<16xf32> to vector<1x1x16xf32>
      tpu.vector_store %arg7[%swap3A_680, %swap3A_681, %swap3A_682], %swap3A_685 {add = true, strides = array<i32>} : memref<4x4x1024xf32, #tpu.memory_space<vmem>>, vector<1x1x16xf32>,
      %swap3A_686 = arith.constant 1 : i32
      %swap3A_687 = arith.index_cast %shift_right_arithmetic3A_673 : i32 to index
      %swap3A_688 = arith.index_cast %swap3A_686 : i32 to index
      %swap3A_689 = arith.index_cast %mul3A_676 : i32 to index
      %swap3A_690 = tpu.vector_load %arg7[%swap3A_687, %swap3A_688, %swap3A_689] {strides = array<i32>} : memref<4x4x1024xf32, #tpu.memory_space<vmem>>, vector<1x1x16xf32>,
      %swap3A_691 = vector.shape_cast %swap3A_690 : vector<1x1x16xf32> to vector<16xf32>
      %swap3A_692 = vector.shape_cast %get3A_679 : vector<16xf32> to vector<1x1x16xf32>
      tpu.vector_store %arg7[%swap3A_687, %swap3A_688, %swap3A_689], %swap3A_692 {add = true, strides = array<i32>} : memref<4x4x1024xf32, #tpu.memory_space<vmem>>, vector<1x1x16xf32>,
      %swap3A_693 = arith.constant 2 : i32
      %swap3A_694 = arith.index_cast %shift_right_arithmetic3A_673 : i32 to index
      %swap3A_695 = arith.index_cast %swap3A_693 : i32 to index
      %swap3A_696 = arith.index_cast %mul3A_676 : i32 to index
      %swap3A_697 = tpu.vector_load %arg7[%swap3A_694, %swap3A_695, %swap3A_696] {strides = array<i32>} : memref<4x4x1024xf32, #tpu.memory_space<vmem>>, vector<1x1x16xf32>,
      %swap3A_698 = vector.shape_cast %swap3A_697 : vector<1x1x16xf32> to vector<16xf32>
      %swap3A_699 = vector.shape_cast %get3A_679 : vector<16xf32> to vector<1x1x16xf32>
      tpu.vector_store %arg7[%swap3A_694, %swap3A_695, %swap3A_696], %swap3A_699 {add = true, strides = array<i32>} : memref<4x4x1024xf32, #tpu.memory_space<vmem>>, vector<1x1x16xf32>,
      %swap3A_700 = arith.constant 3 : i32
      %swap3A_701 = arith.index_cast %shift_right_arithmetic3A_673 : i32 to index
      %swap3A_702 = arith.index_cast %swap3A_700 : i32 to index
      %swap3A_703 = arith.index_cast %mul3A_676 : i32 to index
      %swap3A_704 = tpu.vector_load %arg7[%swap3A_701, %swap3A_702, %swap3A_703] {strides = array<i32>} : memref<4x4x1024xf32, #tpu.memory_space<vmem>>, vector<1x1x16xf32>,
      %swap3A_705 = vector.shape_cast %swap3A_704 : vector<1x1x16xf32> to vector<16xf32>
      %swap3A_706 = vector.shape_cast %get3A_679 : vector<16xf32> to vector<1x1x16xf32>
      tpu.vector_store %arg7[%swap3A_701, %swap3A_702, %swap3A_703], %swap3A_706 {add = true, strides = array<i32>} : memref<4x4x1024xf32, #tpu.memory_space<vmem>>, vector<1x1x16xf32>,
      %scan3A_707 = arith.constant 1 : i32
      %scan3A_708 = arith.addi %scan3A_672, %scan3A_707 : i32
      %shift_right_arithmetic3A_709 = arith.constant 6 : i32
      %shift_right_arithmetic3A_710 = arith.shrsi %scan3A_708, %shift_right_arithmetic3A_709 : i32
      %and3A_711 = arith.constant 63 : i32
      %and3A_712 = arith.andi %scan3A_708, %and3A_711 : i32
      %mul3A_713 = arith.constant 16 : i32
      %mul3A_714 = arith.muli %and3A_712, %mul3A_713 : i32
      %get3A_715 = arith.index_cast %shift_right_arithmetic3A_710 : i32 to index
      %get3A_716 = arith.index_cast %mul3A_714 : i32 to index
      %get3A_717 = tpu.vector_load %arg13[%get3A_715, %get3A_716] {strides = array<i32>} : memref<4x1024xf32, #tpu.memory_space<vmem>>, vector<1x16xf32>,
      %get3A_718 = vector.shape_cast %get3A_717 : vector<1x16xf32> to vector<16xf32>
      %swap3A_719 = arith.constant 0 : i32
      %swap3A_720 = arith.index_cast %shift_right_arithmetic3A_710 : i32 to index
      %swap3A_721 = arith.index_cast %swap3A_719 : i32 to index
      %swap3A_722 = arith.index_cast %mul3A_714 : i32 to index
      %swap3A_723 = tpu.vector_load %arg7[%swap3A_720, %swap3A_721, %swap3A_722] {strides = array<i32>} : memref<4x4x1024xf32, #tpu.memory_space<vmem>>, vector<1x1x16xf32>,
      %swap3A_724 = vector.shape_cast %swap3A_723 : vector<1x1x16xf32> to vector<16xf32>
      %swap3A_725 = vector.shape_cast %get3A_718 : vector<16xf32> to vector<1x1x16xf32>
      tpu.vector_store %arg7[%swap3A_720, %swap3A_721, %swap3A_722], %swap3A_725 {add = true, strides = array<i32>} : memref<4x4x1024xf32, #tpu.memory_space<vmem>>, vector<1x1x16xf32>,
      %swap3A_726 = arith.constant 1 : i32
      %swap3A_727 = arith.index_cast %shift_right_arithmetic3A_710 : i32 to index
      %swap3A_728 = arith.index_cast %swap3A_726 : i32 to index
      %swap3A_729 = arith.index_cast %mul3A_714 : i32 to index
      %swap3A_730 = tpu.vector_load %arg7[%swap3A_727, %swap3A_728, %swap3A_729] {strides = array<i32>} : memref<4x4x1024xf32, #tpu.memory_space<vmem>>, vector<1x1x16xf32>,
      %swap3A_731 = vector.shape_cast %swap3A_730 : vector<1x1x16xf32> to vector<16xf32>
      %swap3A_732 = vector.shape_cast %get3A_718 : vector<16xf32> to vector<1x1x16xf32>
      tpu.vector_store %arg7[%swap3A_727, %swap3A_728, %swap3A_729], %swap3A_732 {add = true, strides = array<i32>} : memref<4x4x1024xf32, #tpu.memory_space<vmem>>, vector<1x1x16xf32>,
      %swap3A_733 = arith.constant 2 : i32
      %swap3A_734 = arith.index_cast %shift_right_arithmetic3A_710 : i32 to index
      %swap3A_735 = arith.index_cast %swap3A_733 : i32 to index
      %swap3A_736 = arith.index_cast %mul3A_714 : i32 to index
      %swap3A_737 = tpu.vector_load %arg7[%swap3A_734, %swap3A_735, %swap3A_736] {strides = array<i32>} : memref<4x4x1024xf32, #tpu.memory_space<vmem>>, vector<1x1x16xf32>,
      %swap3A_738 = vector.shape_cast %swap3A_737 : vector<1x1x16xf32> to vector<16xf32>
      %swap3A_739 = vector.shape_cast %get3A_718 : vector<16xf32> to vector<1x1x16xf32>
      tpu.vector_store %arg7[%swap3A_734, %swap3A_735, %swap3A_736], %swap3A_739 {add = true, strides = array<i32>} : memref<4x4x1024xf32, #tpu.memory_space<vmem>>, vector<1x1x16xf32>,
      %swap3A_740 = arith.constant 3 : i32
      %swap3A_741 = arith.index_cast %shift_right_arithmetic3A_710 : i32 to index
      %swap3A_742 = arith.index_cast %swap3A_740 : i32 to index
      %swap3A_743 = arith.index_cast %mul3A_714 : i32 to index
      %swap3A_744 = tpu.vector_load %arg7[%swap3A_741, %swap3A_742, %swap3A_743] {strides = array<i32>} : memref<4x4x1024xf32, #tpu.memory_space<vmem>>, vector<1x1x16xf32>,
      %swap3A_745 = vector.shape_cast %swap3A_744 : vector<1x1x16xf32> to vector<16xf32>
      %swap3A_746 = vector.shape_cast %get3A_718 : vector<16xf32> to vector<1x1x16xf32>
      tpu.vector_store %arg7[%swap3A_741, %swap3A_742, %swap3A_743], %swap3A_746 {add = true, strides = array<i32>} : memref<4x4x1024xf32, #tpu.memory_space<vmem>>, vector<1x1x16xf32>,
    }
    %scan3A_407 = arith.constant 256 : i32
    %dma_start3A_408 = arith.constant 0 : i32
    %dma_start3A_409 = arith.constant 0 : i32
    %dma_start3A_410 = tpu.memref_slice %arg4[%add3A_391, %dma_start3A_408, %dma_start3A_409] : memref<2048x4x1024xf32, #tpu.memory_space<hbm>> -> memref<4x4x1024xf32, #tpu.memory_space<hbm>>
    %dma_start3A_411 = arith.constant 0 : i32
    %dma_start3A_412 = arith.constant 0 : i32
    %dma_start3A_413 = tpu.memref_slice %arg4[%add3A_391, %dma_start3A_411, %dma_start3A_412] : memref<2048x4x1024xf32, #tpu.memory_space<hbm>> -> memref<4x4x1024xf32, #tpu.memory_space<hbm>>
    tpu.enqueue_dma source(%arg7 : memref<4x4x1024xf32, #tpu.memory_space<vmem>>) target(%dma_start3A_413 : memref<4x4x1024xf32, #tpu.memory_space<hbm>>) target_semaphore(%arg25 : memref<!tpu.dma_semaphore, #tpu.memory_space<semaphore_mem>>)
    %dma_wait3A_414 = arith.constant 0 : i32
    %dma_wait3A_415 = arith.constant 0 : i32
    %dma_wait3A_416 = tpu.memref_slice %arg4[%add3A_349, %dma_wait3A_414, %dma_wait3A_415] : memref<2048x4x1024xf32, #tpu.memory_space<hbm>> -> memref<4x4x1024xf32, #tpu.memory_space<hbm>>
    %dma_wait3A_417 = arith.constant 0 : i32
    %dma_wait3A_418 = arith.constant 0 : i32
    %dma_wait3A_419 = tpu.memref_slice %arg4[%add3A_349, %dma_wait3A_417, %dma_wait3A_418] : memref<2048x4x1024xf32, #tpu.memory_space<hbm>> -> memref<4x4x1024xf32, #tpu.memory_space<hbm>>
    tpu.wait_dma2 semaphore(%arg24 : memref<!tpu.dma_semaphore, #tpu.memory_space<semaphore_mem>>) src(%arg6 : memref<4x4x1024xf32, #tpu.memory_space<vmem>>) dst(%dma_wait3A_419 : memref<4x4x1024xf32, #tpu.memory_space<hbm>>)
    %add3A_420 = arith.constant 52 : i32
    %add3A_421 = arith.addi %mul3A_2, %add3A_420 : i32
    %dma_start3A_422 = arith.constant 0 : i32
    %dma_start3A_423 = arith.constant 0 : i32
    %dma_start3A_424 = tpu.memref_slice %arg2[%add3A_421, %dma_start3A_422, %dma_start3A_423] : memref<2048x4x1024xf32, #tpu.memory_space<hbm>> -> memref<4x4x1024xf32, #tpu.memory_space<hbm>>
    %dma_start3A_425 = arith.constant 0 : i32
    %dma_start3A_426 = arith.constant 0 : i32
    %dma_start3A_427 = tpu.memref_slice %arg2[%add3A_421, %dma_start3A_425, %dma_start3A_426] : memref<2048x4x1024xf32, #tpu.memory_space<hbm>> -> memref<4x4x1024xf32, #tpu.memory_space<hbm>>
    tpu.enqueue_dma source(%dma_start3A_427 : memref<4x4x1024xf32, #tpu.memory_space<hbm>>) target(%arg6 : memref<4x4x1024xf32, #tpu.memory_space<vmem>>) target_semaphore(%arg18 : memref<!tpu.dma_semaphore, #tpu.memory_space<semaphore_mem>>)
    %dma_start3A_428 = arith.constant 0 : i32
    %dma_start3A_429 = tpu.memref_slice %arg3[%add3A_421, %dma_start3A_428] : memref<2048x1024xf32, #tpu.memory_space<hbm>> -> memref<4x1024xf32, #tpu.memory_space<hbm>>
    %dma_start3A_430 = arith.constant 0 : i32
    %dma_start3A_431 = tpu.memref_slice %arg3[%add3A_421, %dma_start3A_430] : memref<2048x1024xf32, #tpu.memory_space<hbm>> -> memref<4x1024xf32, #tpu.memory_space<hbm>>
    tpu.enqueue_dma source(%dma_start3A_431 : memref<4x1024xf32, #tpu.memory_space<hbm>>) target(%arg12 : memref<4x1024xf32, #tpu.memory_space<vmem>>) target_semaphore(%arg18 : memref<!tpu.dma_semaphore, #tpu.memory_space<semaphore_mem>>)
    %add3A_432 = arith.constant 36 : i32
    %add3A_433 = arith.addi %mul3A_2, %add3A_432 : i32
    %dma_wait3A_434 = arith.constant 0 : i32
    %dma_wait3A_435 = arith.constant 0 : i32
    %dma_wait3A_436 = tpu.memref_slice %arg2[%add3A_253, %dma_wait3A_434, %dma_wait3A_435] : memref<2048x4x1024xf32, #tpu.memory_space<hbm>> -> memref<4x4x1024xf32, #tpu.memory_space<hbm>>
    %dma_wait3A_437 = arith.constant 0 : i32
    %dma_wait3A_438 = arith.constant 0 : i32
    %dma_wait3A_439 = tpu.memref_slice %arg2[%add3A_253, %dma_wait3A_437, %dma_wait3A_438] : memref<2048x4x1024xf32, #tpu.memory_space<hbm>> -> memref<4x4x1024xf32, #tpu.memory_space<hbm>>
    tpu.wait_dma2 semaphore(%arg20 : memref<!tpu.dma_semaphore, #tpu.memory_space<semaphore_mem>>) src(%dma_wait3A_439 : memref<4x4x1024xf32, #tpu.memory_space<hbm>>) dst(%arg8 : memref<4x4x1024xf32, #tpu.memory_space<vmem>>)
    %dma_wait3A_440 = arith.constant 0 : i32
    %dma_wait3A_441 = tpu.memref_slice %arg3[%add3A_253, %dma_wait3A_440] : memref<2048x1024xf32, #tpu.memory_space<hbm>> -> memref<4x1024xf32, #tpu.memory_space<hbm>>
    %dma_wait3A_442 = arith.constant 0 : i32
    %dma_wait3A_443 = tpu.memref_slice %arg3[%add3A_253, %dma_wait3A_442] : memref<2048x1024xf32, #tpu.memory_space<hbm>> -> memref<4x1024xf32, #tpu.memory_space<hbm>>
    tpu.wait_dma2 semaphore(%arg20 : memref<!tpu.dma_semaphore, #tpu.memory_space<semaphore_mem>>) src(%dma_wait3A_443 : memref<4x1024xf32, #tpu.memory_space<hbm>>) dst(%arg14 : memref<4x1024xf32, #tpu.memory_space<vmem>>)
    %scan3A_444 = arith.constant 0 : i32
    %scan3A_445 = arith.constant 0 : i32
    %scan3A_446 = arith.constant 256 : i32
    %scan3A_447 = arith.addi %scan3A_445, %scan3A_446 : i32
    %scan3A_448 = arith.constant 2 : i32
    scf.for %scan3A_672 = %scan3A_445 to %scan3A_447 step %scan3A_448  : i32 {
      %shift_right_arithmetic3A = arith.constant 6 : i32
      %shift_right_arithmetic3A_673 = arith.shrsi %scan3A_672, %shift_right_arithmetic3A : i32
      %and3A = arith.constant 63 : i32
      %and3A_674 = arith.andi %scan3A_672, %and3A : i32
      %mul3A_675 = arith.constant 16 : i32
      %mul3A_676 = arith.muli %and3A_674, %mul3A_675 : i32
      %get3A = arith.index_cast %shift_right_arithmetic3A_673 : i32 to index
      %get3A_677 = arith.index_cast %mul3A_676 : i32 to index
      %get3A_678 = tpu.vector_load %arg14[%get3A, %get3A_677] {strides = array<i32>} : memref<4x1024xf32, #tpu.memory_space<vmem>>, vector<1x16xf32>,
      %get3A_679 = vector.shape_cast %get3A_678 : vector<1x16xf32> to vector<16xf32>
      %swap3A = arith.constant 0 : i32
      %swap3A_680 = arith.index_cast %shift_right_arithmetic3A_673 : i32 to index
      %swap3A_681 = arith.index_cast %swap3A : i32 to index
      %swap3A_682 = arith.index_cast %mul3A_676 : i32 to index
      %swap3A_683 = tpu.vector_load %arg8[%swap3A_680, %swap3A_681, %swap3A_682] {strides = array<i32>} : memref<4x4x1024xf32, #tpu.memory_space<vmem>>, vector<1x1x16xf32>,
      %swap3A_684 = vector.shape_cast %swap3A_683 : vector<1x1x16xf32> to vector<16xf32>
      %swap3A_685 = vector.shape_cast %get3A_679 : vector<16xf32> to vector<1x1x16xf32>
      tpu.vector_store %arg8[%swap3A_680, %swap3A_681, %swap3A_682], %swap3A_685 {add = true, strides = array<i32>} : memref<4x4x1024xf32, #tpu.memory_space<vmem>>, vector<1x1x16xf32>,
      %swap3A_686 = arith.constant 1 : i32
      %swap3A_687 = arith.index_cast %shift_right_arithmetic3A_673 : i32 to index
      %swap3A_688 = arith.index_cast %swap3A_686 : i32 to index
      %swap3A_689 = arith.index_cast %mul3A_676 : i32 to index
      %swap3A_690 = tpu.vector_load %arg8[%swap3A_687, %swap3A_688, %swap3A_689] {strides = array<i32>} : memref<4x4x1024xf32, #tpu.memory_space<vmem>>, vector<1x1x16xf32>,
      %swap3A_691 = vector.shape_cast %swap3A_690 : vector<1x1x16xf32> to vector<16xf32>
      %swap3A_692 = vector.shape_cast %get3A_679 : vector<16xf32> to vector<1x1x16xf32>
      tpu.vector_store %arg8[%swap3A_687, %swap3A_688, %swap3A_689], %swap3A_692 {add = true, strides = array<i32>} : memref<4x4x1024xf32, #tpu.memory_space<vmem>>, vector<1x1x16xf32>,
      %swap3A_693 = arith.constant 2 : i32
      %swap3A_694 = arith.index_cast %shift_right_arithmetic3A_673 : i32 to index
      %swap3A_695 = arith.index_cast %swap3A_693 : i32 to index
      %swap3A_696 = arith.index_cast %mul3A_676 : i32 to index
      %swap3A_697 = tpu.vector_load %arg8[%swap3A_694, %swap3A_695, %swap3A_696] {strides = array<i32>} : memref<4x4x1024xf32, #tpu.memory_space<vmem>>, vector<1x1x16xf32>,
      %swap3A_698 = vector.shape_cast %swap3A_697 : vector<1x1x16xf32> to vector<16xf32>
      %swap3A_699 = vector.shape_cast %get3A_679 : vector<16xf32> to vector<1x1x16xf32>
      tpu.vector_store %arg8[%swap3A_694, %swap3A_695, %swap3A_696], %swap3A_699 {add = true, strides = array<i32>} : memref<4x4x1024xf32, #tpu.memory_space<vmem>>, vector<1x1x16xf32>,
      %swap3A_700 = arith.constant 3 : i32
      %swap3A_701 = arith.index_cast %shift_right_arithmetic3A_673 : i32 to index
      %swap3A_702 = arith.index_cast %swap3A_700 : i32 to index
      %swap3A_703 = arith.index_cast %mul3A_676 : i32 to index
      %swap3A_704 = tpu.vector_load %arg8[%swap3A_701, %swap3A_702, %swap3A_703] {strides = array<i32>} : memref<4x4x1024xf32, #tpu.memory_space<vmem>>, vector<1x1x16xf32>,
      %swap3A_705 = vector.shape_cast %swap3A_704 : vector<1x1x16xf32> to vector<16xf32>
      %swap3A_706 = vector.shape_cast %get3A_679 : vector<16xf32> to vector<1x1x16xf32>
      tpu.vector_store %arg8[%swap3A_701, %swap3A_702, %swap3A_703], %swap3A_706 {add = true, strides = array<i32>} : memref<4x4x1024xf32, #tpu.memory_space<vmem>>, vector<1x1x16xf32>,
      %scan3A_707 = arith.constant 1 : i32
      %scan3A_708 = arith.addi %scan3A_672, %scan3A_707 : i32
      %shift_right_arithmetic3A_709 = arith.constant 6 : i32
      %shift_right_arithmetic3A_710 = arith.shrsi %scan3A_708, %shift_right_arithmetic3A_709 : i32
      %and3A_711 = arith.constant 63 : i32
      %and3A_712 = arith.andi %scan3A_708, %and3A_711 : i32
      %mul3A_713 = arith.constant 16 : i32
      %mul3A_714 = arith.muli %and3A_712, %mul3A_713 : i32
      %get3A_715 = arith.index_cast %shift_right_arithmetic3A_710 : i32 to index
      %get3A_716 = arith.index_cast %mul3A_714 : i32 to index
      %get3A_717 = tpu.vector_load %arg14[%get3A_715, %get3A_716] {strides = array<i32>} : memref<4x1024xf32, #tpu.memory_space<vmem>>, vector<1x16xf32>,
      %get3A_718 = vector.shape_cast %get3A_717 : vector<1x16xf32> to vector<16xf32>
      %swap3A_719 = arith.constant 0 : i32
      %swap3A_720 = arith.index_cast %shift_right_arithmetic3A_710 : i32 to index
      %swap3A_721 = arith.index_cast %swap3A_719 : i32 to index
      %swap3A_722 = arith.index_cast %mul3A_714 : i32 to index
      %swap3A_723 = tpu.vector_load %arg8[%swap3A_720, %swap3A_721, %swap3A_722] {strides = array<i32>} : memref<4x4x1024xf32, #tpu.memory_space<vmem>>, vector<1x1x16xf32>,
      %swap3A_724 = vector.shape_cast %swap3A_723 : vector<1x1x16xf32> to vector<16xf32>
      %swap3A_725 = vector.shape_cast %get3A_718 : vector<16xf32> to vector<1x1x16xf32>
      tpu.vector_store %arg8[%swap3A_720, %swap3A_721, %swap3A_722], %swap3A_725 {add = true, strides = array<i32>} : memref<4x4x1024xf32, #tpu.memory_space<vmem>>, vector<1x1x16xf32>,
      %swap3A_726 = arith.constant 1 : i32
      %swap3A_727 = arith.index_cast %shift_right_arithmetic3A_710 : i32 to index
      %swap3A_728 = arith.index_cast %swap3A_726 : i32 to index
      %swap3A_729 = arith.index_cast %mul3A_714 : i32 to index
      %swap3A_730 = tpu.vector_load %arg8[%swap3A_727, %swap3A_728, %swap3A_729] {strides = array<i32>} : memref<4x4x1024xf32, #tpu.memory_space<vmem>>, vector<1x1x16xf32>,
      %swap3A_731 = vector.shape_cast %swap3A_730 : vector<1x1x16xf32> to vector<16xf32>
      %swap3A_732 = vector.shape_cast %get3A_718 : vector<16xf32> to vector<1x1x16xf32>
      tpu.vector_store %arg8[%swap3A_727, %swap3A_728, %swap3A_729], %swap3A_732 {add = true, strides = array<i32>} : memref<4x4x1024xf32, #tpu.memory_space<vmem>>, vector<1x1x16xf32>,
      %swap3A_733 = arith.constant 2 : i32
      %swap3A_734 = arith.index_cast %shift_right_arithmetic3A_710 : i32 to index
      %swap3A_735 = arith.index_cast %swap3A_733 : i32 to index
      %swap3A_736 = arith.index_cast %mul3A_714 : i32 to index
      %swap3A_737 = tpu.vector_load %arg8[%swap3A_734, %swap3A_735, %swap3A_736] {strides = array<i32>} : memref<4x4x1024xf32, #tpu.memory_space<vmem>>, vector<1x1x16xf32>,
      %swap3A_738 = vector.shape_cast %swap3A_737 : vector<1x1x16xf32> to vector<16xf32>
      %swap3A_739 = vector.shape_cast %get3A_718 : vector<16xf32> to vector<1x1x16xf32>
      tpu.vector_store %arg8[%swap3A_734, %swap3A_735, %swap3A_736], %swap3A_739 {add = true, strides = array<i32>} : memref<4x4x1024xf32, #tpu.memory_space<vmem>>, vector<1x1x16xf32>,
      %swap3A_740 = arith.constant 3 : i32
      %swap3A_741 = arith.index_cast %shift_right_arithmetic3A_710 : i32 to index
      %swap3A_742 = arith.index_cast %swap3A_740 : i32 to index
      %swap3A_743 = arith.index_cast %mul3A_714 : i32 to index
      %swap3A_744 = tpu.vector_load %arg8[%swap3A_741, %swap3A_742, %swap3A_743] {strides = array<i32>} : memref<4x4x1024xf32, #tpu.memory_space<vmem>>, vector<1x1x16xf32>,
      %swap3A_745 = vector.shape_cast %swap3A_744 : vector<1x1x16xf32> to vector<16xf32>
      %swap3A_746 = vector.shape_cast %get3A_718 : vector<16xf32> to vector<1x1x16xf32>
      tpu.vector_store %arg8[%swap3A_741, %swap3A_742, %swap3A_743], %swap3A_746 {add = true, strides = array<i32>} : memref<4x4x1024xf32, #tpu.memory_space<vmem>>, vector<1x1x16xf32>,
    }
    %scan3A_449 = arith.constant 256 : i32
    %dma_start3A_450 = arith.constant 0 : i32
    %dma_start3A_451 = arith.constant 0 : i32
    %dma_start3A_452 = tpu.memref_slice %arg4[%add3A_433, %dma_start3A_450, %dma_start3A_451] : memref<2048x4x1024xf32, #tpu.memory_space<hbm>> -> memref<4x4x1024xf32, #tpu.memory_space<hbm>>
    %dma_start3A_453 = arith.constant 0 : i32
    %dma_start3A_454 = arith.constant 0 : i32
    %dma_start3A_455 = tpu.memref_slice %arg4[%add3A_433, %dma_start3A_453, %dma_start3A_454] : memref<2048x4x1024xf32, #tpu.memory_space<hbm>> -> memref<4x4x1024xf32, #tpu.memory_space<hbm>>
    tpu.enqueue_dma source(%arg8 : memref<4x4x1024xf32, #tpu.memory_space<vmem>>) target(%dma_start3A_455 : memref<4x4x1024xf32, #tpu.memory_space<hbm>>) target_semaphore(%arg26 : memref<!tpu.dma_semaphore, #tpu.memory_space<semaphore_mem>>)
    %dma_wait3A_456 = arith.constant 0 : i32
    %dma_wait3A_457 = arith.constant 0 : i32
    %dma_wait3A_458 = tpu.memref_slice %arg4[%add3A_391, %dma_wait3A_456, %dma_wait3A_457] : memref<2048x4x1024xf32, #tpu.memory_space<hbm>> -> memref<4x4x1024xf32, #tpu.memory_space<hbm>>
    %dma_wait3A_459 = arith.constant 0 : i32
    %dma_wait3A_460 = arith.constant 0 : i32
    %dma_wait3A_461 = tpu.memref_slice %arg4[%add3A_391, %dma_wait3A_459, %dma_wait3A_460] : memref<2048x4x1024xf32, #tpu.memory_space<hbm>> -> memref<4x4x1024xf32, #tpu.memory_space<hbm>>
    tpu.wait_dma2 semaphore(%arg25 : memref<!tpu.dma_semaphore, #tpu.memory_space<semaphore_mem>>) src(%arg7 : memref<4x4x1024xf32, #tpu.memory_space<vmem>>) dst(%dma_wait3A_461 : memref<4x4x1024xf32, #tpu.memory_space<hbm>>)
    %add3A_462 = arith.constant 56 : i32
    %add3A_463 = arith.addi %mul3A_2, %add3A_462 : i32
    %dma_start3A_464 = arith.constant 0 : i32
    %dma_start3A_465 = arith.constant 0 : i32
    %dma_start3A_466 = tpu.memref_slice %arg2[%add3A_463, %dma_start3A_464, %dma_start3A_465] : memref<2048x4x1024xf32, #tpu.memory_space<hbm>> -> memref<4x4x1024xf32, #tpu.memory_space<hbm>>
    %dma_start3A_467 = arith.constant 0 : i32
    %dma_start3A_468 = arith.constant 0 : i32
    %dma_start3A_469 = tpu.memref_slice %arg2[%add3A_463, %dma_start3A_467, %dma_start3A_468] : memref<2048x4x1024xf32, #tpu.memory_space<hbm>> -> memref<4x4x1024xf32, #tpu.memory_space<hbm>>
    tpu.enqueue_dma source(%dma_start3A_469 : memref<4x4x1024xf32, #tpu.memory_space<hbm>>) target(%arg7 : memref<4x4x1024xf32, #tpu.memory_space<vmem>>) target_semaphore(%arg19 : memref<!tpu.dma_semaphore, #tpu.memory_space<semaphore_mem>>)
    %dma_start3A_470 = arith.constant 0 : i32
    %dma_start3A_471 = tpu.memref_slice %arg3[%add3A_463, %dma_start3A_470] : memref<2048x1024xf32, #tpu.memory_space<hbm>> -> memref<4x1024xf32, #tpu.memory_space<hbm>>
    %dma_start3A_472 = arith.constant 0 : i32
    %dma_start3A_473 = tpu.memref_slice %arg3[%add3A_463, %dma_start3A_472] : memref<2048x1024xf32, #tpu.memory_space<hbm>> -> memref<4x1024xf32, #tpu.memory_space<hbm>>
    tpu.enqueue_dma source(%dma_start3A_473 : memref<4x1024xf32, #tpu.memory_space<hbm>>) target(%arg13 : memref<4x1024xf32, #tpu.memory_space<vmem>>) target_semaphore(%arg19 : memref<!tpu.dma_semaphore, #tpu.memory_space<semaphore_mem>>)
    %add3A_474 = arith.constant 40 : i32
    %add3A_475 = arith.addi %mul3A_2, %add3A_474 : i32
    %dma_wait3A_476 = arith.constant 0 : i32
    %dma_wait3A_477 = arith.constant 0 : i32
    %dma_wait3A_478 = tpu.memref_slice %arg2[%add3A_295, %dma_wait3A_476, %dma_wait3A_477] : memref<2048x4x1024xf32, #tpu.memory_space<hbm>> -> memref<4x4x1024xf32, #tpu.memory_space<hbm>>
    %dma_wait3A_479 = arith.constant 0 : i32
    %dma_wait3A_480 = arith.constant 0 : i32
    %dma_wait3A_481 = tpu.memref_slice %arg2[%add3A_295, %dma_wait3A_479, %dma_wait3A_480] : memref<2048x4x1024xf32, #tpu.memory_space<hbm>> -> memref<4x4x1024xf32, #tpu.memory_space<hbm>>
    tpu.wait_dma2 semaphore(%arg21 : memref<!tpu.dma_semaphore, #tpu.memory_space<semaphore_mem>>) src(%dma_wait3A_481 : memref<4x4x1024xf32, #tpu.memory_space<hbm>>) dst(%arg9 : memref<4x4x1024xf32, #tpu.memory_space<vmem>>)
    %dma_wait3A_482 = arith.constant 0 : i32
    %dma_wait3A_483 = tpu.memref_slice %arg3[%add3A_295, %dma_wait3A_482] : memref<2048x1024xf32, #tpu.memory_space<hbm>> -> memref<4x1024xf32, #tpu.memory_space<hbm>>
    %dma_wait3A_484 = arith.constant 0 : i32
    %dma_wait3A_485 = tpu.memref_slice %arg3[%add3A_295, %dma_wait3A_484] : memref<2048x1024xf32, #tpu.memory_space<hbm>> -> memref<4x1024xf32, #tpu.memory_space<hbm>>
    tpu.wait_dma2 semaphore(%arg21 : memref<!tpu.dma_semaphore, #tpu.memory_space<semaphore_mem>>) src(%dma_wait3A_485 : memref<4x1024xf32, #tpu.memory_space<hbm>>) dst(%arg15 : memref<4x1024xf32, #tpu.memory_space<vmem>>)
    %scan3A_486 = arith.constant 0 : i32
    %scan3A_487 = arith.constant 0 : i32
    %scan3A_488 = arith.constant 256 : i32
    %scan3A_489 = arith.addi %scan3A_487, %scan3A_488 : i32
    %scan3A_490 = arith.constant 2 : i32
    scf.for %scan3A_672 = %scan3A_487 to %scan3A_489 step %scan3A_490  : i32 {
      %shift_right_arithmetic3A = arith.constant 6 : i32
      %shift_right_arithmetic3A_673 = arith.shrsi %scan3A_672, %shift_right_arithmetic3A : i32
      %and3A = arith.constant 63 : i32
      %and3A_674 = arith.andi %scan3A_672, %and3A : i32
      %mul3A_675 = arith.constant 16 : i32
      %mul3A_676 = arith.muli %and3A_674, %mul3A_675 : i32
      %get3A = arith.index_cast %shift_right_arithmetic3A_673 : i32 to index
      %get3A_677 = arith.index_cast %mul3A_676 : i32 to index
      %get3A_678 = tpu.vector_load %arg15[%get3A, %get3A_677] {strides = array<i32>} : memref<4x1024xf32, #tpu.memory_space<vmem>>, vector<1x16xf32>,
      %get3A_679 = vector.shape_cast %get3A_678 : vector<1x16xf32> to vector<16xf32>
      %swap3A = arith.constant 0 : i32
      %swap3A_680 = arith.index_cast %shift_right_arithmetic3A_673 : i32 to index
      %swap3A_681 = arith.index_cast %swap3A : i32 to index
      %swap3A_682 = arith.index_cast %mul3A_676 : i32 to index
      %swap3A_683 = tpu.vector_load %arg9[%swap3A_680, %swap3A_681, %swap3A_682] {strides = array<i32>} : memref<4x4x1024xf32, #tpu.memory_space<vmem>>, vector<1x1x16xf32>,
      %swap3A_684 = vector.shape_cast %swap3A_683 : vector<1x1x16xf32> to vector<16xf32>
      %swap3A_685 = vector.shape_cast %get3A_679 : vector<16xf32> to vector<1x1x16xf32>
      tpu.vector_store %arg9[%swap3A_680, %swap3A_681, %swap3A_682], %swap3A_685 {add = true, strides = array<i32>} : memref<4x4x1024xf32, #tpu.memory_space<vmem>>, vector<1x1x16xf32>,
      %swap3A_686 = arith.constant 1 : i32
      %swap3A_687 = arith.index_cast %shift_right_arithmetic3A_673 : i32 to index
      %swap3A_688 = arith.index_cast %swap3A_686 : i32 to index
      %swap3A_689 = arith.index_cast %mul3A_676 : i32 to index
      %swap3A_690 = tpu.vector_load %arg9[%swap3A_687, %swap3A_688, %swap3A_689] {strides = array<i32>} : memref<4x4x1024xf32, #tpu.memory_space<vmem>>, vector<1x1x16xf32>,
      %swap3A_691 = vector.shape_cast %swap3A_690 : vector<1x1x16xf32> to vector<16xf32>
      %swap3A_692 = vector.shape_cast %get3A_679 : vector<16xf32> to vector<1x1x16xf32>
      tpu.vector_store %arg9[%swap3A_687, %swap3A_688, %swap3A_689], %swap3A_692 {add = true, strides = array<i32>} : memref<4x4x1024xf32, #tpu.memory_space<vmem>>, vector<1x1x16xf32>,
      %swap3A_693 = arith.constant 2 : i32
      %swap3A_694 = arith.index_cast %shift_right_arithmetic3A_673 : i32 to index
      %swap3A_695 = arith.index_cast %swap3A_693 : i32 to index
      %swap3A_696 = arith.index_cast %mul3A_676 : i32 to index
      %swap3A_697 = tpu.vector_load %arg9[%swap3A_694, %swap3A_695, %swap3A_696] {strides = array<i32>} : memref<4x4x1024xf32, #tpu.memory_space<vmem>>, vector<1x1x16xf32>,
      %swap3A_698 = vector.shape_cast %swap3A_697 : vector<1x1x16xf32> to vector<16xf32>
      %swap3A_699 = vector.shape_cast %get3A_679 : vector<16xf32> to vector<1x1x16xf32>
      tpu.vector_store %arg9[%swap3A_694, %swap3A_695, %swap3A_696], %swap3A_699 {add = true, strides = array<i32>} : memref<4x4x1024xf32, #tpu.memory_space<vmem>>, vector<1x1x16xf32>,
      %swap3A_700 = arith.constant 3 : i32
      %swap3A_701 = arith.index_cast %shift_right_arithmetic3A_673 : i32 to index
      %swap3A_702 = arith.index_cast %swap3A_700 : i32 to index
      %swap3A_703 = arith.index_cast %mul3A_676 : i32 to index
      %swap3A_704 = tpu.vector_load %arg9[%swap3A_701, %swap3A_702, %swap3A_703] {strides = array<i32>} : memref<4x4x1024xf32, #tpu.memory_space<vmem>>, vector<1x1x16xf32>,
      %swap3A_705 = vector.shape_cast %swap3A_704 : vector<1x1x16xf32> to vector<16xf32>
      %swap3A_706 = vector.shape_cast %get3A_679 : vector<16xf32> to vector<1x1x16xf32>
      tpu.vector_store %arg9[%swap3A_701, %swap3A_702, %swap3A_703], %swap3A_706 {add = true, strides = array<i32>} : memref<4x4x1024xf32, #tpu.memory_space<vmem>>, vector<1x1x16xf32>,
      %scan3A_707 = arith.constant 1 : i32
      %scan3A_708 = arith.addi %scan3A_672, %scan3A_707 : i32
      %shift_right_arithmetic3A_709 = arith.constant 6 : i32
      %shift_right_arithmetic3A_710 = arith.shrsi %scan3A_708, %shift_right_arithmetic3A_709 : i32
      %and3A_711 = arith.constant 63 : i32
      %and3A_712 = arith.andi %scan3A_708, %and3A_711 : i32
      %mul3A_713 = arith.constant 16 : i32
      %mul3A_714 = arith.muli %and3A_712, %mul3A_713 : i32
      %get3A_715 = arith.index_cast %shift_right_arithmetic3A_710 : i32 to index
      %get3A_716 = arith.index_cast %mul3A_714 : i32 to index
      %get3A_717 = tpu.vector_load %arg15[%get3A_715, %get3A_716] {strides = array<i32>} : memref<4x1024xf32, #tpu.memory_space<vmem>>, vector<1x16xf32>,
      %get3A_718 = vector.shape_cast %get3A_717 : vector<1x16xf32> to vector<16xf32>
      %swap3A_719 = arith.constant 0 : i32
      %swap3A_720 = arith.index_cast %shift_right_arithmetic3A_710 : i32 to index
      %swap3A_721 = arith.index_cast %swap3A_719 : i32 to index
      %swap3A_722 = arith.index_cast %mul3A_714 : i32 to index
      %swap3A_723 = tpu.vector_load %arg9[%swap3A_720, %swap3A_721, %swap3A_722] {strides = array<i32>} : memref<4x4x1024xf32, #tpu.memory_space<vmem>>, vector<1x1x16xf32>,
      %swap3A_724 = vector.shape_cast %swap3A_723 : vector<1x1x16xf32> to vector<16xf32>
      %swap3A_725 = vector.shape_cast %get3A_718 : vector<16xf32> to vector<1x1x16xf32>
      tpu.vector_store %arg9[%swap3A_720, %swap3A_721, %swap3A_722], %swap3A_725 {add = true, strides = array<i32>} : memref<4x4x1024xf32, #tpu.memory_space<vmem>>, vector<1x1x16xf32>,
      %swap3A_726 = arith.constant 1 : i32
      %swap3A_727 = arith.index_cast %shift_right_arithmetic3A_710 : i32 to index
      %swap3A_728 = arith.index_cast %swap3A_726 : i32 to index
      %swap3A_729 = arith.index_cast %mul3A_714 : i32 to index
      %swap3A_730 = tpu.vector_load %arg9[%swap3A_727, %swap3A_728, %swap3A_729] {strides = array<i32>} : memref<4x4x1024xf32, #tpu.memory_space<vmem>>, vector<1x1x16xf32>,
      %swap3A_731 = vector.shape_cast %swap3A_730 : vector<1x1x16xf32> to vector<16xf32>
      %swap3A_732 = vector.shape_cast %get3A_718 : vector<16xf32> to vector<1x1x16xf32>
      tpu.vector_store %arg9[%swap3A_727, %swap3A_728, %swap3A_729], %swap3A_732 {add = true, strides = array<i32>} : memref<4x4x1024xf32, #tpu.memory_space<vmem>>, vector<1x1x16xf32>,
      %swap3A_733 = arith.constant 2 : i32
      %swap3A_734 = arith.index_cast %shift_right_arithmetic3A_710 : i32 to index
      %swap3A_735 = arith.index_cast %swap3A_733 : i32 to index
      %swap3A_736 = arith.index_cast %mul3A_714 : i32 to index
      %swap3A_737 = tpu.vector_load %arg9[%swap3A_734, %swap3A_735, %swap3A_736] {strides = array<i32>} : memref<4x4x1024xf32, #tpu.memory_space<vmem>>, vector<1x1x16xf32>,
      %swap3A_738 = vector.shape_cast %swap3A_737 : vector<1x1x16xf32> to vector<16xf32>
      %swap3A_739 = vector.shape_cast %get3A_718 : vector<16xf32> to vector<1x1x16xf32>
      tpu.vector_store %arg9[%swap3A_734, %swap3A_735, %swap3A_736], %swap3A_739 {add = true, strides = array<i32>} : memref<4x4x1024xf32, #tpu.memory_space<vmem>>, vector<1x1x16xf32>,
      %swap3A_740 = arith.constant 3 : i32
      %swap3A_741 = arith.index_cast %shift_right_arithmetic3A_710 : i32 to index
      %swap3A_742 = arith.index_cast %swap3A_740 : i32 to index
      %swap3A_743 = arith.index_cast %mul3A_714 : i32 to index
      %swap3A_744 = tpu.vector_load %arg9[%swap3A_741, %swap3A_742, %swap3A_743] {strides = array<i32>} : memref<4x4x1024xf32, #tpu.memory_space<vmem>>, vector<1x1x16xf32>,
      %swap3A_745 = vector.shape_cast %swap3A_744 : vector<1x1x16xf32> to vector<16xf32>
      %swap3A_746 = vector.shape_cast %get3A_718 : vector<16xf32> to vector<1x1x16xf32>
      tpu.vector_store %arg9[%swap3A_741, %swap3A_742, %swap3A_743], %swap3A_746 {add = true, strides = array<i32>} : memref<4x4x1024xf32, #tpu.memory_space<vmem>>, vector<1x1x16xf32>,
    }
    %scan3A_491 = arith.constant 256 : i32
    %dma_start3A_492 = arith.constant 0 : i32
    %dma_start3A_493 = arith.constant 0 : i32
    %dma_start3A_494 = tpu.memref_slice %arg4[%add3A_475, %dma_start3A_492, %dma_start3A_493] : memref<2048x4x1024xf32, #tpu.memory_space<hbm>> -> memref<4x4x1024xf32, #tpu.memory_space<hbm>>
    %dma_start3A_495 = arith.constant 0 : i32
    %dma_start3A_496 = arith.constant 0 : i32
    %dma_start3A_497 = tpu.memref_slice %arg4[%add3A_475, %dma_start3A_495, %dma_start3A_496] : memref<2048x4x1024xf32, #tpu.memory_space<hbm>> -> memref<4x4x1024xf32, #tpu.memory_space<hbm>>
    tpu.enqueue_dma source(%arg9 : memref<4x4x1024xf32, #tpu.memory_space<vmem>>) target(%dma_start3A_497 : memref<4x4x1024xf32, #tpu.memory_space<hbm>>) target_semaphore(%arg27 : memref<!tpu.dma_semaphore, #tpu.memory_space<semaphore_mem>>)
    %dma_wait3A_498 = arith.constant 0 : i32
    %dma_wait3A_499 = arith.constant 0 : i32
    %dma_wait3A_500 = tpu.memref_slice %arg4[%add3A_433, %dma_wait3A_498, %dma_wait3A_499] : memref<2048x4x1024xf32, #tpu.memory_space<hbm>> -> memref<4x4x1024xf32, #tpu.memory_space<hbm>>
    %dma_wait3A_501 = arith.constant 0 : i32
    %dma_wait3A_502 = arith.constant 0 : i32
    %dma_wait3A_503 = tpu.memref_slice %arg4[%add3A_433, %dma_wait3A_501, %dma_wait3A_502] : memref<2048x4x1024xf32, #tpu.memory_space<hbm>> -> memref<4x4x1024xf32, #tpu.memory_space<hbm>>
    tpu.wait_dma2 semaphore(%arg26 : memref<!tpu.dma_semaphore, #tpu.memory_space<semaphore_mem>>) src(%arg8 : memref<4x4x1024xf32, #tpu.memory_space<vmem>>) dst(%dma_wait3A_503 : memref<4x4x1024xf32, #tpu.memory_space<hbm>>)
    %add3A_504 = arith.constant 60 : i32
    %add3A_505 = arith.addi %mul3A_2, %add3A_504 : i32
    %dma_start3A_506 = arith.constant 0 : i32
    %dma_start3A_507 = arith.constant 0 : i32
    %dma_start3A_508 = tpu.memref_slice %arg2[%add3A_505, %dma_start3A_506, %dma_start3A_507] : memref<2048x4x1024xf32, #tpu.memory_space<hbm>> -> memref<4x4x1024xf32, #tpu.memory_space<hbm>>
    %dma_start3A_509 = arith.constant 0 : i32
    %dma_start3A_510 = arith.constant 0 : i32
    %dma_start3A_511 = tpu.memref_slice %arg2[%add3A_505, %dma_start3A_509, %dma_start3A_510] : memref<2048x4x1024xf32, #tpu.memory_space<hbm>> -> memref<4x4x1024xf32, #tpu.memory_space<hbm>>
    tpu.enqueue_dma source(%dma_start3A_511 : memref<4x4x1024xf32, #tpu.memory_space<hbm>>) target(%arg8 : memref<4x4x1024xf32, #tpu.memory_space<vmem>>) target_semaphore(%arg20 : memref<!tpu.dma_semaphore, #tpu.memory_space<semaphore_mem>>)
    %dma_start3A_512 = arith.constant 0 : i32
    %dma_start3A_513 = tpu.memref_slice %arg3[%add3A_505, %dma_start3A_512] : memref<2048x1024xf32, #tpu.memory_space<hbm>> -> memref<4x1024xf32, #tpu.memory_space<hbm>>
    %dma_start3A_514 = arith.constant 0 : i32
    %dma_start3A_515 = tpu.memref_slice %arg3[%add3A_505, %dma_start3A_514] : memref<2048x1024xf32, #tpu.memory_space<hbm>> -> memref<4x1024xf32, #tpu.memory_space<hbm>>
    tpu.enqueue_dma source(%dma_start3A_515 : memref<4x1024xf32, #tpu.memory_space<hbm>>) target(%arg14 : memref<4x1024xf32, #tpu.memory_space<vmem>>) target_semaphore(%arg20 : memref<!tpu.dma_semaphore, #tpu.memory_space<semaphore_mem>>)
    %add3A_516 = arith.constant 44 : i32
    %add3A_517 = arith.addi %mul3A_2, %add3A_516 : i32
    %dma_wait3A_518 = arith.constant 0 : i32
    %dma_wait3A_519 = arith.constant 0 : i32
    %dma_wait3A_520 = tpu.memref_slice %arg2[%add3A_337, %dma_wait3A_518, %dma_wait3A_519] : memref<2048x4x1024xf32, #tpu.memory_space<hbm>> -> memref<4x4x1024xf32, #tpu.memory_space<hbm>>
    %dma_wait3A_521 = arith.constant 0 : i32
    %dma_wait3A_522 = arith.constant 0 : i32
    %dma_wait3A_523 = tpu.memref_slice %arg2[%add3A_337, %dma_wait3A_521, %dma_wait3A_522] : memref<2048x4x1024xf32, #tpu.memory_space<hbm>> -> memref<4x4x1024xf32, #tpu.memory_space<hbm>>
    tpu.wait_dma2 semaphore(%arg22 : memref<!tpu.dma_semaphore, #tpu.memory_space<semaphore_mem>>) src(%dma_wait3A_523 : memref<4x4x1024xf32, #tpu.memory_space<hbm>>) dst(%arg10 : memref<4x4x1024xf32, #tpu.memory_space<vmem>>)
    %dma_wait3A_524 = arith.constant 0 : i32
    %dma_wait3A_525 = tpu.memref_slice %arg3[%add3A_337, %dma_wait3A_524] : memref<2048x1024xf32, #tpu.memory_space<hbm>> -> memref<4x1024xf32, #tpu.memory_space<hbm>>
    %dma_wait3A_526 = arith.constant 0 : i32
    %dma_wait3A_527 = tpu.memref_slice %arg3[%add3A_337, %dma_wait3A_526] : memref<2048x1024xf32, #tpu.memory_space<hbm>> -> memref<4x1024xf32, #tpu.memory_space<hbm>>
    tpu.wait_dma2 semaphore(%arg22 : memref<!tpu.dma_semaphore, #tpu.memory_space<semaphore_mem>>) src(%dma_wait3A_527 : memref<4x1024xf32, #tpu.memory_space<hbm>>) dst(%arg16 : memref<4x1024xf32, #tpu.memory_space<vmem>>)
    %scan3A_528 = arith.constant 0 : i32
    %scan3A_529 = arith.constant 0 : i32
    %scan3A_530 = arith.constant 256 : i32
    %scan3A_531 = arith.addi %scan3A_529, %scan3A_530 : i32
    %scan3A_532 = arith.constant 2 : i32
    scf.for %scan3A_672 = %scan3A_529 to %scan3A_531 step %scan3A_532  : i32 {
      %shift_right_arithmetic3A = arith.constant 6 : i32
      %shift_right_arithmetic3A_673 = arith.shrsi %scan3A_672, %shift_right_arithmetic3A : i32
      %and3A = arith.constant 63 : i32
      %and3A_674 = arith.andi %scan3A_672, %and3A : i32
      %mul3A_675 = arith.constant 16 : i32
      %mul3A_676 = arith.muli %and3A_674, %mul3A_675 : i32
      %get3A = arith.index_cast %shift_right_arithmetic3A_673 : i32 to index
      %get3A_677 = arith.index_cast %mul3A_676 : i32 to index
      %get3A_678 = tpu.vector_load %arg16[%get3A, %get3A_677] {strides = array<i32>} : memref<4x1024xf32, #tpu.memory_space<vmem>>, vector<1x16xf32>,
      %get3A_679 = vector.shape_cast %get3A_678 : vector<1x16xf32> to vector<16xf32>
      %swap3A = arith.constant 0 : i32
      %swap3A_680 = arith.index_cast %shift_right_arithmetic3A_673 : i32 to index
      %swap3A_681 = arith.index_cast %swap3A : i32 to index
      %swap3A_682 = arith.index_cast %mul3A_676 : i32 to index
      %swap3A_683 = tpu.vector_load %arg10[%swap3A_680, %swap3A_681, %swap3A_682] {strides = array<i32>} : memref<4x4x1024xf32, #tpu.memory_space<vmem>>, vector<1x1x16xf32>,
      %swap3A_684 = vector.shape_cast %swap3A_683 : vector<1x1x16xf32> to vector<16xf32>
      %swap3A_685 = vector.shape_cast %get3A_679 : vector<16xf32> to vector<1x1x16xf32>
      tpu.vector_store %arg10[%swap3A_680, %swap3A_681, %swap3A_682], %swap3A_685 {add = true, strides = array<i32>} : memref<4x4x1024xf32, #tpu.memory_space<vmem>>, vector<1x1x16xf32>,
      %swap3A_686 = arith.constant 1 : i32
      %swap3A_687 = arith.index_cast %shift_right_arithmetic3A_673 : i32 to index
      %swap3A_688 = arith.index_cast %swap3A_686 : i32 to index
      %swap3A_689 = arith.index_cast %mul3A_676 : i32 to index
      %swap3A_690 = tpu.vector_load %arg10[%swap3A_687, %swap3A_688, %swap3A_689] {strides = array<i32>} : memref<4x4x1024xf32, #tpu.memory_space<vmem>>, vector<1x1x16xf32>,
      %swap3A_691 = vector.shape_cast %swap3A_690 : vector<1x1x16xf32> to vector<16xf32>
      %swap3A_692 = vector.shape_cast %get3A_679 : vector<16xf32> to vector<1x1x16xf32>
      tpu.vector_store %arg10[%swap3A_687, %swap3A_688, %swap3A_689], %swap3A_692 {add = true, strides = array<i32>} : memref<4x4x1024xf32, #tpu.memory_space<vmem>>, vector<1x1x16xf32>,
      %swap3A_693 = arith.constant 2 : i32
      %swap3A_694 = arith.index_cast %shift_right_arithmetic3A_673 : i32 to index
      %swap3A_695 = arith.index_cast %swap3A_693 : i32 to index
      %swap3A_696 = arith.index_cast %mul3A_676 : i32 to index
      %swap3A_697 = tpu.vector_load %arg10[%swap3A_694, %swap3A_695, %swap3A_696] {strides = array<i32>} : memref<4x4x1024xf32, #tpu.memory_space<vmem>>, vector<1x1x16xf32>,
      %swap3A_698 = vector.shape_cast %swap3A_697 : vector<1x1x16xf32> to vector<16xf32>
      %swap3A_699 = vector.shape_cast %get3A_679 : vector<16xf32> to vector<1x1x16xf32>
      tpu.vector_store %arg10[%swap3A_694, %swap3A_695, %swap3A_696], %swap3A_699 {add = true, strides = array<i32>} : memref<4x4x1024xf32, #tpu.memory_space<vmem>>, vector<1x1x16xf32>,
      %swap3A_700 = arith.constant 3 : i32
      %swap3A_701 = arith.index_cast %shift_right_arithmetic3A_673 : i32 to index
      %swap3A_702 = arith.index_cast %swap3A_700 : i32 to index
      %swap3A_703 = arith.index_cast %mul3A_676 : i32 to index
      %swap3A_704 = tpu.vector_load %arg10[%swap3A_701, %swap3A_702, %swap3A_703] {strides = array<i32>} : memref<4x4x1024xf32, #tpu.memory_space<vmem>>, vector<1x1x16xf32>,
      %swap3A_705 = vector.shape_cast %swap3A_704 : vector<1x1x16xf32> to vector<16xf32>
      %swap3A_706 = vector.shape_cast %get3A_679 : vector<16xf32> to vector<1x1x16xf32>
      tpu.vector_store %arg10[%swap3A_701, %swap3A_702, %swap3A_703], %swap3A_706 {add = true, strides = array<i32>} : memref<4x4x1024xf32, #tpu.memory_space<vmem>>, vector<1x1x16xf32>,
      %scan3A_707 = arith.constant 1 : i32
      %scan3A_708 = arith.addi %scan3A_672, %scan3A_707 : i32
      %shift_right_arithmetic3A_709 = arith.constant 6 : i32
      %shift_right_arithmetic3A_710 = arith.shrsi %scan3A_708, %shift_right_arithmetic3A_709 : i32
      %and3A_711 = arith.constant 63 : i32
      %and3A_712 = arith.andi %scan3A_708, %and3A_711 : i32
      %mul3A_713 = arith.constant 16 : i32
      %mul3A_714 = arith.muli %and3A_712, %mul3A_713 : i32
      %get3A_715 = arith.index_cast %shift_right_arithmetic3A_710 : i32 to index
      %get3A_716 = arith.index_cast %mul3A_714 : i32 to index
      %get3A_717 = tpu.vector_load %arg16[%get3A_715, %get3A_716] {strides = array<i32>} : memref<4x1024xf32, #tpu.memory_space<vmem>>, vector<1x16xf32>,
      %get3A_718 = vector.shape_cast %get3A_717 : vector<1x16xf32> to vector<16xf32>
      %swap3A_719 = arith.constant 0 : i32
      %swap3A_720 = arith.index_cast %shift_right_arithmetic3A_710 : i32 to index
      %swap3A_721 = arith.index_cast %swap3A_719 : i32 to index
      %swap3A_722 = arith.index_cast %mul3A_714 : i32 to index
      %swap3A_723 = tpu.vector_load %arg10[%swap3A_720, %swap3A_721, %swap3A_722] {strides = array<i32>} : memref<4x4x1024xf32, #tpu.memory_space<vmem>>, vector<1x1x16xf32>,
      %swap3A_724 = vector.shape_cast %swap3A_723 : vector<1x1x16xf32> to vector<16xf32>
      %swap3A_725 = vector.shape_cast %get3A_718 : vector<16xf32> to vector<1x1x16xf32>
      tpu.vector_store %arg10[%swap3A_720, %swap3A_721, %swap3A_722], %swap3A_725 {add = true, strides = array<i32>} : memref<4x4x1024xf32, #tpu.memory_space<vmem>>, vector<1x1x16xf32>,
      %swap3A_726 = arith.constant 1 : i32
      %swap3A_727 = arith.index_cast %shift_right_arithmetic3A_710 : i32 to index
      %swap3A_728 = arith.index_cast %swap3A_726 : i32 to index
      %swap3A_729 = arith.index_cast %mul3A_714 : i32 to index
      %swap3A_730 = tpu.vector_load %arg10[%swap3A_727, %swap3A_728, %swap3A_729] {strides = array<i32>} : memref<4x4x1024xf32, #tpu.memory_space<vmem>>, vector<1x1x16xf32>,
      %swap3A_731 = vector.shape_cast %swap3A_730 : vector<1x1x16xf32> to vector<16xf32>
      %swap3A_732 = vector.shape_cast %get3A_718 : vector<16xf32> to vector<1x1x16xf32>
      tpu.vector_store %arg10[%swap3A_727, %swap3A_728, %swap3A_729], %swap3A_732 {add = true, strides = array<i32>} : memref<4x4x1024xf32, #tpu.memory_space<vmem>>, vector<1x1x16xf32>,
      %swap3A_733 = arith.constant 2 : i32
      %swap3A_734 = arith.index_cast %shift_right_arithmetic3A_710 : i32 to index
      %swap3A_735 = arith.index_cast %swap3A_733 : i32 to index
      %swap3A_736 = arith.index_cast %mul3A_714 : i32 to index
      %swap3A_737 = tpu.vector_load %arg10[%swap3A_734, %swap3A_735, %swap3A_736] {strides = array<i32>} : memref<4x4x1024xf32, #tpu.memory_space<vmem>>, vector<1x1x16xf32>,
      %swap3A_738 = vector.shape_cast %swap3A_737 : vector<1x1x16xf32> to vector<16xf32>
      %swap3A_739 = vector.shape_cast %get3A_718 : vector<16xf32> to vector<1x1x16xf32>
      tpu.vector_store %arg10[%swap3A_734, %swap3A_735, %swap3A_736], %swap3A_739 {add = true, strides = array<i32>} : memref<4x4x1024xf32, #tpu.memory_space<vmem>>, vector<1x1x16xf32>,
      %swap3A_740 = arith.constant 3 : i32
      %swap3A_741 = arith.index_cast %shift_right_arithmetic3A_710 : i32 to index
      %swap3A_742 = arith.index_cast %swap3A_740 : i32 to index
      %swap3A_743 = arith.index_cast %mul3A_714 : i32 to index
      %swap3A_744 = tpu.vector_load %arg10[%swap3A_741, %swap3A_742, %swap3A_743] {strides = array<i32>} : memref<4x4x1024xf32, #tpu.memory_space<vmem>>, vector<1x1x16xf32>,
      %swap3A_745 = vector.shape_cast %swap3A_744 : vector<1x1x16xf32> to vector<16xf32>
      %swap3A_746 = vector.shape_cast %get3A_718 : vector<16xf32> to vector<1x1x16xf32>
      tpu.vector_store %arg10[%swap3A_741, %swap3A_742, %swap3A_743], %swap3A_746 {add = true, strides = array<i32>} : memref<4x4x1024xf32, #tpu.memory_space<vmem>>, vector<1x1x16xf32>,
    }
    %scan3A_533 = arith.constant 256 : i32
    %dma_start3A_534 = arith.constant 0 : i32
    %dma_start3A_535 = arith.constant 0 : i32
    %dma_start3A_536 = tpu.memref_slice %arg4[%add3A_517, %dma_start3A_534, %dma_start3A_535] : memref<2048x4x1024xf32, #tpu.memory_space<hbm>> -> memref<4x4x1024xf32, #tpu.memory_space<hbm>>
    %dma_start3A_537 = arith.constant 0 : i32
    %dma_start3A_538 = arith.constant 0 : i32
    %dma_start3A_539 = tpu.memref_slice %arg4[%add3A_517, %dma_start3A_537, %dma_start3A_538] : memref<2048x4x1024xf32, #tpu.memory_space<hbm>> -> memref<4x4x1024xf32, #tpu.memory_space<hbm>>
    tpu.enqueue_dma source(%arg10 : memref<4x4x1024xf32, #tpu.memory_space<vmem>>) target(%dma_start3A_539 : memref<4x4x1024xf32, #tpu.memory_space<hbm>>) target_semaphore(%arg28 : memref<!tpu.dma_semaphore, #tpu.memory_space<semaphore_mem>>)
    %add3A_540 = arith.constant 48 : i32
    %add3A_541 = arith.addi %mul3A_2, %add3A_540 : i32
    %dma_wait3A_542 = arith.constant 0 : i32
    %dma_wait3A_543 = arith.constant 0 : i32
    %dma_wait3A_544 = tpu.memref_slice %arg2[%add3A_379, %dma_wait3A_542, %dma_wait3A_543] : memref<2048x4x1024xf32, #tpu.memory_space<hbm>> -> memref<4x4x1024xf32, #tpu.memory_space<hbm>>
    %dma_wait3A_545 = arith.constant 0 : i32
    %dma_wait3A_546 = arith.constant 0 : i32
    %dma_wait3A_547 = tpu.memref_slice %arg2[%add3A_379, %dma_wait3A_545, %dma_wait3A_546] : memref<2048x4x1024xf32, #tpu.memory_space<hbm>> -> memref<4x4x1024xf32, #tpu.memory_space<hbm>>
    tpu.wait_dma2 semaphore(%arg17 : memref<!tpu.dma_semaphore, #tpu.memory_space<semaphore_mem>>) src(%dma_wait3A_547 : memref<4x4x1024xf32, #tpu.memory_space<hbm>>) dst(%arg5 : memref<4x4x1024xf32, #tpu.memory_space<vmem>>)
    %dma_wait3A_548 = arith.constant 0 : i32
    %dma_wait3A_549 = tpu.memref_slice %arg3[%add3A_379, %dma_wait3A_548] : memref<2048x1024xf32, #tpu.memory_space<hbm>> -> memref<4x1024xf32, #tpu.memory_space<hbm>>
    %dma_wait3A_550 = arith.constant 0 : i32
    %dma_wait3A_551 = tpu.memref_slice %arg3[%add3A_379, %dma_wait3A_550] : memref<2048x1024xf32, #tpu.memory_space<hbm>> -> memref<4x1024xf32, #tpu.memory_space<hbm>>
    tpu.wait_dma2 semaphore(%arg17 : memref<!tpu.dma_semaphore, #tpu.memory_space<semaphore_mem>>) src(%dma_wait3A_551 : memref<4x1024xf32, #tpu.memory_space<hbm>>) dst(%arg11 : memref<4x1024xf32, #tpu.memory_space<vmem>>)
    %scan3A_552 = arith.constant 0 : i32
    %scan3A_553 = arith.constant 0 : i32
    %scan3A_554 = arith.constant 256 : i32
    %scan3A_555 = arith.addi %scan3A_553, %scan3A_554 : i32
    %scan3A_556 = arith.constant 2 : i32
    scf.for %scan3A_672 = %scan3A_553 to %scan3A_555 step %scan3A_556  : i32 {
      %shift_right_arithmetic3A = arith.constant 6 : i32
      %shift_right_arithmetic3A_673 = arith.shrsi %scan3A_672, %shift_right_arithmetic3A : i32
      %and3A = arith.constant 63 : i32
      %and3A_674 = arith.andi %scan3A_672, %and3A : i32
      %mul3A_675 = arith.constant 16 : i32
      %mul3A_676 = arith.muli %and3A_674, %mul3A_675 : i32
      %get3A = arith.index_cast %shift_right_arithmetic3A_673 : i32 to index
      %get3A_677 = arith.index_cast %mul3A_676 : i32 to index
      %get3A_678 = tpu.vector_load %arg11[%get3A, %get3A_677] {strides = array<i32>} : memref<4x1024xf32, #tpu.memory_space<vmem>>, vector<1x16xf32>,
      %get3A_679 = vector.shape_cast %get3A_678 : vector<1x16xf32> to vector<16xf32>
      %swap3A = arith.constant 0 : i32
      %swap3A_680 = arith.index_cast %shift_right_arithmetic3A_673 : i32 to index
      %swap3A_681 = arith.index_cast %swap3A : i32 to index
      %swap3A_682 = arith.index_cast %mul3A_676 : i32 to index
      %swap3A_683 = tpu.vector_load %arg5[%swap3A_680, %swap3A_681, %swap3A_682] {strides = array<i32>} : memref<4x4x1024xf32, #tpu.memory_space<vmem>>, vector<1x1x16xf32>,
      %swap3A_684 = vector.shape_cast %swap3A_683 : vector<1x1x16xf32> to vector<16xf32>
      %swap3A_685 = vector.shape_cast %get3A_679 : vector<16xf32> to vector<1x1x16xf32>
      tpu.vector_store %arg5[%swap3A_680, %swap3A_681, %swap3A_682], %swap3A_685 {add = true, strides = array<i32>} : memref<4x4x1024xf32, #tpu.memory_space<vmem>>, vector<1x1x16xf32>,
      %swap3A_686 = arith.constant 1 : i32
      %swap3A_687 = arith.index_cast %shift_right_arithmetic3A_673 : i32 to index
      %swap3A_688 = arith.index_cast %swap3A_686 : i32 to index
      %swap3A_689 = arith.index_cast %mul3A_676 : i32 to index
      %swap3A_690 = tpu.vector_load %arg5[%swap3A_687, %swap3A_688, %swap3A_689] {strides = array<i32>} : memref<4x4x1024xf32, #tpu.memory_space<vmem>>, vector<1x1x16xf32>,
      %swap3A_691 = vector.shape_cast %swap3A_690 : vector<1x1x16xf32> to vector<16xf32>
      %swap3A_692 = vector.shape_cast %get3A_679 : vector<16xf32> to vector<1x1x16xf32>
      tpu.vector_store %arg5[%swap3A_687, %swap3A_688, %swap3A_689], %swap3A_692 {add = true, strides = array<i32>} : memref<4x4x1024xf32, #tpu.memory_space<vmem>>, vector<1x1x16xf32>,
      %swap3A_693 = arith.constant 2 : i32
      %swap3A_694 = arith.index_cast %shift_right_arithmetic3A_673 : i32 to index
      %swap3A_695 = arith.index_cast %swap3A_693 : i32 to index
      %swap3A_696 = arith.index_cast %mul3A_676 : i32 to index
      %swap3A_697 = tpu.vector_load %arg5[%swap3A_694, %swap3A_695, %swap3A_696] {strides = array<i32>} : memref<4x4x1024xf32, #tpu.memory_space<vmem>>, vector<1x1x16xf32>,
      %swap3A_698 = vector.shape_cast %swap3A_697 : vector<1x1x16xf32> to vector<16xf32>
      %swap3A_699 = vector.shape_cast %get3A_679 : vector<16xf32> to vector<1x1x16xf32>
      tpu.vector_store %arg5[%swap3A_694, %swap3A_695, %swap3A_696], %swap3A_699 {add = true, strides = array<i32>} : memref<4x4x1024xf32, #tpu.memory_space<vmem>>, vector<1x1x16xf32>,
      %swap3A_700 = arith.constant 3 : i32
      %swap3A_701 = arith.index_cast %shift_right_arithmetic3A_673 : i32 to index
      %swap3A_702 = arith.index_cast %swap3A_700 : i32 to index
      %swap3A_703 = arith.index_cast %mul3A_676 : i32 to index
      %swap3A_704 = tpu.vector_load %arg5[%swap3A_701, %swap3A_702, %swap3A_703] {strides = array<i32>} : memref<4x4x1024xf32, #tpu.memory_space<vmem>>, vector<1x1x16xf32>,
      %swap3A_705 = vector.shape_cast %swap3A_704 : vector<1x1x16xf32> to vector<16xf32>
      %swap3A_706 = vector.shape_cast %get3A_679 : vector<16xf32> to vector<1x1x16xf32>
      tpu.vector_store %arg5[%swap3A_701, %swap3A_702, %swap3A_703], %swap3A_706 {add = true, strides = array<i32>} : memref<4x4x1024xf32, #tpu.memory_space<vmem>>, vector<1x1x16xf32>,
      %scan3A_707 = arith.constant 1 : i32
      %scan3A_708 = arith.addi %scan3A_672, %scan3A_707 : i32
      %shift_right_arithmetic3A_709 = arith.constant 6 : i32
      %shift_right_arithmetic3A_710 = arith.shrsi %scan3A_708, %shift_right_arithmetic3A_709 : i32
      %and3A_711 = arith.constant 63 : i32
      %and3A_712 = arith.andi %scan3A_708, %and3A_711 : i32
      %mul3A_713 = arith.constant 16 : i32
      %mul3A_714 = arith.muli %and3A_712, %mul3A_713 : i32
      %get3A_715 = arith.index_cast %shift_right_arithmetic3A_710 : i32 to index
      %get3A_716 = arith.index_cast %mul3A_714 : i32 to index
      %get3A_717 = tpu.vector_load %arg11[%get3A_715, %get3A_716] {strides = array<i32>} : memref<4x1024xf32, #tpu.memory_space<vmem>>, vector<1x16xf32>,
      %get3A_718 = vector.shape_cast %get3A_717 : vector<1x16xf32> to vector<16xf32>
      %swap3A_719 = arith.constant 0 : i32
      %swap3A_720 = arith.index_cast %shift_right_arithmetic3A_710 : i32 to index
      %swap3A_721 = arith.index_cast %swap3A_719 : i32 to index
      %swap3A_722 = arith.index_cast %mul3A_714 : i32 to index
      %swap3A_723 = tpu.vector_load %arg5[%swap3A_720, %swap3A_721, %swap3A_722] {strides = array<i32>} : memref<4x4x1024xf32, #tpu.memory_space<vmem>>, vector<1x1x16xf32>,
      %swap3A_724 = vector.shape_cast %swap3A_723 : vector<1x1x16xf32> to vector<16xf32>
      %swap3A_725 = vector.shape_cast %get3A_718 : vector<16xf32> to vector<1x1x16xf32>
      tpu.vector_store %arg5[%swap3A_720, %swap3A_721, %swap3A_722], %swap3A_725 {add = true, strides = array<i32>} : memref<4x4x1024xf32, #tpu.memory_space<vmem>>, vector<1x1x16xf32>,
      %swap3A_726 = arith.constant 1 : i32
      %swap3A_727 = arith.index_cast %shift_right_arithmetic3A_710 : i32 to index
      %swap3A_728 = arith.index_cast %swap3A_726 : i32 to index
      %swap3A_729 = arith.index_cast %mul3A_714 : i32 to index
      %swap3A_730 = tpu.vector_load %arg5[%swap3A_727, %swap3A_728, %swap3A_729] {strides = array<i32>} : memref<4x4x1024xf32, #tpu.memory_space<vmem>>, vector<1x1x16xf32>,
      %swap3A_731 = vector.shape_cast %swap3A_730 : vector<1x1x16xf32> to vector<16xf32>
      %swap3A_732 = vector.shape_cast %get3A_718 : vector<16xf32> to vector<1x1x16xf32>
      tpu.vector_store %arg5[%swap3A_727, %swap3A_728, %swap3A_729], %swap3A_732 {add = true, strides = array<i32>} : memref<4x4x1024xf32, #tpu.memory_space<vmem>>, vector<1x1x16xf32>,
      %swap3A_733 = arith.constant 2 : i32
      %swap3A_734 = arith.index_cast %shift_right_arithmetic3A_710 : i32 to index
      %swap3A_735 = arith.index_cast %swap3A_733 : i32 to index
      %swap3A_736 = arith.index_cast %mul3A_714 : i32 to index
      %swap3A_737 = tpu.vector_load %arg5[%swap3A_734, %swap3A_735, %swap3A_736] {strides = array<i32>} : memref<4x4x1024xf32, #tpu.memory_space<vmem>>, vector<1x1x16xf32>,
      %swap3A_738 = vector.shape_cast %swap3A_737 : vector<1x1x16xf32> to vector<16xf32>
      %swap3A_739 = vector.shape_cast %get3A_718 : vector<16xf32> to vector<1x1x16xf32>
      tpu.vector_store %arg5[%swap3A_734, %swap3A_735, %swap3A_736], %swap3A_739 {add = true, strides = array<i32>} : memref<4x4x1024xf32, #tpu.memory_space<vmem>>, vector<1x1x16xf32>,
      %swap3A_740 = arith.constant 3 : i32
      %swap3A_741 = arith.index_cast %shift_right_arithmetic3A_710 : i32 to index
      %swap3A_742 = arith.index_cast %swap3A_740 : i32 to index
      %swap3A_743 = arith.index_cast %mul3A_714 : i32 to index
      %swap3A_744 = tpu.vector_load %arg5[%swap3A_741, %swap3A_742, %swap3A_743] {strides = array<i32>} : memref<4x4x1024xf32, #tpu.memory_space<vmem>>, vector<1x1x16xf32>,
      %swap3A_745 = vector.shape_cast %swap3A_744 : vector<1x1x16xf32> to vector<16xf32>
      %swap3A_746 = vector.shape_cast %get3A_718 : vector<16xf32> to vector<1x1x16xf32>
      tpu.vector_store %arg5[%swap3A_741, %swap3A_742, %swap3A_743], %swap3A_746 {add = true, strides = array<i32>} : memref<4x4x1024xf32, #tpu.memory_space<vmem>>, vector<1x1x16xf32>,
    }
    %scan3A_557 = arith.constant 256 : i32
    %dma_start3A_558 = arith.constant 0 : i32
    %dma_start3A_559 = arith.constant 0 : i32
    %dma_start3A_560 = tpu.memref_slice %arg4[%add3A_541, %dma_start3A_558, %dma_start3A_559] : memref<2048x4x1024xf32, #tpu.memory_space<hbm>> -> memref<4x4x1024xf32, #tpu.memory_space<hbm>>
    %dma_start3A_561 = arith.constant 0 : i32
    %dma_start3A_562 = arith.constant 0 : i32
    %dma_start3A_563 = tpu.memref_slice %arg4[%add3A_541, %dma_start3A_561, %dma_start3A_562] : memref<2048x4x1024xf32, #tpu.memory_space<hbm>> -> memref<4x4x1024xf32, #tpu.memory_space<hbm>>
    tpu.enqueue_dma source(%arg5 : memref<4x4x1024xf32, #tpu.memory_space<vmem>>) target(%dma_start3A_563 : memref<4x4x1024xf32, #tpu.memory_space<hbm>>) target_semaphore(%arg23 : memref<!tpu.dma_semaphore, #tpu.memory_space<semaphore_mem>>)
    %add3A_564 = arith.constant 52 : i32
    %add3A_565 = arith.addi %mul3A_2, %add3A_564 : i32
    %dma_wait3A_566 = arith.constant 0 : i32
    %dma_wait3A_567 = arith.constant 0 : i32
    %dma_wait3A_568 = tpu.memref_slice %arg2[%add3A_421, %dma_wait3A_566, %dma_wait3A_567] : memref<2048x4x1024xf32, #tpu.memory_space<hbm>> -> memref<4x4x1024xf32, #tpu.memory_space<hbm>>
    %dma_wait3A_569 = arith.constant 0 : i32
    %dma_wait3A_570 = arith.constant 0 : i32
    %dma_wait3A_571 = tpu.memref_slice %arg2[%add3A_421, %dma_wait3A_569, %dma_wait3A_570] : memref<2048x4x1024xf32, #tpu.memory_space<hbm>> -> memref<4x4x1024xf32, #tpu.memory_space<hbm>>
    tpu.wait_dma2 semaphore(%arg18 : memref<!tpu.dma_semaphore, #tpu.memory_space<semaphore_mem>>) src(%dma_wait3A_571 : memref<4x4x1024xf32, #tpu.memory_space<hbm>>) dst(%arg6 : memref<4x4x1024xf32, #tpu.memory_space<vmem>>)
    %dma_wait3A_572 = arith.constant 0 : i32
    %dma_wait3A_573 = tpu.memref_slice %arg3[%add3A_421, %dma_wait3A_572] : memref<2048x1024xf32, #tpu.memory_space<hbm>> -> memref<4x1024xf32, #tpu.memory_space<hbm>>
    %dma_wait3A_574 = arith.constant 0 : i32
    %dma_wait3A_575 = tpu.memref_slice %arg3[%add3A_421, %dma_wait3A_574] : memref<2048x1024xf32, #tpu.memory_space<hbm>> -> memref<4x1024xf32, #tpu.memory_space<hbm>>
    tpu.wait_dma2 semaphore(%arg18 : memref<!tpu.dma_semaphore, #tpu.memory_space<semaphore_mem>>) src(%dma_wait3A_575 : memref<4x1024xf32, #tpu.memory_space<hbm>>) dst(%arg12 : memref<4x1024xf32, #tpu.memory_space<vmem>>)
    %scan3A_576 = arith.constant 0 : i32
    %scan3A_577 = arith.constant 0 : i32
    %scan3A_578 = arith.constant 256 : i32
    %scan3A_579 = arith.addi %scan3A_577, %scan3A_578 : i32
    %scan3A_580 = arith.constant 2 : i32
    scf.for %scan3A_672 = %scan3A_577 to %scan3A_579 step %scan3A_580  : i32 {
      %shift_right_arithmetic3A = arith.constant 6 : i32
      %shift_right_arithmetic3A_673 = arith.shrsi %scan3A_672, %shift_right_arithmetic3A : i32
      %and3A = arith.constant 63 : i32
      %and3A_674 = arith.andi %scan3A_672, %and3A : i32
      %mul3A_675 = arith.constant 16 : i32
      %mul3A_676 = arith.muli %and3A_674, %mul3A_675 : i32
      %get3A = arith.index_cast %shift_right_arithmetic3A_673 : i32 to index
      %get3A_677 = arith.index_cast %mul3A_676 : i32 to index
      %get3A_678 = tpu.vector_load %arg12[%get3A, %get3A_677] {strides = array<i32>} : memref<4x1024xf32, #tpu.memory_space<vmem>>, vector<1x16xf32>,
      %get3A_679 = vector.shape_cast %get3A_678 : vector<1x16xf32> to vector<16xf32>
      %swap3A = arith.constant 0 : i32
      %swap3A_680 = arith.index_cast %shift_right_arithmetic3A_673 : i32 to index
      %swap3A_681 = arith.index_cast %swap3A : i32 to index
      %swap3A_682 = arith.index_cast %mul3A_676 : i32 to index
      %swap3A_683 = tpu.vector_load %arg6[%swap3A_680, %swap3A_681, %swap3A_682] {strides = array<i32>} : memref<4x4x1024xf32, #tpu.memory_space<vmem>>, vector<1x1x16xf32>,
      %swap3A_684 = vector.shape_cast %swap3A_683 : vector<1x1x16xf32> to vector<16xf32>
      %swap3A_685 = vector.shape_cast %get3A_679 : vector<16xf32> to vector<1x1x16xf32>
      tpu.vector_store %arg6[%swap3A_680, %swap3A_681, %swap3A_682], %swap3A_685 {add = true, strides = array<i32>} : memref<4x4x1024xf32, #tpu.memory_space<vmem>>, vector<1x1x16xf32>,
      %swap3A_686 = arith.constant 1 : i32
      %swap3A_687 = arith.index_cast %shift_right_arithmetic3A_673 : i32 to index
      %swap3A_688 = arith.index_cast %swap3A_686 : i32 to index
      %swap3A_689 = arith.index_cast %mul3A_676 : i32 to index
      %swap3A_690 = tpu.vector_load %arg6[%swap3A_687, %swap3A_688, %swap3A_689] {strides = array<i32>} : memref<4x4x1024xf32, #tpu.memory_space<vmem>>, vector<1x1x16xf32>,
      %swap3A_691 = vector.shape_cast %swap3A_690 : vector<1x1x16xf32> to vector<16xf32>
      %swap3A_692 = vector.shape_cast %get3A_679 : vector<16xf32> to vector<1x1x16xf32>
      tpu.vector_store %arg6[%swap3A_687, %swap3A_688, %swap3A_689], %swap3A_692 {add = true, strides = array<i32>} : memref<4x4x1024xf32, #tpu.memory_space<vmem>>, vector<1x1x16xf32>,
      %swap3A_693 = arith.constant 2 : i32
      %swap3A_694 = arith.index_cast %shift_right_arithmetic3A_673 : i32 to index
      %swap3A_695 = arith.index_cast %swap3A_693 : i32 to index
      %swap3A_696 = arith.index_cast %mul3A_676 : i32 to index
      %swap3A_697 = tpu.vector_load %arg6[%swap3A_694, %swap3A_695, %swap3A_696] {strides = array<i32>} : memref<4x4x1024xf32, #tpu.memory_space<vmem>>, vector<1x1x16xf32>,
      %swap3A_698 = vector.shape_cast %swap3A_697 : vector<1x1x16xf32> to vector<16xf32>
      %swap3A_699 = vector.shape_cast %get3A_679 : vector<16xf32> to vector<1x1x16xf32>
      tpu.vector_store %arg6[%swap3A_694, %swap3A_695, %swap3A_696], %swap3A_699 {add = true, strides = array<i32>} : memref<4x4x1024xf32, #tpu.memory_space<vmem>>, vector<1x1x16xf32>,
      %swap3A_700 = arith.constant 3 : i32
      %swap3A_701 = arith.index_cast %shift_right_arithmetic3A_673 : i32 to index
      %swap3A_702 = arith.index_cast %swap3A_700 : i32 to index
      %swap3A_703 = arith.index_cast %mul3A_676 : i32 to index
      %swap3A_704 = tpu.vector_load %arg6[%swap3A_701, %swap3A_702, %swap3A_703] {strides = array<i32>} : memref<4x4x1024xf32, #tpu.memory_space<vmem>>, vector<1x1x16xf32>,
      %swap3A_705 = vector.shape_cast %swap3A_704 : vector<1x1x16xf32> to vector<16xf32>
      %swap3A_706 = vector.shape_cast %get3A_679 : vector<16xf32> to vector<1x1x16xf32>
      tpu.vector_store %arg6[%swap3A_701, %swap3A_702, %swap3A_703], %swap3A_706 {add = true, strides = array<i32>} : memref<4x4x1024xf32, #tpu.memory_space<vmem>>, vector<1x1x16xf32>,
      %scan3A_707 = arith.constant 1 : i32
      %scan3A_708 = arith.addi %scan3A_672, %scan3A_707 : i32
      %shift_right_arithmetic3A_709 = arith.constant 6 : i32
      %shift_right_arithmetic3A_710 = arith.shrsi %scan3A_708, %shift_right_arithmetic3A_709 : i32
      %and3A_711 = arith.constant 63 : i32
      %and3A_712 = arith.andi %scan3A_708, %and3A_711 : i32
      %mul3A_713 = arith.constant 16 : i32
      %mul3A_714 = arith.muli %and3A_712, %mul3A_713 : i32
      %get3A_715 = arith.index_cast %shift_right_arithmetic3A_710 : i32 to index
      %get3A_716 = arith.index_cast %mul3A_714 : i32 to index
      %get3A_717 = tpu.vector_load %arg12[%get3A_715, %get3A_716] {strides = array<i32>} : memref<4x1024xf32, #tpu.memory_space<vmem>>, vector<1x16xf32>,
      %get3A_718 = vector.shape_cast %get3A_717 : vector<1x16xf32> to vector<16xf32>
      %swap3A_719 = arith.constant 0 : i32
      %swap3A_720 = arith.index_cast %shift_right_arithmetic3A_710 : i32 to index
      %swap3A_721 = arith.index_cast %swap3A_719 : i32 to index
      %swap3A_722 = arith.index_cast %mul3A_714 : i32 to index
      %swap3A_723 = tpu.vector_load %arg6[%swap3A_720, %swap3A_721, %swap3A_722] {strides = array<i32>} : memref<4x4x1024xf32, #tpu.memory_space<vmem>>, vector<1x1x16xf32>,
      %swap3A_724 = vector.shape_cast %swap3A_723 : vector<1x1x16xf32> to vector<16xf32>
      %swap3A_725 = vector.shape_cast %get3A_718 : vector<16xf32> to vector<1x1x16xf32>
      tpu.vector_store %arg6[%swap3A_720, %swap3A_721, %swap3A_722], %swap3A_725 {add = true, strides = array<i32>} : memref<4x4x1024xf32, #tpu.memory_space<vmem>>, vector<1x1x16xf32>,
      %swap3A_726 = arith.constant 1 : i32
      %swap3A_727 = arith.index_cast %shift_right_arithmetic3A_710 : i32 to index
      %swap3A_728 = arith.index_cast %swap3A_726 : i32 to index
      %swap3A_729 = arith.index_cast %mul3A_714 : i32 to index
      %swap3A_730 = tpu.vector_load %arg6[%swap3A_727, %swap3A_728, %swap3A_729] {strides = array<i32>} : memref<4x4x1024xf32, #tpu.memory_space<vmem>>, vector<1x1x16xf32>,
      %swap3A_731 = vector.shape_cast %swap3A_730 : vector<1x1x16xf32> to vector<16xf32>
      %swap3A_732 = vector.shape_cast %get3A_718 : vector<16xf32> to vector<1x1x16xf32>
      tpu.vector_store %arg6[%swap3A_727, %swap3A_728, %swap3A_729], %swap3A_732 {add = true, strides = array<i32>} : memref<4x4x1024xf32, #tpu.memory_space<vmem>>, vector<1x1x16xf32>,
      %swap3A_733 = arith.constant 2 : i32
      %swap3A_734 = arith.index_cast %shift_right_arithmetic3A_710 : i32 to index
      %swap3A_735 = arith.index_cast %swap3A_733 : i32 to index
      %swap3A_736 = arith.index_cast %mul3A_714 : i32 to index
      %swap3A_737 = tpu.vector_load %arg6[%swap3A_734, %swap3A_735, %swap3A_736] {strides = array<i32>} : memref<4x4x1024xf32, #tpu.memory_space<vmem>>, vector<1x1x16xf32>,
      %swap3A_738 = vector.shape_cast %swap3A_737 : vector<1x1x16xf32> to vector<16xf32>
      %swap3A_739 = vector.shape_cast %get3A_718 : vector<16xf32> to vector<1x1x16xf32>
      tpu.vector_store %arg6[%swap3A_734, %swap3A_735, %swap3A_736], %swap3A_739 {add = true, strides = array<i32>} : memref<4x4x1024xf32, #tpu.memory_space<vmem>>, vector<1x1x16xf32>,
      %swap3A_740 = arith.constant 3 : i32
      %swap3A_741 = arith.index_cast %shift_right_arithmetic3A_710 : i32 to index
      %swap3A_742 = arith.index_cast %swap3A_740 : i32 to index
      %swap3A_743 = arith.index_cast %mul3A_714 : i32 to index
      %swap3A_744 = tpu.vector_load %arg6[%swap3A_741, %swap3A_742, %swap3A_743] {strides = array<i32>} : memref<4x4x1024xf32, #tpu.memory_space<vmem>>, vector<1x1x16xf32>,
      %swap3A_745 = vector.shape_cast %swap3A_744 : vector<1x1x16xf32> to vector<16xf32>
      %swap3A_746 = vector.shape_cast %get3A_718 : vector<16xf32> to vector<1x1x16xf32>
      tpu.vector_store %arg6[%swap3A_741, %swap3A_742, %swap3A_743], %swap3A_746 {add = true, strides = array<i32>} : memref<4x4x1024xf32, #tpu.memory_space<vmem>>, vector<1x1x16xf32>,
    }
    %scan3A_581 = arith.constant 256 : i32
    %dma_start3A_582 = arith.constant 0 : i32
    %dma_start3A_583 = arith.constant 0 : i32
    %dma_start3A_584 = tpu.memref_slice %arg4[%add3A_565, %dma_start3A_582, %dma_start3A_583] : memref<2048x4x1024xf32, #tpu.memory_space<hbm>> -> memref<4x4x1024xf32, #tpu.memory_space<hbm>>
    %dma_start3A_585 = arith.constant 0 : i32
    %dma_start3A_586 = arith.constant 0 : i32
    %dma_start3A_587 = tpu.memref_slice %arg4[%add3A_565, %dma_start3A_585, %dma_start3A_586] : memref<2048x4x1024xf32, #tpu.memory_space<hbm>> -> memref<4x4x1024xf32, #tpu.memory_space<hbm>>
    tpu.enqueue_dma source(%arg6 : memref<4x4x1024xf32, #tpu.memory_space<vmem>>) target(%dma_start3A_587 : memref<4x4x1024xf32, #tpu.memory_space<hbm>>) target_semaphore(%arg24 : memref<!tpu.dma_semaphore, #tpu.memory_space<semaphore_mem>>)
    %add3A_588 = arith.constant 56 : i32
    %add3A_589 = arith.addi %mul3A_2, %add3A_588 : i32
    %dma_wait3A_590 = arith.constant 0 : i32
    %dma_wait3A_591 = arith.constant 0 : i32
    %dma_wait3A_592 = tpu.memref_slice %arg2[%add3A_463, %dma_wait3A_590, %dma_wait3A_591] : memref<2048x4x1024xf32, #tpu.memory_space<hbm>> -> memref<4x4x1024xf32, #tpu.memory_space<hbm>>
    %dma_wait3A_593 = arith.constant 0 : i32
    %dma_wait3A_594 = arith.constant 0 : i32
    %dma_wait3A_595 = tpu.memref_slice %arg2[%add3A_463, %dma_wait3A_593, %dma_wait3A_594] : memref<2048x4x1024xf32, #tpu.memory_space<hbm>> -> memref<4x4x1024xf32, #tpu.memory_space<hbm>>
    tpu.wait_dma2 semaphore(%arg19 : memref<!tpu.dma_semaphore, #tpu.memory_space<semaphore_mem>>) src(%dma_wait3A_595 : memref<4x4x1024xf32, #tpu.memory_space<hbm>>) dst(%arg7 : memref<4x4x1024xf32, #tpu.memory_space<vmem>>)
    %dma_wait3A_596 = arith.constant 0 : i32
    %dma_wait3A_597 = tpu.memref_slice %arg3[%add3A_463, %dma_wait3A_596] : memref<2048x1024xf32, #tpu.memory_space<hbm>> -> memref<4x1024xf32, #tpu.memory_space<hbm>>
    %dma_wait3A_598 = arith.constant 0 : i32
    %dma_wait3A_599 = tpu.memref_slice %arg3[%add3A_463, %dma_wait3A_598] : memref<2048x1024xf32, #tpu.memory_space<hbm>> -> memref<4x1024xf32, #tpu.memory_space<hbm>>
    tpu.wait_dma2 semaphore(%arg19 : memref<!tpu.dma_semaphore, #tpu.memory_space<semaphore_mem>>) src(%dma_wait3A_599 : memref<4x1024xf32, #tpu.memory_space<hbm>>) dst(%arg13 : memref<4x1024xf32, #tpu.memory_space<vmem>>)
    %scan3A_600 = arith.constant 0 : i32
    %scan3A_601 = arith.constant 0 : i32
    %scan3A_602 = arith.constant 256 : i32
    %scan3A_603 = arith.addi %scan3A_601, %scan3A_602 : i32
    %scan3A_604 = arith.constant 2 : i32
    scf.for %scan3A_672 = %scan3A_601 to %scan3A_603 step %scan3A_604  : i32 {
      %shift_right_arithmetic3A = arith.constant 6 : i32
      %shift_right_arithmetic3A_673 = arith.shrsi %scan3A_672, %shift_right_arithmetic3A : i32
      %and3A = arith.constant 63 : i32
      %and3A_674 = arith.andi %scan3A_672, %and3A : i32
      %mul3A_675 = arith.constant 16 : i32
      %mul3A_676 = arith.muli %and3A_674, %mul3A_675 : i32
      %get3A = arith.index_cast %shift_right_arithmetic3A_673 : i32 to index
      %get3A_677 = arith.index_cast %mul3A_676 : i32 to index
      %get3A_678 = tpu.vector_load %arg13[%get3A, %get3A_677] {strides = array<i32>} : memref<4x1024xf32, #tpu.memory_space<vmem>>, vector<1x16xf32>,
      %get3A_679 = vector.shape_cast %get3A_678 : vector<1x16xf32> to vector<16xf32>
      %swap3A = arith.constant 0 : i32
      %swap3A_680 = arith.index_cast %shift_right_arithmetic3A_673 : i32 to index
      %swap3A_681 = arith.index_cast %swap3A : i32 to index
      %swap3A_682 = arith.index_cast %mul3A_676 : i32 to index
      %swap3A_683 = tpu.vector_load %arg7[%swap3A_680, %swap3A_681, %swap3A_682] {strides = array<i32>} : memref<4x4x1024xf32, #tpu.memory_space<vmem>>, vector<1x1x16xf32>,
      %swap3A_684 = vector.shape_cast %swap3A_683 : vector<1x1x16xf32> to vector<16xf32>
      %swap3A_685 = vector.shape_cast %get3A_679 : vector<16xf32> to vector<1x1x16xf32>
      tpu.vector_store %arg7[%swap3A_680, %swap3A_681, %swap3A_682], %swap3A_685 {add = true, strides = array<i32>} : memref<4x4x1024xf32, #tpu.memory_space<vmem>>, vector<1x1x16xf32>,
      %swap3A_686 = arith.constant 1 : i32
      %swap3A_687 = arith.index_cast %shift_right_arithmetic3A_673 : i32 to index
      %swap3A_688 = arith.index_cast %swap3A_686 : i32 to index
      %swap3A_689 = arith.index_cast %mul3A_676 : i32 to index
      %swap3A_690 = tpu.vector_load %arg7[%swap3A_687, %swap3A_688, %swap3A_689] {strides = array<i32>} : memref<4x4x1024xf32, #tpu.memory_space<vmem>>, vector<1x1x16xf32>,
      %swap3A_691 = vector.shape_cast %swap3A_690 : vector<1x1x16xf32> to vector<16xf32>
      %swap3A_692 = vector.shape_cast %get3A_679 : vector<16xf32> to vector<1x1x16xf32>
      tpu.vector_store %arg7[%swap3A_687, %swap3A_688, %swap3A_689], %swap3A_692 {add = true, strides = array<i32>} : memref<4x4x1024xf32, #tpu.memory_space<vmem>>, vector<1x1x16xf32>,
      %swap3A_693 = arith.constant 2 : i32
      %swap3A_694 = arith.index_cast %shift_right_arithmetic3A_673 : i32 to index
      %swap3A_695 = arith.index_cast %swap3A_693 : i32 to index
      %swap3A_696 = arith.index_cast %mul3A_676 : i32 to index
      %swap3A_697 = tpu.vector_load %arg7[%swap3A_694, %swap3A_695, %swap3A_696] {strides = array<i32>} : memref<4x4x1024xf32, #tpu.memory_space<vmem>>, vector<1x1x16xf32>,
      %swap3A_698 = vector.shape_cast %swap3A_697 : vector<1x1x16xf32> to vector<16xf32>
      %swap3A_699 = vector.shape_cast %get3A_679 : vector<16xf32> to vector<1x1x16xf32>
      tpu.vector_store %arg7[%swap3A_694, %swap3A_695, %swap3A_696], %swap3A_699 {add = true, strides = array<i32>} : memref<4x4x1024xf32, #tpu.memory_space<vmem>>, vector<1x1x16xf32>,
      %swap3A_700 = arith.constant 3 : i32
      %swap3A_701 = arith.index_cast %shift_right_arithmetic3A_673 : i32 to index
      %swap3A_702 = arith.index_cast %swap3A_700 : i32 to index
      %swap3A_703 = arith.index_cast %mul3A_676 : i32 to index
      %swap3A_704 = tpu.vector_load %arg7[%swap3A_701, %swap3A_702, %swap3A_703] {strides = array<i32>} : memref<4x4x1024xf32, #tpu.memory_space<vmem>>, vector<1x1x16xf32>,
      %swap3A_705 = vector.shape_cast %swap3A_704 : vector<1x1x16xf32> to vector<16xf32>
      %swap3A_706 = vector.shape_cast %get3A_679 : vector<16xf32> to vector<1x1x16xf32>
      tpu.vector_store %arg7[%swap3A_701, %swap3A_702, %swap3A_703], %swap3A_706 {add = true, strides = array<i32>} : memref<4x4x1024xf32, #tpu.memory_space<vmem>>, vector<1x1x16xf32>,
      %scan3A_707 = arith.constant 1 : i32
      %scan3A_708 = arith.addi %scan3A_672, %scan3A_707 : i32
      %shift_right_arithmetic3A_709 = arith.constant 6 : i32
      %shift_right_arithmetic3A_710 = arith.shrsi %scan3A_708, %shift_right_arithmetic3A_709 : i32
      %and3A_711 = arith.constant 63 : i32
      %and3A_712 = arith.andi %scan3A_708, %and3A_711 : i32
      %mul3A_713 = arith.constant 16 : i32
      %mul3A_714 = arith.muli %and3A_712, %mul3A_713 : i32
      %get3A_715 = arith.index_cast %shift_right_arithmetic3A_710 : i32 to index
      %get3A_716 = arith.index_cast %mul3A_714 : i32 to index
      %get3A_717 = tpu.vector_load %arg13[%get3A_715, %get3A_716] {strides = array<i32>} : memref<4x1024xf32, #tpu.memory_space<vmem>>, vector<1x16xf32>,
      %get3A_718 = vector.shape_cast %get3A_717 : vector<1x16xf32> to vector<16xf32>
      %swap3A_719 = arith.constant 0 : i32
      %swap3A_720 = arith.index_cast %shift_right_arithmetic3A_710 : i32 to index
      %swap3A_721 = arith.index_cast %swap3A_719 : i32 to index
      %swap3A_722 = arith.index_cast %mul3A_714 : i32 to index
      %swap3A_723 = tpu.vector_load %arg7[%swap3A_720, %swap3A_721, %swap3A_722] {strides = array<i32>} : memref<4x4x1024xf32, #tpu.memory_space<vmem>>, vector<1x1x16xf32>,
      %swap3A_724 = vector.shape_cast %swap3A_723 : vector<1x1x16xf32> to vector<16xf32>
      %swap3A_725 = vector.shape_cast %get3A_718 : vector<16xf32> to vector<1x1x16xf32>
      tpu.vector_store %arg7[%swap3A_720, %swap3A_721, %swap3A_722], %swap3A_725 {add = true, strides = array<i32>} : memref<4x4x1024xf32, #tpu.memory_space<vmem>>, vector<1x1x16xf32>,
      %swap3A_726 = arith.constant 1 : i32
      %swap3A_727 = arith.index_cast %shift_right_arithmetic3A_710 : i32 to index
      %swap3A_728 = arith.index_cast %swap3A_726 : i32 to index
      %swap3A_729 = arith.index_cast %mul3A_714 : i32 to index
      %swap3A_730 = tpu.vector_load %arg7[%swap3A_727, %swap3A_728, %swap3A_729] {strides = array<i32>} : memref<4x4x1024xf32, #tpu.memory_space<vmem>>, vector<1x1x16xf32>,
      %swap3A_731 = vector.shape_cast %swap3A_730 : vector<1x1x16xf32> to vector<16xf32>
      %swap3A_732 = vector.shape_cast %get3A_718 : vector<16xf32> to vector<1x1x16xf32>
      tpu.vector_store %arg7[%swap3A_727, %swap3A_728, %swap3A_729], %swap3A_732 {add = true, strides = array<i32>} : memref<4x4x1024xf32, #tpu.memory_space<vmem>>, vector<1x1x16xf32>,
      %swap3A_733 = arith.constant 2 : i32
      %swap3A_734 = arith.index_cast %shift_right_arithmetic3A_710 : i32 to index
      %swap3A_735 = arith.index_cast %swap3A_733 : i32 to index
      %swap3A_736 = arith.index_cast %mul3A_714 : i32 to index
      %swap3A_737 = tpu.vector_load %arg7[%swap3A_734, %swap3A_735, %swap3A_736] {strides = array<i32>} : memref<4x4x1024xf32, #tpu.memory_space<vmem>>, vector<1x1x16xf32>,
      %swap3A_738 = vector.shape_cast %swap3A_737 : vector<1x1x16xf32> to vector<16xf32>
      %swap3A_739 = vector.shape_cast %get3A_718 : vector<16xf32> to vector<1x1x16xf32>
      tpu.vector_store %arg7[%swap3A_734, %swap3A_735, %swap3A_736], %swap3A_739 {add = true, strides = array<i32>} : memref<4x4x1024xf32, #tpu.memory_space<vmem>>, vector<1x1x16xf32>,
      %swap3A_740 = arith.constant 3 : i32
      %swap3A_741 = arith.index_cast %shift_right_arithmetic3A_710 : i32 to index
      %swap3A_742 = arith.index_cast %swap3A_740 : i32 to index
      %swap3A_743 = arith.index_cast %mul3A_714 : i32 to index
      %swap3A_744 = tpu.vector_load %arg7[%swap3A_741, %swap3A_742, %swap3A_743] {strides = array<i32>} : memref<4x4x1024xf32, #tpu.memory_space<vmem>>, vector<1x1x16xf32>,
      %swap3A_745 = vector.shape_cast %swap3A_744 : vector<1x1x16xf32> to vector<16xf32>
      %swap3A_746 = vector.shape_cast %get3A_718 : vector<16xf32> to vector<1x1x16xf32>
      tpu.vector_store %arg7[%swap3A_741, %swap3A_742, %swap3A_743], %swap3A_746 {add = true, strides = array<i32>} : memref<4x4x1024xf32, #tpu.memory_space<vmem>>, vector<1x1x16xf32>,
    }
    %scan3A_605 = arith.constant 256 : i32
    %dma_start3A_606 = arith.constant 0 : i32
    %dma_start3A_607 = arith.constant 0 : i32
    %dma_start3A_608 = tpu.memref_slice %arg4[%add3A_589, %dma_start3A_606, %dma_start3A_607] : memref<2048x4x1024xf32, #tpu.memory_space<hbm>> -> memref<4x4x1024xf32, #tpu.memory_space<hbm>>
    %dma_start3A_609 = arith.constant 0 : i32
    %dma_start3A_610 = arith.constant 0 : i32
    %dma_start3A_611 = tpu.memref_slice %arg4[%add3A_589, %dma_start3A_609, %dma_start3A_610] : memref<2048x4x1024xf32, #tpu.memory_space<hbm>> -> memref<4x4x1024xf32, #tpu.memory_space<hbm>>
    tpu.enqueue_dma source(%arg7 : memref<4x4x1024xf32, #tpu.memory_space<vmem>>) target(%dma_start3A_611 : memref<4x4x1024xf32, #tpu.memory_space<hbm>>) target_semaphore(%arg25 : memref<!tpu.dma_semaphore, #tpu.memory_space<semaphore_mem>>)
    %add3A_612 = arith.constant 60 : i32
    %add3A_613 = arith.addi %mul3A_2, %add3A_612 : i32
    %dma_wait3A_614 = arith.constant 0 : i32
    %dma_wait3A_615 = arith.constant 0 : i32
    %dma_wait3A_616 = tpu.memref_slice %arg2[%add3A_505, %dma_wait3A_614, %dma_wait3A_615] : memref<2048x4x1024xf32, #tpu.memory_space<hbm>> -> memref<4x4x1024xf32, #tpu.memory_space<hbm>>
    %dma_wait3A_617 = arith.constant 0 : i32
    %dma_wait3A_618 = arith.constant 0 : i32
    %dma_wait3A_619 = tpu.memref_slice %arg2[%add3A_505, %dma_wait3A_617, %dma_wait3A_618] : memref<2048x4x1024xf32, #tpu.memory_space<hbm>> -> memref<4x4x1024xf32, #tpu.memory_space<hbm>>
    tpu.wait_dma2 semaphore(%arg20 : memref<!tpu.dma_semaphore, #tpu.memory_space<semaphore_mem>>) src(%dma_wait3A_619 : memref<4x4x1024xf32, #tpu.memory_space<hbm>>) dst(%arg8 : memref<4x4x1024xf32, #tpu.memory_space<vmem>>)
    %dma_wait3A_620 = arith.constant 0 : i32
    %dma_wait3A_621 = tpu.memref_slice %arg3[%add3A_505, %dma_wait3A_620] : memref<2048x1024xf32, #tpu.memory_space<hbm>> -> memref<4x1024xf32, #tpu.memory_space<hbm>>
    %dma_wait3A_622 = arith.constant 0 : i32
    %dma_wait3A_623 = tpu.memref_slice %arg3[%add3A_505, %dma_wait3A_622] : memref<2048x1024xf32, #tpu.memory_space<hbm>> -> memref<4x1024xf32, #tpu.memory_space<hbm>>
    tpu.wait_dma2 semaphore(%arg20 : memref<!tpu.dma_semaphore, #tpu.memory_space<semaphore_mem>>) src(%dma_wait3A_623 : memref<4x1024xf32, #tpu.memory_space<hbm>>) dst(%arg14 : memref<4x1024xf32, #tpu.memory_space<vmem>>)
    %scan3A_624 = arith.constant 0 : i32
    %scan3A_625 = arith.constant 0 : i32
    %scan3A_626 = arith.constant 256 : i32
    %scan3A_627 = arith.addi %scan3A_625, %scan3A_626 : i32
    %scan3A_628 = arith.constant 2 : i32
    scf.for %scan3A_672 = %scan3A_625 to %scan3A_627 step %scan3A_628  : i32 {
      %shift_right_arithmetic3A = arith.constant 6 : i32
      %shift_right_arithmetic3A_673 = arith.shrsi %scan3A_672, %shift_right_arithmetic3A : i32
      %and3A = arith.constant 63 : i32
      %and3A_674 = arith.andi %scan3A_672, %and3A : i32
      %mul3A_675 = arith.constant 16 : i32
      %mul3A_676 = arith.muli %and3A_674, %mul3A_675 : i32
      %get3A = arith.index_cast %shift_right_arithmetic3A_673 : i32 to index
      %get3A_677 = arith.index_cast %mul3A_676 : i32 to index
      %get3A_678 = tpu.vector_load %arg14[%get3A, %get3A_677] {strides = array<i32>} : memref<4x1024xf32, #tpu.memory_space<vmem>>, vector<1x16xf32>,
      %get3A_679 = vector.shape_cast %get3A_678 : vector<1x16xf32> to vector<16xf32>
      %swap3A = arith.constant 0 : i32
      %swap3A_680 = arith.index_cast %shift_right_arithmetic3A_673 : i32 to index
      %swap3A_681 = arith.index_cast %swap3A : i32 to index
      %swap3A_682 = arith.index_cast %mul3A_676 : i32 to index
      %swap3A_683 = tpu.vector_load %arg8[%swap3A_680, %swap3A_681, %swap3A_682] {strides = array<i32>} : memref<4x4x1024xf32, #tpu.memory_space<vmem>>, vector<1x1x16xf32>,
      %swap3A_684 = vector.shape_cast %swap3A_683 : vector<1x1x16xf32> to vector<16xf32>
      %swap3A_685 = vector.shape_cast %get3A_679 : vector<16xf32> to vector<1x1x16xf32>
      tpu.vector_store %arg8[%swap3A_680, %swap3A_681, %swap3A_682], %swap3A_685 {add = true, strides = array<i32>} : memref<4x4x1024xf32, #tpu.memory_space<vmem>>, vector<1x1x16xf32>,
      %swap3A_686 = arith.constant 1 : i32
      %swap3A_687 = arith.index_cast %shift_right_arithmetic3A_673 : i32 to index
      %swap3A_688 = arith.index_cast %swap3A_686 : i32 to index
      %swap3A_689 = arith.index_cast %mul3A_676 : i32 to index
      %swap3A_690 = tpu.vector_load %arg8[%swap3A_687, %swap3A_688, %swap3A_689] {strides = array<i32>} : memref<4x4x1024xf32, #tpu.memory_space<vmem>>, vector<1x1x16xf32>,
      %swap3A_691 = vector.shape_cast %swap3A_690 : vector<1x1x16xf32> to vector<16xf32>
      %swap3A_692 = vector.shape_cast %get3A_679 : vector<16xf32> to vector<1x1x16xf32>
      tpu.vector_store %arg8[%swap3A_687, %swap3A_688, %swap3A_689], %swap3A_692 {add = true, strides = array<i32>} : memref<4x4x1024xf32, #tpu.memory_space<vmem>>, vector<1x1x16xf32>,
      %swap3A_693 = arith.constant 2 : i32
      %swap3A_694 = arith.index_cast %shift_right_arithmetic3A_673 : i32 to index
      %swap3A_695 = arith.index_cast %swap3A_693 : i32 to index
      %swap3A_696 = arith.index_cast %mul3A_676 : i32 to index
      %swap3A_697 = tpu.vector_load %arg8[%swap3A_694, %swap3A_695, %swap3A_696] {strides = array<i32>} : memref<4x4x1024xf32, #tpu.memory_space<vmem>>, vector<1x1x16xf32>,
      %swap3A_698 = vector.shape_cast %swap3A_697 : vector<1x1x16xf32> to vector<16xf32>
      %swap3A_699 = vector.shape_cast %get3A_679 : vector<16xf32> to vector<1x1x16xf32>
      tpu.vector_store %arg8[%swap3A_694, %swap3A_695, %swap3A_696], %swap3A_699 {add = true, strides = array<i32>} : memref<4x4x1024xf32, #tpu.memory_space<vmem>>, vector<1x1x16xf32>,
      %swap3A_700 = arith.constant 3 : i32
      %swap3A_701 = arith.index_cast %shift_right_arithmetic3A_673 : i32 to index
      %swap3A_702 = arith.index_cast %swap3A_700 : i32 to index
      %swap3A_703 = arith.index_cast %mul3A_676 : i32 to index
      %swap3A_704 = tpu.vector_load %arg8[%swap3A_701, %swap3A_702, %swap3A_703] {strides = array<i32>} : memref<4x4x1024xf32, #tpu.memory_space<vmem>>, vector<1x1x16xf32>,
      %swap3A_705 = vector.shape_cast %swap3A_704 : vector<1x1x16xf32> to vector<16xf32>
      %swap3A_706 = vector.shape_cast %get3A_679 : vector<16xf32> to vector<1x1x16xf32>
      tpu.vector_store %arg8[%swap3A_701, %swap3A_702, %swap3A_703], %swap3A_706 {add = true, strides = array<i32>} : memref<4x4x1024xf32, #tpu.memory_space<vmem>>, vector<1x1x16xf32>,
      %scan3A_707 = arith.constant 1 : i32
      %scan3A_708 = arith.addi %scan3A_672, %scan3A_707 : i32
      %shift_right_arithmetic3A_709 = arith.constant 6 : i32
      %shift_right_arithmetic3A_710 = arith.shrsi %scan3A_708, %shift_right_arithmetic3A_709 : i32
      %and3A_711 = arith.constant 63 : i32
      %and3A_712 = arith.andi %scan3A_708, %and3A_711 : i32
      %mul3A_713 = arith.constant 16 : i32
      %mul3A_714 = arith.muli %and3A_712, %mul3A_713 : i32
      %get3A_715 = arith.index_cast %shift_right_arithmetic3A_710 : i32 to index
      %get3A_716 = arith.index_cast %mul3A_714 : i32 to index
      %get3A_717 = tpu.vector_load %arg14[%get3A_715, %get3A_716] {strides = array<i32>} : memref<4x1024xf32, #tpu.memory_space<vmem>>, vector<1x16xf32>,
      %get3A_718 = vector.shape_cast %get3A_717 : vector<1x16xf32> to vector<16xf32>
      %swap3A_719 = arith.constant 0 : i32
      %swap3A_720 = arith.index_cast %shift_right_arithmetic3A_710 : i32 to index
      %swap3A_721 = arith.index_cast %swap3A_719 : i32 to index
      %swap3A_722 = arith.index_cast %mul3A_714 : i32 to index
      %swap3A_723 = tpu.vector_load %arg8[%swap3A_720, %swap3A_721, %swap3A_722] {strides = array<i32>} : memref<4x4x1024xf32, #tpu.memory_space<vmem>>, vector<1x1x16xf32>,
      %swap3A_724 = vector.shape_cast %swap3A_723 : vector<1x1x16xf32> to vector<16xf32>
      %swap3A_725 = vector.shape_cast %get3A_718 : vector<16xf32> to vector<1x1x16xf32>
      tpu.vector_store %arg8[%swap3A_720, %swap3A_721, %swap3A_722], %swap3A_725 {add = true, strides = array<i32>} : memref<4x4x1024xf32, #tpu.memory_space<vmem>>, vector<1x1x16xf32>,
      %swap3A_726 = arith.constant 1 : i32
      %swap3A_727 = arith.index_cast %shift_right_arithmetic3A_710 : i32 to index
      %swap3A_728 = arith.index_cast %swap3A_726 : i32 to index
      %swap3A_729 = arith.index_cast %mul3A_714 : i32 to index
      %swap3A_730 = tpu.vector_load %arg8[%swap3A_727, %swap3A_728, %swap3A_729] {strides = array<i32>} : memref<4x4x1024xf32, #tpu.memory_space<vmem>>, vector<1x1x16xf32>,
      %swap3A_731 = vector.shape_cast %swap3A_730 : vector<1x1x16xf32> to vector<16xf32>
      %swap3A_732 = vector.shape_cast %get3A_718 : vector<16xf32> to vector<1x1x16xf32>
      tpu.vector_store %arg8[%swap3A_727, %swap3A_728, %swap3A_729], %swap3A_732 {add = true, strides = array<i32>} : memref<4x4x1024xf32, #tpu.memory_space<vmem>>, vector<1x1x16xf32>,
      %swap3A_733 = arith.constant 2 : i32
      %swap3A_734 = arith.index_cast %shift_right_arithmetic3A_710 : i32 to index
      %swap3A_735 = arith.index_cast %swap3A_733 : i32 to index
      %swap3A_736 = arith.index_cast %mul3A_714 : i32 to index
      %swap3A_737 = tpu.vector_load %arg8[%swap3A_734, %swap3A_735, %swap3A_736] {strides = array<i32>} : memref<4x4x1024xf32, #tpu.memory_space<vmem>>, vector<1x1x16xf32>,
      %swap3A_738 = vector.shape_cast %swap3A_737 : vector<1x1x16xf32> to vector<16xf32>
      %swap3A_739 = vector.shape_cast %get3A_718 : vector<16xf32> to vector<1x1x16xf32>
      tpu.vector_store %arg8[%swap3A_734, %swap3A_735, %swap3A_736], %swap3A_739 {add = true, strides = array<i32>} : memref<4x4x1024xf32, #tpu.memory_space<vmem>>, vector<1x1x16xf32>,
      %swap3A_740 = arith.constant 3 : i32
      %swap3A_741 = arith.index_cast %shift_right_arithmetic3A_710 : i32 to index
      %swap3A_742 = arith.index_cast %swap3A_740 : i32 to index
      %swap3A_743 = arith.index_cast %mul3A_714 : i32 to index
      %swap3A_744 = tpu.vector_load %arg8[%swap3A_741, %swap3A_742, %swap3A_743] {strides = array<i32>} : memref<4x4x1024xf32, #tpu.memory_space<vmem>>, vector<1x1x16xf32>,
      %swap3A_745 = vector.shape_cast %swap3A_744 : vector<1x1x16xf32> to vector<16xf32>
      %swap3A_746 = vector.shape_cast %get3A_718 : vector<16xf32> to vector<1x1x16xf32>
      tpu.vector_store %arg8[%swap3A_741, %swap3A_742, %swap3A_743], %swap3A_746 {add = true, strides = array<i32>} : memref<4x4x1024xf32, #tpu.memory_space<vmem>>, vector<1x1x16xf32>,
    }
    %scan3A_629 = arith.constant 256 : i32
    %dma_start3A_630 = arith.constant 0 : i32
    %dma_start3A_631 = arith.constant 0 : i32
    %dma_start3A_632 = tpu.memref_slice %arg4[%add3A_613, %dma_start3A_630, %dma_start3A_631] : memref<2048x4x1024xf32, #tpu.memory_space<hbm>> -> memref<4x4x1024xf32, #tpu.memory_space<hbm>>
    %dma_start3A_633 = arith.constant 0 : i32
    %dma_start3A_634 = arith.constant 0 : i32
    %dma_start3A_635 = tpu.memref_slice %arg4[%add3A_613, %dma_start3A_633, %dma_start3A_634] : memref<2048x4x1024xf32, #tpu.memory_space<hbm>> -> memref<4x4x1024xf32, #tpu.memory_space<hbm>>
    tpu.enqueue_dma source(%arg8 : memref<4x4x1024xf32, #tpu.memory_space<vmem>>) target(%dma_start3A_635 : memref<4x4x1024xf32, #tpu.memory_space<hbm>>) target_semaphore(%arg26 : memref<!tpu.dma_semaphore, #tpu.memory_space<semaphore_mem>>)
    %dma_wait3A_636 = arith.constant 0 : i32
    %dma_wait3A_637 = arith.constant 0 : i32
    %dma_wait3A_638 = tpu.memref_slice %arg4[%add3A_475, %dma_wait3A_636, %dma_wait3A_637] : memref<2048x4x1024xf32, #tpu.memory_space<hbm>> -> memref<4x4x1024xf32, #tpu.memory_space<hbm>>
    %dma_wait3A_639 = arith.constant 0 : i32
    %dma_wait3A_640 = arith.constant 0 : i32
    %dma_wait3A_641 = tpu.memref_slice %arg4[%add3A_475, %dma_wait3A_639, %dma_wait3A_640] : memref<2048x4x1024xf32, #tpu.memory_space<hbm>> -> memref<4x4x1024xf32, #tpu.memory_space<hbm>>
    tpu.wait_dma2 semaphore(%arg27 : memref<!tpu.dma_semaphore, #tpu.memory_space<semaphore_mem>>) src(%arg9 : memref<4x4x1024xf32, #tpu.memory_space<vmem>>) dst(%dma_wait3A_641 : memref<4x4x1024xf32, #tpu.memory_space<hbm>>)
    %dma_wait3A_642 = arith.constant 0 : i32
    %dma_wait3A_643 = arith.constant 0 : i32
    %dma_wait3A_644 = tpu.memref_slice %arg4[%add3A_517, %dma_wait3A_642, %dma_wait3A_643] : memref<2048x4x1024xf32, #tpu.memory_space<hbm>> -> memref<4x4x1024xf32, #tpu.memory_space<hbm>>
    %dma_wait3A_645 = arith.constant 0 : i32
    %dma_wait3A_646 = arith.constant 0 : i32
    %dma_wait3A_647 = tpu.memref_slice %arg4[%add3A_517, %dma_wait3A_645, %dma_wait3A_646] : memref<2048x4x1024xf32, #tpu.memory_space<hbm>> -> memref<4x4x1024xf32, #tpu.memory_space<hbm>>
    tpu.wait_dma2 semaphore(%arg28 : memref<!tpu.dma_semaphore, #tpu.memory_space<semaphore_mem>>) src(%arg10 : memref<4x4x1024xf32, #tpu.memory_space<vmem>>) dst(%dma_wait3A_647 : memref<4x4x1024xf32, #tpu.memory_space<hbm>>)
    %dma_wait3A_648 = arith.constant 0 : i32
    %dma_wait3A_649 = arith.constant 0 : i32
    %dma_wait3A_650 = tpu.memref_slice %arg4[%add3A_541, %dma_wait3A_648, %dma_wait3A_649] : memref<2048x4x1024xf32, #tpu.memory_space<hbm>> -> memref<4x4x1024xf32, #tpu.memory_space<hbm>>
    %dma_wait3A_651 = arith.constant 0 : i32
    %dma_wait3A_652 = arith.constant 0 : i32
    %dma_wait3A_653 = tpu.memref_slice %arg4[%add3A_541, %dma_wait3A_651, %dma_wait3A_652] : memref<2048x4x1024xf32, #tpu.memory_space<hbm>> -> memref<4x4x1024xf32, #tpu.memory_space<hbm>>
    tpu.wait_dma2 semaphore(%arg23 : memref<!tpu.dma_semaphore, #tpu.memory_space<semaphore_mem>>) src(%arg5 : memref<4x4x1024xf32, #tpu.memory_space<vmem>>) dst(%dma_wait3A_653 : memref<4x4x1024xf32, #tpu.memory_space<hbm>>)
    %dma_wait3A_654 = arith.constant 0 : i32
    %dma_wait3A_655 = arith.constant 0 : i32
    %dma_wait3A_656 = tpu.memref_slice %arg4[%add3A_565, %dma_wait3A_654, %dma_wait3A_655] : memref<2048x4x1024xf32, #tpu.memory_space<hbm>> -> memref<4x4x1024xf32, #tpu.memory_space<hbm>>
    %dma_wait3A_657 = arith.constant 0 : i32
    %dma_wait3A_658 = arith.constant 0 : i32
    %dma_wait3A_659 = tpu.memref_slice %arg4[%add3A_565, %dma_wait3A_657, %dma_wait3A_658] : memref<2048x4x1024xf32, #tpu.memory_space<hbm>> -> memref<4x4x1024xf32, #tpu.memory_space<hbm>>
    tpu.wait_dma2 semaphore(%arg24 : memref<!tpu.dma_semaphore, #tpu.memory_space<semaphore_mem>>) src(%arg6 : memref<4x4x1024xf32, #tpu.memory_space<vmem>>) dst(%dma_wait3A_659 : memref<4x4x1024xf32, #tpu.memory_space<hbm>>)
    %dma_wait3A_660 = arith.constant 0 : i32
    %dma_wait3A_661 = arith.constant 0 : i32
    %dma_wait3A_662 = tpu.memref_slice %arg4[%add3A_589, %dma_wait3A_660, %dma_wait3A_661] : memref<2048x4x1024xf32, #tpu.memory_space<hbm>> -> memref<4x4x1024xf32, #tpu.memory_space<hbm>>
    %dma_wait3A_663 = arith.constant 0 : i32
    %dma_wait3A_664 = arith.constant 0 : i32
    %dma_wait3A_665 = tpu.memref_slice %arg4[%add3A_589, %dma_wait3A_663, %dma_wait3A_664] : memref<2048x4x1024xf32, #tpu.memory_space<hbm>> -> memref<4x4x1024xf32, #tpu.memory_space<hbm>>
    tpu.wait_dma2 semaphore(%arg25 : memref<!tpu.dma_semaphore, #tpu.memory_space<semaphore_mem>>) src(%arg7 : memref<4x4x1024xf32, #tpu.memory_space<vmem>>) dst(%dma_wait3A_665 : memref<4x4x1024xf32, #tpu.memory_space<hbm>>)
    %dma_wait3A_666 = arith.constant 0 : i32
    %dma_wait3A_667 = arith.constant 0 : i32
    %dma_wait3A_668 = tpu.memref_slice %arg4[%add3A_613, %dma_wait3A_666, %dma_wait3A_667] : memref<2048x4x1024xf32, #tpu.memory_space<hbm>> -> memref<4x4x1024xf32, #tpu.memory_space<hbm>>
    %dma_wait3A_669 = arith.constant 0 : i32
    %dma_wait3A_670 = arith.constant 0 : i32
    %dma_wait3A_671 = tpu.memref_slice %arg4[%add3A_613, %dma_wait3A_669, %dma_wait3A_670] : memref<2048x4x1024xf32, #tpu.memory_space<hbm>> -> memref<4x4x1024xf32, #tpu.memory_space<hbm>>
    tpu.wait_dma2 semaphore(%arg26 : memref<!tpu.dma_semaphore, #tpu.memory_space<semaphore_mem>>) src(%arg8 : memref<4x4x1024xf32, #tpu.memory_space<vmem>>) dst(%dma_wait3A_671 : memref<4x4x1024xf32, #tpu.memory_space<hbm>>)
    return
  }
}

</mosaic_0001>

<sc_bundles>
// kernel: kernel.3.cloned.1.call-start
scs
__scs_entry_jumppad:
0x0: {  	(pc) =	sbr.rel $0x88, $3  }
0x1: {  	(tag) =	ssettag $0x0;
	lr =	simm.s32 $0x1  }
0x2: {  	[smem:$0x3F9F] =	sst lr;
	_ =	strace $0xD0000000  }
0x3: {  	_ = 	snop  }
0x4: {  	_ = 	snop  }
0x5: {  	_ = 	snop  }
0x6: {  	_ = 	snop  }
0x7: {  	_ = 	snop  }
__scs_overlays_trampoline_lowered:
0x8: {  	[smem:$0x3FAE] =	sst s0  }
0x9: {  	[smem:$0x3FAF] =	sst s1  }
0xa: {  	[smem:$0x3FB0] =	sst s2  }
0xb: {  	[smem:$0x3FB1] =	sst s3  }
0xc: {  	[smem:$0x3FB2] =	sst s4  }
0xd: {  	[smem:$0x3FB3] =	sst s5  }
0xe: {  	[smem:$0x3FB4] =	sst s6  }
0xf: {  	[smem:$0x3FB5] =	sst s7  }
0x10: {  	[smem:$0x3FB6] =	sst s8  }
0x11: {  	[smem:$0x3FB7] =	sst s9;
	s0 =	simm.s32 @!p0 $0x0  }
0x12: {  	s1 =	sld [smem:$0x3F9D];
	s0 =	simm.s32 @p0 $0x1  }
0x13: {  	[smem:$0x3FB8] =	sst s0;
	s0 =	simm.s32 @!p1 $0x0  }
0x14: {  	s2 =	sld [smem:$0x3F9C];
	s0 =	simm.s32 @p1 $0x1  }
0x15: {  	[smem:$0x3FB9] =	sst s0;
	s0 =	simm.s32 @!p2 $0x0  }
0x16: {  	s3 =	sld [smem:$0x3FDB];
	s0 =	simm.s32 @p2 $0x1  }
0x17: {  	s4 =	simm.s32 $0x1BF5;
	[smem:$0x3FBB] =	sst s0  }
0x18: {  	s0 =	sld [smem:$0x3F9E];
	_ =	swait.ge [sflag:s4], $0x0  }
0x19: {  	s7 =	sld [smem:$0x3F9F]  }
0x1a: {  	s8 =	sadd.s32 $0xFFFFE003, lr  }
0x1b: {  	s9 =	sadd.s32 $0xFFFFFEF7, lr;
	s5 =	simm.s32 $0xFFFFFFFF;
	p2 =	slt.u32 s8, $0xFFFFF086  }
0x1c: {  	p1 =	slt.u32 s9, $0xF7A;
	s5 =	simm.s32 @!p2 $0x0  }
0x1d: {  	s5 =	simm.s32 @p1 $0x1;
	p0 =	seq.s32 s7, s2  }
0x1e: {  	s7 =	smul.u32 @!p0 $0xF7A, s2;
	p2 =	seq.s32 @!p0 s5, $0x0  }
0x1f: {  	s9 =	smul.u32 $0xF7A, s1;
	s8 =	simm.s32 @!p0 $0x1BF5;
	p2 =	por !p2, p0  }
0x20: {  	[sflag:s8] =	ssyncset.s32 @!p0 $0xFFFFF086;
	s6 =	sadd.s32 @!p0 s3, s7;
	s7 =	simm.s32 @!p0 $0x108  }
0x21: {  	s3 =	sadd.s32 s3, s9;
	s6 =	sadd.s32 @!p0 $0x88, s6;
	s7 =	simm.s32 @p2 $0x1082  }
0x22: {  	[simem:s7], [sflag:s8] =	dma.local @!p0 [hbm:s6], $0xF7A  }
0x23: {  	s9 =	sor.u32 $0xD0000000, s2;
	s6 =	simm.s32 $0x108;
	_ =	swait.ge @!p0 [sflag:s8], $0x0  }
0x24: {  	s3 =	sadd.s32 $0x88, s3;
	s6 =	simm.s32 @!p1 $0x1082;
	[sflag:s4] =	ssyncset.s32 $0xFFFFF086  }
0x25: {  	[simem:s6], [sflag:s4] =	dma.local [hbm:s3], $0xF7A  }
0x26: {  	[smem:$0x3F9F] =	sst s1;
	(tag) =	ssettag s2;
	_ =	strace s9  }
0x27: {  	s1 =	sld [smem:$0x3FAF]  }
0x28: {  	s2 =	sld [smem:$0x3FB0]  }
0x29: {  	s4 =	sld [smem:$0x3FB2]  }
0x2a: {  	p0 =	seq.s32 s5, $0x0;
	s5 =	sld [smem:$0x3FB3]  }
0x2b: {  	s6 =	sld [smem:$0x3FB4]  }
0x2c: {  	s7 =	sld [smem:$0x3FB5]  }
0x2d: {  	s3 =	simm.s32 $0x108;
	s8 =	sld [smem:$0x3FB6]  }
0x2e: {  	s3 =	simm.s32 @!p0 $0x1082;
	s9 =	sld [smem:$0x3FB7]  }
0x2f: {  	lr =	sadd.s32 s0, s3;
	s0 =	sld [smem:$0x3FAE]  }
0x30: {  	s3 =	sld [smem:$0x3FB1]  }
0x31: {  	[smem:$0x3FBA] =	sst s10  }
0x32: {  	s10 =	sld [smem:$0x3FB8];
	_ =	sdelay $0x3  }
0x33: {  	p0 =	seq.s32 s10, $0x1;
	s10 =	sld [smem:$0x3FBA];
	_ =	sdelay $0x3  }
0x34: {  	[smem:$0x3FBA] =	sst s10  }
0x35: {  	s10 =	sld [smem:$0x3FB9];
	_ =	sdelay $0x3  }
0x36: {  	p1 =	seq.s32 s10, $0x1;
	s10 =	sld [smem:$0x3FBA];
	_ =	sdelay $0x3  }
0x37: {  	[smem:$0x3FBA] =	sst s10  }
0x38: {  	s10 =	sld [smem:$0x3FBB]  }
0x39: {  	_ = 	snop;
	(pc) =	sbr.ind lr, $3  }
0x3a: {  	_ = 	snop  }
0x3b: {  	_ = 	snop  }
0x3c: {  	p2 =	seq.s32 s10, $0x1;
	s10 =	sld [smem:$0x3FBA]  }
0x3d: {  	_ =	shalt  }
0x3e: {  	_ =	shalt  }
0x3f: {  	_ =	shalt  }
0x40: {  	_ =	shalt  }
0x41: {  	_ =	shalt  }
0x42: {  	_ =	shalt  }
0x43: {  	_ =	shalt  }
0x44: {  	_ =	shalt  }
0x45: {  	_ =	shalt  }
0x46: {  	_ =	shalt  }
0x47: {  	_ =	shalt  }
0x48: {  	_ =	shalt  }
0x49: {  	_ =	shalt  }
0x4a: {  	_ =	shalt  }
0x4b: {  	_ =	shalt  }
0x4c: {  	_ =	shalt  }
0x4d: {  	_ =	shalt  }
0x4e: {  	_ =	shalt  }
0x4f: {  	_ =	shalt  }
0x50: {  	_ =	shalt  }
0x51: {  	_ =	shalt  }
0x52: {  	_ =	shalt  }
0x53: {  	_ =	shalt  }
0x54: {  	_ =	shalt  }
0x55: {  	_ =	shalt  }
0x56: {  	_ =	shalt  }
0x57: {  	_ =	shalt  }
0x58: {  	_ =	shalt  }
0x59: {  	_ =	shalt  }
0x5a: {  	_ =	shalt  }
0x5b: {  	_ =	shalt  }
0x5c: {  	_ =	shalt  }
0x5d: {  	_ =	shalt  }
0x5e: {  	_ =	shalt  }
0x5f: {  	_ =	shalt  }
0x60: {  	_ =	shalt  }
0x61: {  	_ =	shalt  }
0x62: {  	_ =	shalt  }
0x63: {  	_ =	shalt  }
0x64: {  	_ =	shalt  }
0x65: {  	_ =	shalt  }
0x66: {  	_ =	shalt  }
0x67: {  	_ =	shalt  }
0x68: {  	_ =	shalt  }
0x69: {  	_ =	shalt  }
0x6a: {  	_ =	shalt  }
0x6b: {  	_ =	shalt  }
0x6c: {  	_ =	shalt  }
0x6d: {  	_ =	shalt  }
0x6e: {  	_ =	shalt  }
0x6f: {  	_ =	shalt  }
0x70: {  	_ =	shalt  }
0x71: {  	_ =	shalt  }
0x72: {  	_ =	shalt  }
0x73: {  	_ =	shalt  }
0x74: {  	_ =	shalt  }
0x75: {  	_ =	shalt  }
0x76: {  	_ =	shalt  }
0x77: {  	_ =	shalt  }
0x78: {  	_ =	shalt  }
0x79: {  	_ =	shalt  }
0x7a: {  	_ =	shalt  }
0x7b: {  	_ =	shalt  }
0x7c: {  	_ =	shalt  }
0x7d: {  	_ =	shalt  }
0x7e: {  	_ =	shalt  }
0x7f: {  	_ =	shalt  }
0x80: {  	_ =	shalt  }
0x81: {  	_ =	shalt  }
0x82: {  	_ =	shalt  }
0x83: {  	_ =	shalt  }
0x84: {  	_ =	shalt  }
0x85: {  	_ =	shalt  }
0x86: {  	_ =	shalt  }
0x87: {  	_ =	shalt  }
.Lfunc_end0:
.L_simem_size_0:
called_computation_lowered:
.L_overlay_start_0:
0x88: {  	s2 =	sld [smem:$0x3FD9]  }
0x89: {  	s3 =	sld [smem:$0x3FFE];
	_ =	sdelay $0x1  }
0x8a: {  	s1 =	srdreg.scid  }
0x8b: {  	s0 =	sand.u32 $0x1, s1  }
0x8c: {  	s18 =	sshll.u32 s0, $0xA;
	s2 =	sadd.s32 s3, s2  }
0x8d: {  	s2 =	sadd.s32 s2, s18  }
0x8e: {  	[smem:$0x3FC6] =	sst s2  }
0x8f: {  	_ = 	snop  }
0x90: {  	s2 =	sld [smem:$0x3FC9]  }
0x91: {  	s19 =	sld [smem:$0x3FC8]  }
0x92: {  	s4 =	sld [smem:$0x3FD0];
	(tm) =	ssettm $0x1  }
0x93: {  	s5 =	sld [smem:$0x3FFB];
	_ =	sdelay $0x3  }
0x94: {  	_ =	strace s5  }
0x95: {  	s5 =	sld [smem:$0x3FFC];
	_ =	sdelay $0x3  }
0x96: {  	_ =	strace s5  }
0x97: {  	s5 =	sld [smem:$0x3FFD];
	_ =	sdelay $0x3  }
0x98: {  	_ =	strace s5  }
0x99: {  	_ =	strace $0x8FFFFFFF  }
0x9a: {  	s20 =	sld [smem:$0x3FDB];
	_ =	sdelay $0x1  }
0x9b: {  	s6 =	simm.s32 $_scs_section_size  }
0x9c: {  	s7 =	simm.s32 $_size__tile_overlayer_lowered;
	s8 =	simm.s32 $_tile_overlayer_lowered  }
0x9d: {  	s23 =	simm.s32 $0x1BFF;
	s22 =	sshll.u32 s8, $0x1;
	s5 =	sadd.s32 s6, s20  }
0x9e: {  	s9 =	simm.s32 $0x0;
	s21 =	sshll.u32 s7, $0x1;
	s7 =	sadd.s32 s22, s5  }
0x9f: {  	[timem:s9], [sflag:s23] =	dma.local [hbm:s7], s21  }
0xa0: {  	_ =	swait.ge [sflag:s23], s21  }
0xa1: {  	s6 =	ssub.s32 $0x0, s21;
	[sflag:s23] =	ssyncset.done $0x0  }
0xa2: {  	[sflag:s23] =	ssyncadd.s32 s6;
	_ =	sdelay $0x1  }
0xa3: {  	s24 =	simm.s32 $0x1B8B  }
0xa4: {  	_ =	swait.ge [sflag:s24], $0x1  }
0xa5: {  	[sflag:s24] =	ssyncset.done $0x0  }
0xa6: {  	s25 =	simm.s32 $0x1B8E;
	[sflag:s24] =	ssyncadd.s32 $0xFFFFFFFF  }
0xa7: {  	s26 =	simm.s32 $execute0_lowered;
	[smem:$0x3FD2] =	sst s25  }
0xa8: {  	s6 =	sshll.u32 s26, $0x1;
	_ =	strace $0x80000046;
	[dreg:$0x1] =	wrdreg $0xFFFFFFFF  }
0xa9: {  	s28 =	simm.s32 $_size_execute0_lowered;
	s5 =	sadd.s32 s5, s6;
	[dreg:$0x0] =	wrdreg $0x0  }
0xaa: {  	s6 =	sshll.u32 s28, $0x1;
	[dreg:$0x2] =	wrdreg s5  }
0xab: {  	[dreg:$0x3] =	wrdreg s6  }
0xac: {  	[dreg:$0x4] =	wrdreg $0xC0  }
0xad: {  	_ =	task [dreg:s9], $0x5FFFF  }
0xae: {  	[dreg:$0x1] =	wrdreg $0xFFFFFFFF  }
0xaf: {  	[dreg:$0x0] =	wrdreg $0x60  }
0xb0: {  	[dreg:$0x2] =	wrdreg s2  }
0xb1: {  	[dreg:$0x3] =	wrdreg s19  }
0xb2: {  	[dreg:$0x4] =	wrdreg s4  }
0xb3: {  	[dreg:$0x5] =	wrdreg $0x9  }
0xb4: {  	_ =	task.clear_ibuf [dreg:s9], $0x6FFFF;
	_ =	strace $0x90000046  }
0xb5: {  	s29 =	simm.s32 $0x9;
	_ =	strace $0x80000048  }
0xb6: {  	_ =	swait.ge [sflag:s29], $0x1  }
0xb7: {  	[sflag:s29] =	ssyncadd.s32 $0xFFFFFFFF  }
0xb8: {  	_ =	strace $0x90000048  }
0xb9: {  	_ =	sfence  }
0xba: {  	s30 =	sld [smem:$0x0];
	_ =	sdelay $0x2  }
0xbb: {  	s31 =	sshll.u32 s1, $0xD;
	s1 =	sshrl.u32 s1, $0x2  }
0xbc: {  	s3 =	sand.u32 $0x4000, s31;
	s1 =	sadd.s32 s1, s30  }
0xbd: {  	s0 =	sor.u32 s3, s0;
	s1 =	sshll.u32 s1, $0x11  }
0xbe: {  	s0 =	sor.u32 s1, s0  }
0xbf: {  	s0 =	sadd.s32 $0x8F2B, s0  }
0xc0: {  	[sflag:s0] =	ssyncadd.remote.s32 $0x1  }
0xc1: {  	_ =	sfence.sel $0xFFFF  }
0xc2: {  	[dreg:$0x0] =	wrdreg $0xFFFFFFFF;
	(pc) =	sbr.abs _section_cstart, $3  }
0xc3: {  	[dreg:$0x1] =	wrdreg $0xFFFFFFFF  }
0xc4: {  	_ =	task.clear_ibuf [dreg:s9], $0x2FFFF;
	_ =	strace $0x9FFFFFFF  }
0xc5: {  	(tm) =	ssettm $0x7FFFFFFF  }
tec
execute0_lowered:
.L_overlay_start_1:
0x0: {  	(tag) =	ssettag $0x1  }
0x1: {  	s0 =	srdreg.scid  }
0x2: {  	s1 =	stileid.u32;
	s0 =	sand.u32 $0x1, s0  }
0x3: {  	s1 =	sshll.u32 s1, $0x7;
	s2 =	sshll.u32 s0, $0x6;
	s0 =	ssub.s32 $0x2, s0  }
0x4: {  	s3 =	rddreg [dreg:$0x1];
	s2 =	sor.u32 s2, s1;
	s15 =	sshrl.u32 s0, $0x1  }
0x5: {  	s5 =	sadd.s32 $0x40, s3;
	s4 =	sshll.u32 s2, $0x7;
	s0 =	ssub.s32 s0, s15  }
0x6: {  	s6 =	sor.u32 $0x8, s2;
	s7 =	sor.u32 $0xC, s2;
	s8 =	sor.u32 $0x14, s2  }
0x7: {  	s9 =	sor.u32 $0x18, s2;
	s11 =	sor.u32 $0x20, s2;
	s12 =	sor.u32 $0x1C, s2  }
0x8: {  	s13 =	sor.u32 $0x28, s2;
	s14 =	sor.u32 $0x30, s2;
	s16 =	sadd.s32 s3, s4  }
0x9: {  	s17 =	sadd.s32 s4, s5;
	s18 =	sshll.u32 s6, $0x7;
	s19 =	sshll.u32 s7, $0x7  }
0xa: {  	s4 =	sor.u32 $0x10, s2;
	s22 =	sshll.u32 s8, $0x7;
	s23 =	sshll.u32 s9, $0x7  }
0xb: {  	s24 =	sshll.u32 s11, $0x7;
	s15 =	sshll.u32 s13, $0x7;
	[dreg:$0x4] =	wrdreg s16  }
0xc: {  	s28 =	sshll.u32 s12, $0x7;
	[dreg:$0x5] =	wrdreg s17;
	s1 =	sadd.s32 s3, s18  }
0xd: {  	s20 =	sand.u32 $0x3E400, s19;
	s15 =	sadd.s32 s3, s15;
	[dreg:$0x6] =	wrdreg s1  }
0xe: {  	s16 =	sshll.u32 s14, $0x7;
	s1 =	sadd.s32 s20, s5;
	[dreg:$0xb] =	wrdreg s15  }
0xf: {  	s10 =	sand.u32 $0x3E800, s22;
	s25 =	sadd.s32 s3, s16;
	[dreg:$0x7] =	wrdreg s1  }
0x10: {  	s21 =	sshll.u32 s4, $0x7;
	s10 =	sadd.s32 s10, s5;
	[dreg:$0xc] =	wrdreg s25  }
0x11: {  	s15 =	sor.u32 $0x24, s2;
	s1 =	sadd.s32 s3, s21;
	[dreg:$0xe] =	wrdreg s10  }
0x12: {  	s16 =	sshll.u32 s15, $0x7;
	[dreg:$0x8] =	wrdreg s1;
	s1 =	sadd.s32 s3, s23  }
0x13: {  	s17 =	sand.u32 $0x3F000, s16;
	[dreg:$0x9] =	wrdreg s1;
	s1 =	sadd.s32 s3, s24  }
0x14: {  	s16 =	simm.s32 $0x0;
	[dreg:$0xa] =	wrdreg s1;
	s1 =	sor.u32 $0x38, s2  }
0x15: {  	s23 =	sshll.u32 s6, $0x9;
	s6 =	rddreg [dreg:$0x0];
	s26 =	sshll.u32 s1, $0x7  }
0x16: {  	s10 =	sor.u32 $0x2C, s2;
	[smem:$0x7FF] =	sst s16;
	s3 =	sadd.s32 s3, s26  }
0x17: {  	s18 =	sshll.u32 s10, $0x7;
	[dreg:$0xd] =	wrdreg s3;
	s3 =	sand.u32 $0x3EC00, s28  }
0x18: {  	s24 =	sshll.u32 s7, $0x9;
	s7 =	rddreg [dreg:$0x2];
	s3 =	sadd.s32 s3, s5  }
0x19: {  	[dreg:$0xf] =	wrdreg s3;
	s3 =	sadd.s32 s17, s5;
	s17 =	sor.u32 $0x34, s2  }
0x1a: {  	[dreg:$0x10] =	wrdreg s3;
	s3 =	sand.u32 $0x3F400, s18;
	s19 =	sshll.u32 s17, $0x7  }
0x1b: {  	s18 =	sor.u32 $0x3C, s2;
	s2 =	sshll.u32 s2, $0x9;
	s3 =	sadd.s32 s3, s5  }
0x1c: {  	s20 =	sand.u32 $0x3F800, s19;
	s19 =	sadd.s32 s6, s2;
	[dreg:$0x11] =	wrdreg s3  }
0x1d: {  	s25 =	sor.u32 $0x800, s2;
	s2 =	sadd.s32 s7, s2;
	[dreg:$0x14] =	wrdreg s19  }
0x1e: {  	s3 =	sadd.s32 s20, s5;
	[dreg:$0x15] =	wrdreg s2  }
0x1f: {  	s26 =	sadd.s32 s6, s25;
	[dreg:$0x12] =	wrdreg s3  }
0x20: {  	s29 =	simm.s32 $0xC000;
	s28 =	sadd.s32 s7, s25;
	[dreg:$0x16] =	wrdreg s26  }
0x21: {  	s21 =	sshll.u32 s18, $0x7;
	s19 =	sadd.s32 s6, s23;
	[dreg:$0x17] =	wrdreg s28  }
0x22: {  	s22 =	sand.u32 $0x3FC00, s21;
	s21 =	sadd.s32 s6, s24;
	[dreg:$0x18] =	wrdreg s19  }
0x23: {  	s30 =	simm.s32 $0x1B000;
	s3 =	sadd.s32 s22, s5;
	[dreg:$0x1a] =	wrdreg s21  }
0x24: {  	s2 =	sshll.u32 s8, $0x9;
	s5 =	sadd.s32 s7, s24;
	[dreg:$0x13] =	wrdreg s3  }
0x25: {  	s31 =	simm.s32 $0x10000;
	s25 =	sadd.s32 s6, s2;
	[dreg:$0x1b] =	wrdreg s5  }
0x26: {  	s8 =	sshll.u32 s9, $0x9;
	s2 =	sadd.s32 s7, s2;
	[dreg:$0x1e] =	wrdreg s25  }
0x27: {  	s20 =	sshll.u32 s12, $0x9;
	s28 =	sadd.s32 s6, s8;
	[dreg:$0x1f] =	wrdreg s2  }
0x28: {  	s12 =	sshll.u32 s14, $0x9;
	s8 =	sadd.s32 s7, s8;
	[smem:$0x7E9] =	sst s28  }
0x29: {  	s22 =	sshll.u32 s11, $0x9;
	s11 =	sadd.s32 s6, s20;
	[smem:$0x7EA] =	sst s8  }
0x2a: {  	s0 =	smax.u32 s0, $0x1;
	s21 =	sadd.s32 s6, s12;
	[smem:$0x7EB] =	sst s11  }
0x2b: {  	s4 =	sshll.u32 s4, $0x9;
	s3 =	sadd.s32 s7, s23;
	[smem:$0x7F4] =	sst s21  }
0x2c: {  	s10 =	sshll.u32 s10, $0x9;
	s23 =	sadd.s32 s6, s4;
	[dreg:$0x19] =	wrdreg s3  }
0x2d: {  	s1 =	sshll.u32 s1, $0x9;
	s4 =	sadd.s32 s7, s4;
	[dreg:$0x1c] =	wrdreg s23  }
0x2e: {  	s26 =	sshll.u32 s13, $0x9;
	s13 =	sadd.s32 s6, s22;
	[dreg:$0x1d] =	wrdreg s4  }
0x2f: {  	s24 =	sshll.u32 s15, $0x9;
	s5 =	sadd.s32 s7, s22;
	[smem:$0x7ED] =	sst s13  }
0x30: {  	s14 =	sshll.u32 s17, $0x9;
	s15 =	sadd.s32 s6, s24;
	[smem:$0x7EE] =	sst s5  }
0x31: {  	s9 =	simm.s32 $0x5;
	s17 =	sadd.s32 s6, s26;
	[smem:$0x7EF] =	sst s15  }
0x32: {  	s19 =	sshll.u32 s18, $0x9;
	s2 =	sadd.s32 s7, s26;
	[smem:$0x7F1] =	sst s17  }
0x33: {  	s22 =	sadd.s32 s6, s14;
	s25 =	sadd.s32 s7, s10;
	[smem:$0x7F2] =	sst s2  }
0x34: {  	s26 =	sadd.s32 s7, s14;
	s28 =	sadd.s32 s7, s19;
	[smem:$0x7F5] =	sst s22  }
0x35: {  	s21 =	simm.s32 $0x200;
	s8 =	simm.s32 $0x9;
	[smem:$0x7F8] =	sst s25  }
0x36: {  	s11 =	simm.s32 $0xB;
	s3 =	sadd.s32 s7, s20;
	[smem:$0x7FA] =	sst s26  }
0x37: {  	s4 =	sadd.s32 s7, s24;
	s20 =	sadd.s32 s6, s10;
	[smem:$0x7FC] =	sst s28  }
0x38: {  	s23 =	sadd.s32 s6, s1;
	s24 =	sadd.s32 s6, s19;
	[smem:$0x7EC] =	sst s3  }
0x39: {  	s1 =	sadd.s32 s7, s1;
	s22 =	simm.s32 $0x400;
	[smem:$0x7F0] =	sst s4  }
0x3a: {  	s26 =	simm.s32 $0x8000;
	s2 =	simm.s32 $0x14000;
	[smem:$0x7F3] =	sst s20  }
0x3b: {  	s5 =	simm.s32 $0x7;
	s6 =	simm.s32 $0x3;
	[smem:$0x7F6] =	sst s23  }
0x3c: {  	s10 =	simm.s32 $0x6;
	s13 =	simm.s32 $0x0;
	[smem:$0x7F7] =	sst s24  }
0x3d: {  	s3 =	sadd.s32 s7, s12;
	[smem:$0x7FB] =	sst s1;
	s24 =	simm.s32 $0x4000  }
0x3e: {  	s1 =	simm.s32 $0x1;
	s4 =	simm.s32 $0x2;
	s7 =	simm.s32 $0x8  }
0x3f: {  	s12 =	simm.s32 $0xC;
	[smem:$0x7F9] =	sst s3;
	s3 =	simm.s32 $0xA  }
0x40: {  	_ =	strace $0x80000047;
	[smem:$0x7FD] =	sst s0;
	s0 =	simm.s32 $0x4  }
.LBB2_1:
0x41: {  	s14 =	rddreg [dreg:$0x14]  }
0x42: {  	[tilespmem:s16], [sflag:$0x1] =	stream.linear.gather [hbm4b:s14+s16], $0x4000, $0x38;
	[tilespmem:$0x1E000] =	vst v63  }
0x43: {  	s28 =	rddreg [dreg:$0x4];
	s15 =	simm.s32 $0x18000  }
0x44: {  	[tilespmem:s15], [sflag:$0x1] =	stream.strided.gather [hbm4b:s28+s21], $0x1000, s22, s21, $0x38;
	[tilespmem:$0x1E000] =	vst v63  }
0x45: {  	s17 =	rddreg [dreg:$0x16]  }
0x46: {  	[tilespmem:s24], [sflag:$0x2] =	stream.linear.gather [hbm4b:s17+s16], $0x4000, $0x38;
	[tilespmem:$0x1E000] =	vst v63  }
0x47: {  	s18 =	rddreg [dreg:$0x5];
	s19 =	simm.s32 $0x19000  }
0x48: {  	[tilespmem:s19], [sflag:$0x2] =	stream.strided.gather [hbm4b:s18+s21], $0x1000, s22, s21, $0x38;
	[tilespmem:$0x1E000] =	vst v63  }
0x49: {  	s20 =	rddreg [dreg:$0x18]  }
0x4a: {  	[tilespmem:s26], [sflag:$0x3] =	stream.linear.gather [hbm4b:s20+s16], $0x4000, $0x38;
	[tilespmem:$0x1E000] =	vst v63  }
0x4b: {  	s23 =	rddreg [dreg:$0x6];
	s25 =	simm.s32 $0x1A000  }
0x4c: {  	[tilespmem:s25], [sflag:$0x3] =	stream.strided.gather [hbm4b:s23+s21], $0x1000, s22, s21, $0x38;
	[tilespmem:$0x1E000] =	vst v63  }
0x4d: {  	s28 =	rddreg [dreg:$0x1a]  }
0x4e: {  	[tilespmem:s29], [sflag:$0x4] =	stream.linear.gather [hbm4b:s28+s16], $0x4000, $0x38;
	[tilespmem:$0x1E000] =	vst v63  }
0x4f: {  	s15 =	rddreg [dreg:$0x7]  }
0x50: {  	[tilespmem:s30], [sflag:$0x4] =	stream.strided.gather [hbm4b:s15+s21], $0x1000, s22, s21, $0x38;
	[tilespmem:$0x1E000] =	vst v63  }
0x51: {  	s17 =	rddreg [dreg:$0x1c]  }
0x52: {  	[tilespmem:s31], [sflag:$0x5] =	stream.linear.gather [hbm4b:s17+s16], $0x4000, $0x38;
	[tilespmem:$0x1E000] =	vst v63  }
0x53: {  	s18 =	rddreg [dreg:$0x8];
	s19 =	simm.s32 $0x1C000  }
0x54: {  	[tilespmem:s19], [sflag:$0x5] =	stream.strided.gather [hbm4b:s18+s21], $0x1000, s22, s21, $0x38;
	[tilespmem:$0x1E000] =	vst v63  }
0x55: {  	_ =	swait.ge [sflag:s1], $0x4000  }
0x56: {  	s20 =	simm.s32 $0x0;
	[sflag:s1] =	ssyncset.done $0x0  }
0x57: {  	s14 =	sand.u32 $0x3FFFFF80, s20;
	s23 =	sand.u32 $0xE00, s16;
	[sflag:s1] =	ssyncadd.s32 $0xFFFFC000  }
0x58: {  	s14 =	sadd.s32 s23, s14;
	_ =	swait.ge [sflag:s1], $0x1000  }
0x59: {  	s17 =	sand.u32 $0x60, s16;
	s18 =	sadd.s32 $0x18000, s14;
	[sflag:s1] =	ssyncset.done $0x0  }
0x5a: {  	s14 =	sor.u32 s17, s18;
	[sflag:s1] =	ssyncadd.s32 $0xFFFFF000  }
0x5b: {  	v0 =	vld [tilespmem:s14+$0x0]  }
0x5c: {  	s25 =	simm.s32 $0x0  }
0x5d: {  	s14 =	sand.u32 $0x3FFFF000, s25  }
0x5e: {  	s15 =	sor.u32 s23, s14  }
0x5f: {  	s14 =	sor.u32 s17, s15  }
0x60: {  	s19 =	sor.u32 $0x80, s14;
	[tilespmem:s14+$0x0] =	vst.add.f32.msk $0xffff, v0  }
0x61: {  	s28 =	sor.u32 $0x100, s14;
	[tilespmem:s19+$0x0] =	vst.add.f32.msk $0xffff, v0  }
0x62: {  	s17 =	sor.u32 $0x10, s17;
	s14 =	sor.u32 $0x180, s14;
	[tilespmem:s28+$0x0] =	vst.add.f32.msk $0xffff, v0  }
0x63: {  	s18 =	sor.u32 s17, s18;
	s17 =	sor.u32 s17, s15;
	[tilespmem:s14+$0x0] =	vst.add.f32.msk $0xffff, v0  }
0x64: {  	s15 =	simm.s32 $0x0;
	s14 =	simm.s32 $0x0;
	v0 =	vld [tilespmem:s18+$0x0];
	s18 =	simm.s32 $0x0  }
.LBB2_2:
0x65: {  	_ =	sdelay $0x1  }
0x66: {  	s14 =	sadd.s32 $0x2, s14;
	s15 =	sadd.s32 $0x80, s15;
	s18 =	sadd.s32 $0x20, s18  }
0x67: {  	s23 =	sor.u32 $0x80, s17;
	s19 =	sshll.u32 s14, $0x1;
	s20 =	sshll.u32 s14, $0x6  }
0x68: {  	s25 =	sand.u32 $0xE00, s15;
	s19 =	sand.u32 $0x3FFFFF80, s19;
	s20 =	sand.u32 $0x3FFFF000, s20;
	[tilespmem:s17+$0x0] =	vst.add.f32.msk $0xffff, v0  }
0x69: {  	s19 =	sadd.s32 s25, s19;
	s20 =	sor.u32 s25, s20;
	[tilespmem:s23+$0x0] =	vst.add.f32.msk $0xffff, v0;
	s23 =	sor.u32 $0x100, s17  }
0x6a: {  	s25 =	sand.u32 $0x60, s18;
	s19 =	sadd.s32 $0x18000, s19;
	s17 =	sor.u32 $0x180, s17;
	[tilespmem:s23+$0x0] =	vst.add.f32.msk $0xffff, v0  }
0x6b: {  	p0 =	slt.u32 s14, $0xFE;
	s28 =	sor.u32 $0x10, s25;
	s23 =	sor.u32 s25, s19;
	[tilespmem:s17+$0x0] =	vst.add.f32.msk $0xffff, v0  }
0x6c: {  	s19 =	sor.u32 s28, s19;
	s17 =	sor.u32 s28, s20;
	v0 =	vld [tilespmem:s23+$0x0];
	_ =	sdelay $0x3  }
0x6d: {  	s20 =	sor.u32 s25, s20  }
.Ltmp0:
0x6e: {  	s23 =	sor.u32 $0x80, s20;
	[tilespmem:s20+$0x0] =	vst.add.f32.msk $0xffff, v0;
	(pc) =	sbr.rel @p0 .LBB2_2-.Ltmp0, $4  }
0x6f: {  	[tilespmem:s23+$0x0] =	vst.add.f32.msk $0xffff, v0;
	s23 =	sor.u32 $0x100, s20  }
0x70: {  	s20 =	sor.u32 $0x180, s20;
	[tilespmem:s23+$0x0] =	vst.add.f32.msk $0xffff, v0  }
0x71: {  	[tilespmem:s20+$0x0] =	vst.add.f32.msk $0xffff, v0  }
0x72: {  	v0 =	vld [tilespmem:s19+$0x0]  }
0x73: {  	_ =	sdelay $0x3  }
0x74: {  	s14 =	sor.u32 $0x80, s17;
	[tilespmem:s17+$0x0] =	vst.add.f32.msk $0xffff, v0  }
0x75: {  	s28 =	sor.u32 $0x100, s17;
	[tilespmem:s14+$0x0] =	vst.add.f32.msk $0xffff, v0  }
0x76: {  	s15 =	sor.u32 $0x180, s17;
	[tilespmem:s28+$0x0] =	vst.add.f32.msk $0xffff, v0  }
0x77: {  	s14 =	simm.s32 $0x0;
	[tilespmem:s15+$0x0] =	vst.add.f32.msk $0xffff, v0;
	s15 =	rddreg [dreg:$0x15]  }
0x78: {  	[hbm4b:s15+s14] =	stream.linear.scatter [tilespmem:s14], [sflag:$0x7], $0x4000, $0x38;
	[tilespmem:$0x1E000] =	vst v63  }
0x79: {  	s17 =	rddreg [dreg:$0x1e]  }
0x7a: {  	[tilespmem:s2], [sflag:$0x6] =	stream.linear.gather [hbm4b:s17+s14], $0x4000, $0x38;
	[tilespmem:$0x1E000] =	vst v63  }
0x7b: {  	s18 =	rddreg [dreg:$0xe];
	s19 =	simm.s32 $0x1D000  }
0x7c: {  	[tilespmem:s19], [sflag:$0x6] =	stream.strided.gather [hbm4b:s18+s21], $0x1000, s22, s21, $0x38;
	[tilespmem:$0x1E000] =	vst v63  }
0x7d: {  	_ =	swait.ge [sflag:s4], $0x4000  }
0x7e: {  	s20 =	simm.s32 $0x0;
	[sflag:s4] =	ssyncset.done $0x0  }
0x7f: {  	s23 =	sand.u32 $0xE00, s14;
	s15 =	sand.u32 $0x3FFFFF80, s20;
	[sflag:s4] =	ssyncadd.s32 $0xFFFFC000  }
0x80: {  	s15 =	sadd.s32 s23, s15;
	_ =	swait.ge [sflag:s4], $0x1000  }
0x81: {  	s15 =	sadd.s32 $0x19000, s15;
	s18 =	sand.u32 $0x60, s14;
	[sflag:s4] =	ssyncset.done $0x0  }
0x82: {  	s19 =	sor.u32 s18, s15;
	[sflag:s4] =	ssyncadd.s32 $0xFFFFF000  }
0x83: {  	s20 =	simm.s32 $0x0;
	v0 =	vld [tilespmem:s19+$0x0]  }
0x84: {  	s25 =	sand.u32 $0x3FFFF000, s20  }
0x85: {  	s17 =	sor.u32 s23, s25  }
0x86: {  	s17 =	sadd.s32 $0x4000, s17  }
0x87: {  	s28 =	sor.u32 s18, s17  }
0x88: {  	s23 =	sor.u32 $0x80, s28;
	[tilespmem:s28+$0x0] =	vst.add.f32.msk $0xffff, v0  }
0x89: {  	s25 =	sor.u32 $0x100, s28;
	[tilespmem:s23+$0x0] =	vst.add.f32.msk $0xffff, v0  }
0x8a: {  	s18 =	sor.u32 $0x10, s18;
	s19 =	sor.u32 $0x180, s28;
	[tilespmem:s25+$0x0] =	vst.add.f32.msk $0xffff, v0  }
0x8b: {  	s28 =	sor.u32 s18, s15;
	[tilespmem:s19+$0x0] =	vst.add.f32.msk $0xffff, v0  }
0x8c: {  	v0 =	vld [tilespmem:s28+$0x0];
	_ =	sdelay $0x1  }
0x8d: {  	s15 =	simm.s32 $0x0;
	s18 =	sor.u32 s18, s17;
	s17 =	simm.s32 $0x20  }
.LBB2_4:
0x8e: {  	s15 =	sadd.s32 $0x2, s15;
	s19 =	sor.u32 $0x180, s18;
	s14 =	sadd.s32 $0x80, s14  }
0x8f: {  	s25 =	sor.u32 $0x80, s18;
	s20 =	sshll.u32 s15, $0x1;
	s23 =	sshll.u32 s15, $0x6  }
0x90: {  	s28 =	sand.u32 $0xE00, s14;
	s20 =	sand.u32 $0x3FFFFF80, s20;
	s23 =	sand.u32 $0x3FFFF000, s23;
	[tilespmem:s18+$0x0] =	vst.add.f32.msk $0xffff, v0  }
0x91: {  	s18 =	sor.u32 $0x100, s18;
	s20 =	sadd.s32 s28, s20;
	s23 =	sor.u32 s28, s23;
	[tilespmem:s25+$0x0] =	vst.add.f32.msk $0xffff, v0  }
0x92: {  	s25 =	sand.u32 $0x60, s17;
	s20 =	sadd.s32 $0x19000, s20;
	s23 =	sadd.s32 $0x4000, s23;
	[tilespmem:s18+$0x0] =	vst.add.f32.msk $0xffff, v0  }
0x93: {  	s18 =	sor.u32 s25, s20;
	s28 =	sor.u32 s25, s23;
	s25 =	sor.u32 $0x10, s25;
	[tilespmem:s19+$0x0] =	vst.add.f32.msk $0xffff, v0  }
0x94: {  	p0 =	slt.u32 s15, $0xFE;
	v0 =	vld [tilespmem:s18+$0x0];
	s19 =	sor.u32 s25, s20;
	s18 =	sor.u32 s25, s23  }
0x95: {  	_ =	sdelay $0x3  }
0x96: {  	s20 =	sor.u32 $0x80, s28;
	[tilespmem:s28+$0x0] =	vst.add.f32.msk $0xffff, v0  }
0x97: {  	[tilespmem:s20+$0x0] =	vst.add.f32.msk $0xffff, v0;
	s20 =	sor.u32 $0x100, s28  }
.Ltmp1:
0x98: {  	[tilespmem:s20+$0x0] =	vst.add.f32.msk $0xffff, v0;
	s20 =	sor.u32 $0x180, s28;
	(pc) =	sbr.rel @p0 .LBB2_4-.Ltmp1, $3  }
0x99: {  	[tilespmem:s20+$0x0] =	vst.add.f32.msk $0xffff, v0  }
0x9a: {  	v0 =	vld [tilespmem:s19+$0x0];
	_ =	sdelay $0x1  }
0x9b: {  	s17 =	sadd.s32 $0x20, s17  }
0x9c: {  	_ =	sdelay $0x1  }
0x9d: {  	s14 =	sor.u32 $0x80, s18;
	[tilespmem:s18+$0x0] =	vst.add.f32.msk $0xffff, v0  }
0x9e: {  	s28 =	sor.u32 $0x100, s18;
	[tilespmem:s14+$0x0] =	vst.add.f32.msk $0xffff, v0  }
0x9f: {  	s15 =	sor.u32 $0x180, s18;
	[tilespmem:s28+$0x0] =	vst.add.f32.msk $0xffff, v0  }
0xa0: {  	s17 =	rddreg [dreg:$0x17];
	s14 =	simm.s32 $0x0;
	[tilespmem:s15+$0x0] =	vst.add.f32.msk $0xffff, v0  }
0xa1: {  	[hbm4b:s17+s14] =	stream.linear.scatter [tilespmem:s24], [sflag:$0x8], $0x4000, $0x38;
	[tilespmem:$0x1E000] =	vst v63  }
0xa2: {  	_ =	swait.ge [sflag:s5], $0x4000  }
0xa3: {  	s18 =	sld [smem:$0x7E9]  }
0xa4: {  	[sflag:s5] =	ssyncset.done $0x0  }
0xa5: {  	[sflag:s5] =	ssyncadd.s32 $0xFFFFC000  }
0xa6: {  	[tilespmem:s14], [sflag:$0x1] =	stream.linear.gather [hbm4b:s18+s14], $0x4000, $0x38;
	[tilespmem:$0x1E000] =	vst v63  }
0xa7: {  	s17 =	simm.s32 $0x18000;
	s19 =	rddreg [dreg:$0x9]  }
0xa8: {  	[tilespmem:s17], [sflag:$0x1] =	stream.strided.gather [hbm4b:s19+s21], $0x1000, s22, s21, $0x38;
	[tilespmem:$0x1E000] =	vst v63  }
0xa9: {  	_ =	swait.ge [sflag:s6], $0x4000  }
0xaa: {  	s20 =	simm.s32 $0x0;
	[sflag:s6] =	ssyncset.done $0x0  }
0xab: {  	s23 =	sand.u32 $0xE00, s14;
	s15 =	sand.u32 $0x3FFFFF80, s20;
	[sflag:s6] =	ssyncadd.s32 $0xFFFFC000  }
0xac: {  	s15 =	sadd.s32 s23, s15;
	_ =	swait.ge [sflag:s6], $0x1000  }
0xad: {  	s15 =	sadd.s32 $0x1A000, s15;
	s18 =	sand.u32 $0x60, s14;
	[sflag:s6] =	ssyncset.done $0x0  }
0xae: {  	s19 =	sor.u32 s18, s15;
	[sflag:s6] =	ssyncadd.s32 $0xFFFFF000  }
0xaf: {  	s20 =	simm.s32 $0x0;
	v0 =	vld [tilespmem:s19+$0x0]  }
0xb0: {  	s25 =	sand.u32 $0x3FFFF000, s20  }
0xb1: {  	s17 =	sor.u32 s23, s25  }
0xb2: {  	s17 =	sadd.s32 $0x8000, s17  }
0xb3: {  	s28 =	sor.u32 s18, s17  }
0xb4: {  	s23 =	sor.u32 $0x80, s28;
	[tilespmem:s28+$0x0] =	vst.add.f32.msk $0xffff, v0  }
0xb5: {  	s25 =	sor.u32 $0x100, s28;
	[tilespmem:s23+$0x0] =	vst.add.f32.msk $0xffff, v0  }
0xb6: {  	s18 =	sor.u32 $0x10, s18;
	s19 =	sor.u32 $0x180, s28;
	[tilespmem:s25+$0x0] =	vst.add.f32.msk $0xffff, v0  }
0xb7: {  	s28 =	sor.u32 s18, s15;
	[tilespmem:s19+$0x0] =	vst.add.f32.msk $0xffff, v0  }
0xb8: {  	v0 =	vld [tilespmem:s28+$0x0];
	_ =	sdelay $0x1  }
0xb9: {  	s15 =	simm.s32 $0x0;
	s18 =	sor.u32 s18, s17;
	s17 =	simm.s32 $0x20  }
.LBB2_6:
0xba: {  	s15 =	sadd.s32 $0x2, s15;
	s19 =	sor.u32 $0x180, s18;
	s14 =	sadd.s32 $0x80, s14  }
0xbb: {  	s25 =	sor.u32 $0x80, s18;
	s20 =	sshll.u32 s15, $0x1;
	s23 =	sshll.u32 s15, $0x6  }
0xbc: {  	s28 =	sand.u32 $0xE00, s14;
	s20 =	sand.u32 $0x3FFFFF80, s20;
	s23 =	sand.u32 $0x3FFFF000, s23;
	[tilespmem:s18+$0x0] =	vst.add.f32.msk $0xffff, v0  }
0xbd: {  	s18 =	sor.u32 $0x100, s18;
	s20 =	sadd.s32 s28, s20;
	s23 =	sor.u32 s28, s23;
	[tilespmem:s25+$0x0] =	vst.add.f32.msk $0xffff, v0  }
0xbe: {  	s25 =	sand.u32 $0x60, s17;
	s20 =	sadd.s32 $0x1A000, s20;
	s23 =	sadd.s32 $0x8000, s23;
	[tilespmem:s18+$0x0] =	vst.add.f32.msk $0xffff, v0  }
0xbf: {  	s18 =	sor.u32 s25, s20;
	s28 =	sor.u32 s25, s23;
	s25 =	sor.u32 $0x10, s25;
	[tilespmem:s19+$0x0] =	vst.add.f32.msk $0xffff, v0  }
0xc0: {  	p0 =	slt.u32 s15, $0xFE;
	v0 =	vld [tilespmem:s18+$0x0];
	s19 =	sor.u32 s25, s20;
	s18 =	sor.u32 s25, s23  }
0xc1: {  	_ =	sdelay $0x3  }
0xc2: {  	s20 =	sor.u32 $0x80, s28;
	[tilespmem:s28+$0x0] =	vst.add.f32.msk $0xffff, v0  }
0xc3: {  	[tilespmem:s20+$0x0] =	vst.add.f32.msk $0xffff, v0;
	s20 =	sor.u32 $0x100, s28  }
.Ltmp2:
0xc4: {  	[tilespmem:s20+$0x0] =	vst.add.f32.msk $0xffff, v0;
	s20 =	sor.u32 $0x180, s28;
	(pc) =	sbr.rel @p0 .LBB2_6-.Ltmp2, $3  }
0xc5: {  	[tilespmem:s20+$0x0] =	vst.add.f32.msk $0xffff, v0  }
0xc6: {  	v0 =	vld [tilespmem:s19+$0x0];
	_ =	sdelay $0x1  }
0xc7: {  	s17 =	sadd.s32 $0x20, s17  }
0xc8: {  	_ =	sdelay $0x1  }
0xc9: {  	s14 =	sor.u32 $0x80, s18;
	[tilespmem:s18+$0x0] =	vst.add.f32.msk $0xffff, v0  }
0xca: {  	s28 =	sor.u32 $0x100, s18;
	[tilespmem:s14+$0x0] =	vst.add.f32.msk $0xffff, v0  }
0xcb: {  	s15 =	sor.u32 $0x180, s18;
	[tilespmem:s28+$0x0] =	vst.add.f32.msk $0xffff, v0  }
0xcc: {  	s17 =	rddreg [dreg:$0x19];
	s14 =	simm.s32 $0x0;
	[tilespmem:s15+$0x0] =	vst.add.f32.msk $0xffff, v0  }
0xcd: {  	[hbm4b:s17+s14] =	stream.linear.scatter [tilespmem:s26], [sflag:$0x9], $0x4000, $0x38;
	[tilespmem:$0x1E000] =	vst v63  }
0xce: {  	_ =	swait.ge [sflag:s7], $0x4000  }
0xcf: {  	s18 =	sld [smem:$0x7EB]  }
0xd0: {  	[sflag:s7] =	ssyncset.done $0x0  }
0xd1: {  	[sflag:s7] =	ssyncadd.s32 $0xFFFFC000  }
0xd2: {  	[tilespmem:s24], [sflag:$0x2] =	stream.linear.gather [hbm4b:s18+s14], $0x4000, $0x38;
	[tilespmem:$0x1E000] =	vst v63  }
0xd3: {  	s17 =	simm.s32 $0x19000;
	s19 =	rddreg [dreg:$0xf]  }
0xd4: {  	[tilespmem:s17], [sflag:$0x2] =	stream.strided.gather [hbm4b:s19+s21], $0x1000, s22, s21, $0x38;
	[tilespmem:$0x1E000] =	vst v63  }
0xd5: {  	_ =	swait.ge [sflag:s0], $0x4000  }
0xd6: {  	s20 =	simm.s32 $0x0;
	[sflag:s0] =	ssyncset.done $0x0  }
0xd7: {  	s23 =	sand.u32 $0xE00, s14;
	s15 =	sand.u32 $0x3FFFFF80, s20;
	[sflag:s0] =	ssyncadd.s32 $0xFFFFC000  }
0xd8: {  	s15 =	sadd.s32 s23, s15;
	_ =	swait.ge [sflag:s0], $0x1000  }
0xd9: {  	s15 =	sadd.s32 $0x1B000, s15;
	s18 =	sand.u32 $0x60, s14;
	[sflag:s0] =	ssyncset.done $0x0  }
0xda: {  	s19 =	sor.u32 s18, s15;
	[sflag:s0] =	ssyncadd.s32 $0xFFFFF000  }
0xdb: {  	s20 =	simm.s32 $0x0;
	v0 =	vld [tilespmem:s19+$0x0]  }
0xdc: {  	s25 =	sand.u32 $0x3FFFF000, s20  }
0xdd: {  	s17 =	sor.u32 s23, s25  }
0xde: {  	s17 =	sadd.s32 $0xC000, s17  }
0xdf: {  	s28 =	sor.u32 s18, s17  }
0xe0: {  	s23 =	sor.u32 $0x80, s28;
	[tilespmem:s28+$0x0] =	vst.add.f32.msk $0xffff, v0  }
0xe1: {  	s25 =	sor.u32 $0x100, s28;
	[tilespmem:s23+$0x0] =	vst.add.f32.msk $0xffff, v0  }
0xe2: {  	s18 =	sor.u32 $0x10, s18;
	s19 =	sor.u32 $0x180, s28;
	[tilespmem:s25+$0x0] =	vst.add.f32.msk $0xffff, v0  }
0xe3: {  	s28 =	sor.u32 s18, s15;
	[tilespmem:s19+$0x0] =	vst.add.f32.msk $0xffff, v0  }
0xe4: {  	v0 =	vld [tilespmem:s28+$0x0];
	_ =	sdelay $0x1  }
0xe5: {  	s15 =	simm.s32 $0x0;
	s18 =	sor.u32 s18, s17;
	s17 =	simm.s32 $0x20  }
.LBB2_8:
0xe6: {  	s15 =	sadd.s32 $0x2, s15;
	s19 =	sor.u32 $0x180, s18;
	s14 =	sadd.s32 $0x80, s14  }
0xe7: {  	s25 =	sor.u32 $0x80, s18;
	s20 =	sshll.u32 s15, $0x1;
	s23 =	sshll.u32 s15, $0x6  }
0xe8: {  	s28 =	sand.u32 $0xE00, s14;
	s20 =	sand.u32 $0x3FFFFF80, s20;
	s23 =	sand.u32 $0x3FFFF000, s23;
	[tilespmem:s18+$0x0] =	vst.add.f32.msk $0xffff, v0  }
0xe9: {  	s18 =	sor.u32 $0x100, s18;
	s20 =	sadd.s32 s28, s20;
	s23 =	sor.u32 s28, s23;
	[tilespmem:s25+$0x0] =	vst.add.f32.msk $0xffff, v0  }
0xea: {  	s25 =	sand.u32 $0x60, s17;
	s20 =	sadd.s32 $0x1B000, s20;
	s23 =	sadd.s32 $0xC000, s23;
	[tilespmem:s18+$0x0] =	vst.add.f32.msk $0xffff, v0  }
0xeb: {  	s18 =	sor.u32 s25, s20;
	s28 =	sor.u32 s25, s23;
	s25 =	sor.u32 $0x10, s25;
	[tilespmem:s19+$0x0] =	vst.add.f32.msk $0xffff, v0  }
0xec: {  	p0 =	slt.u32 s15, $0xFE;
	v0 =	vld [tilespmem:s18+$0x0];
	s19 =	sor.u32 s25, s20;
	s18 =	sor.u32 s25, s23  }
0xed: {  	_ =	sdelay $0x3  }
0xee: {  	s20 =	sor.u32 $0x80, s28;
	[tilespmem:s28+$0x0] =	vst.add.f32.msk $0xffff, v0  }
0xef: {  	[tilespmem:s20+$0x0] =	vst.add.f32.msk $0xffff, v0;
	s20 =	sor.u32 $0x100, s28  }
.Ltmp3:
0xf0: {  	[tilespmem:s20+$0x0] =	vst.add.f32.msk $0xffff, v0;
	s20 =	sor.u32 $0x180, s28;
	(pc) =	sbr.rel @p0 .LBB2_8-.Ltmp3, $3  }
0xf1: {  	[tilespmem:s20+$0x0] =	vst.add.f32.msk $0xffff, v0  }
0xf2: {  	v0 =	vld [tilespmem:s19+$0x0];
	_ =	sdelay $0x1  }
0xf3: {  	s17 =	sadd.s32 $0x20, s17  }
0xf4: {  	_ =	sdelay $0x1  }
0xf5: {  	s14 =	sor.u32 $0x80, s18;
	[tilespmem:s18+$0x0] =	vst.add.f32.msk $0xffff, v0  }
0xf6: {  	s28 =	sor.u32 $0x100, s18;
	[tilespmem:s14+$0x0] =	vst.add.f32.msk $0xffff, v0  }
0xf7: {  	s15 =	sor.u32 $0x180, s18;
	[tilespmem:s28+$0x0] =	vst.add.f32.msk $0xffff, v0  }
0xf8: {  	s17 =	rddreg [dreg:$0x1b];
	s14 =	simm.s32 $0x0;
	[tilespmem:s15+$0x0] =	vst.add.f32.msk $0xffff, v0  }
0xf9: {  	[hbm4b:s17+s14] =	stream.linear.scatter [tilespmem:s29], [sflag:$0xA], $0x4000, $0x38;
	[tilespmem:$0x1E000] =	vst v63  }
0xfa: {  	_ =	swait.ge [sflag:s8], $0x4000  }
0xfb: {  	s18 =	sld [smem:$0x7ED]  }
0xfc: {  	[sflag:s8] =	ssyncset.done $0x0  }
0xfd: {  	[sflag:s8] =	ssyncadd.s32 $0xFFFFC000  }
0xfe: {  	[tilespmem:s26], [sflag:$0x3] =	stream.linear.gather [hbm4b:s18+s14], $0x4000, $0x38;
	[tilespmem:$0x1E000] =	vst v63  }
0xff: {  	s17 =	simm.s32 $0x1A000;
	s19 =	rddreg [dreg:$0xa]  }
0x100: {  	[tilespmem:s17], [sflag:$0x3] =	stream.strided.gather [hbm4b:s19+s21], $0x1000, s22, s21, $0x38;
	[tilespmem:$0x1E000] =	vst v63  }
0x101: {  	_ =	swait.ge [sflag:s9], $0x4000  }
0x102: {  	s20 =	simm.s32 $0x0;
	[sflag:s9] =	ssyncset.done $0x0  }
0x103: {  	s23 =	sand.u32 $0xE00, s14;
	s15 =	sand.u32 $0x3FFFFF80, s20;
	[sflag:s9] =	ssyncadd.s32 $0xFFFFC000  }
0x104: {  	s15 =	sadd.s32 s23, s15;
	_ =	swait.ge [sflag:s9], $0x1000  }
0x105: {  	s15 =	sadd.s32 $0x1C000, s15;
	s18 =	sand.u32 $0x60, s14;
	[sflag:s9] =	ssyncset.done $0x0  }
0x106: {  	s19 =	sor.u32 s18, s15;
	[sflag:s9] =	ssyncadd.s32 $0xFFFFF000  }
0x107: {  	s20 =	simm.s32 $0x0;
	v0 =	vld [tilespmem:s19+$0x0]  }
0x108: {  	s25 =	sand.u32 $0x3FFFF000, s20  }
0x109: {  	s17 =	sor.u32 s23, s25  }
0x10a: {  	s17 =	sadd.s32 $0x10000, s17  }
0x10b: {  	s28 =	sor.u32 s18, s17  }
0x10c: {  	s23 =	sor.u32 $0x80, s28;
	[tilespmem:s28+$0x0] =	vst.add.f32.msk $0xffff, v0  }
0x10d: {  	s25 =	sor.u32 $0x100, s28;
	[tilespmem:s23+$0x0] =	vst.add.f32.msk $0xffff, v0  }
0x10e: {  	s18 =	sor.u32 $0x10, s18;
	s19 =	sor.u32 $0x180, s28;
	[tilespmem:s25+$0x0] =	vst.add.f32.msk $0xffff, v0  }
0x10f: {  	s28 =	sor.u32 s18, s15;
	[tilespmem:s19+$0x0] =	vst.add.f32.msk $0xffff, v0  }
0x110: {  	v0 =	vld [tilespmem:s28+$0x0];
	_ =	sdelay $0x1  }
0x111: {  	s15 =	simm.s32 $0x0;
	s18 =	sor.u32 s18, s17;
	s17 =	simm.s32 $0x20  }
.LBB2_10:
0x112: {  	s15 =	sadd.s32 $0x2, s15;
	s19 =	sor.u32 $0x180, s18;
	s14 =	sadd.s32 $0x80, s14  }
0x113: {  	s25 =	sor.u32 $0x80, s18;
	s20 =	sshll.u32 s15, $0x1;
	s23 =	sshll.u32 s15, $0x6  }
0x114: {  	s28 =	sand.u32 $0xE00, s14;
	s20 =	sand.u32 $0x3FFFFF80, s20;
	s23 =	sand.u32 $0x3FFFF000, s23;
	[tilespmem:s18+$0x0] =	vst.add.f32.msk $0xffff, v0  }
0x115: {  	s18 =	sor.u32 $0x100, s18;
	s20 =	sadd.s32 s28, s20;
	s23 =	sor.u32 s28, s23;
	[tilespmem:s25+$0x0] =	vst.add.f32.msk $0xffff, v0  }
0x116: {  	s25 =	sand.u32 $0x60, s17;
	s20 =	sadd.s32 $0x1C000, s20;
	s23 =	sadd.s32 $0x10000, s23;
	[tilespmem:s18+$0x0] =	vst.add.f32.msk $0xffff, v0  }
0x117: {  	s18 =	sor.u32 s25, s20;
	s28 =	sor.u32 s25, s23;
	s25 =	sor.u32 $0x10, s25;
	[tilespmem:s19+$0x0] =	vst.add.f32.msk $0xffff, v0  }
0x118: {  	p0 =	slt.u32 s15, $0xFE;
	v0 =	vld [tilespmem:s18+$0x0];
	s19 =	sor.u32 s25, s20;
	s18 =	sor.u32 s25, s23  }
0x119: {  	_ =	sdelay $0x3  }
0x11a: {  	s20 =	sor.u32 $0x80, s28;
	[tilespmem:s28+$0x0] =	vst.add.f32.msk $0xffff, v0  }
0x11b: {  	[tilespmem:s20+$0x0] =	vst.add.f32.msk $0xffff, v0;
	s20 =	sor.u32 $0x100, s28  }
.Ltmp4:
0x11c: {  	[tilespmem:s20+$0x0] =	vst.add.f32.msk $0xffff, v0;
	s20 =	sor.u32 $0x180, s28;
	(pc) =	sbr.rel @p0 .LBB2_10-.Ltmp4, $3  }
0x11d: {  	[tilespmem:s20+$0x0] =	vst.add.f32.msk $0xffff, v0  }
0x11e: {  	v0 =	vld [tilespmem:s19+$0x0];
	_ =	sdelay $0x1  }
0x11f: {  	s17 =	sadd.s32 $0x20, s17  }
0x120: {  	_ =	sdelay $0x1  }
0x121: {  	s14 =	sor.u32 $0x80, s18;
	[tilespmem:s18+$0x0] =	vst.add.f32.msk $0xffff, v0  }
0x122: {  	s17 =	sor.u32 $0x100, s18;
	[tilespmem:s14+$0x0] =	vst.add.f32.msk $0xffff, v0  }
0x123: {  	s15 =	sor.u32 $0x180, s18;
	[tilespmem:s17+$0x0] =	vst.add.f32.msk $0xffff, v0  }
0x124: {  	s18 =	rddreg [dreg:$0x1d];
	s14 =	simm.s32 $0x0;
	[tilespmem:s15+$0x0] =	vst.add.f32.msk $0xffff, v0  }
0x125: {  	[hbm4b:s18+s14] =	stream.linear.scatter [tilespmem:s31], [sflag:$0xB], $0x4000, $0x38;
	[tilespmem:$0x1E000] =	vst v63  }
0x126: {  	_ =	swait.ge [sflag:s3], $0x4000  }
0x127: {  	s19 =	sld [smem:$0x7EF]  }
0x128: {  	[sflag:s3] =	ssyncset.done $0x0  }
0x129: {  	[sflag:s3] =	ssyncadd.s32 $0xFFFFC000  }
0x12a: {  	[tilespmem:s29], [sflag:$0x4] =	stream.linear.gather [hbm4b:s19+s14], $0x4000, $0x38;
	[tilespmem:$0x1E000] =	vst v63  }
0x12b: {  	s20 =	rddreg [dreg:$0x10]  }
0x12c: {  	[tilespmem:s30], [sflag:$0x4] =	stream.strided.gather [hbm4b:s20+s21], $0x1000, s22, s21, $0x38;
	[tilespmem:$0x1E000] =	vst v63  }
0x12d: {  	_ =	swait.ge [sflag:s10], $0x4000  }
0x12e: {  	s23 =	simm.s32 $0x0;
	[sflag:s10] =	ssyncset.done $0x0  }
0x12f: {  	s17 =	sand.u32 $0xE00, s14;
	s15 =	sand.u32 $0x3FFFFF80, s23;
	[sflag:s10] =	ssyncadd.s32 $0xFFFFC000  }
0x130: {  	s15 =	sadd.s32 s17, s15;
	_ =	swait.ge [sflag:s10], $0x1000  }
0x131: {  	s18 =	sand.u32 $0x60, s14;
	s15 =	sadd.s32 $0x1D000, s15;
	[sflag:s10] =	ssyncset.done $0x0  }
0x132: {  	s19 =	sor.u32 s18, s15;
	[sflag:s10] =	ssyncadd.s32 $0xFFFFF000  }
0x133: {  	s20 =	simm.s32 $0x0;
	v0 =	vld [tilespmem:s19+$0x0]  }
0x134: {  	s25 =	sand.u32 $0x3FFFF000, s20  }
0x135: {  	s17 =	sor.u32 s17, s25  }
0x136: {  	s17 =	sadd.s32 $0x14000, s17  }
0x137: {  	s28 =	sor.u32 s18, s17  }
0x138: {  	s23 =	sor.u32 $0x80, s28;
	[tilespmem:s28+$0x0] =	vst.add.f32.msk $0xffff, v0  }
0x139: {  	s25 =	sor.u32 $0x100, s28;
	[tilespmem:s23+$0x0] =	vst.add.f32.msk $0xffff, v0  }
0x13a: {  	s18 =	sor.u32 $0x10, s18;
	s19 =	sor.u32 $0x180, s28;
	[tilespmem:s25+$0x0] =	vst.add.f32.msk $0xffff, v0  }
0x13b: {  	s28 =	sor.u32 s18, s15;
	[tilespmem:s19+$0x0] =	vst.add.f32.msk $0xffff, v0  }
0x13c: {  	v0 =	vld [tilespmem:s28+$0x0];
	_ =	sdelay $0x1  }
0x13d: {  	s15 =	simm.s32 $0x0;
	s18 =	sor.u32 s18, s17;
	s17 =	simm.s32 $0x20  }
.LBB2_12:
0x13e: {  	s15 =	sadd.s32 $0x2, s15;
	s19 =	sor.u32 $0x180, s18;
	s14 =	sadd.s32 $0x80, s14  }
0x13f: {  	s25 =	sor.u32 $0x80, s18;
	s20 =	sshll.u32 s15, $0x1;
	s23 =	sshll.u32 s15, $0x6  }
0x140: {  	s28 =	sand.u32 $0xE00, s14;
	s20 =	sand.u32 $0x3FFFFF80, s20;
	s23 =	sand.u32 $0x3FFFF000, s23;
	[tilespmem:s18+$0x0] =	vst.add.f32.msk $0xffff, v0  }
0x141: {  	s18 =	sor.u32 $0x100, s18;
	s20 =	sadd.s32 s28, s20;
	s23 =	sor.u32 s28, s23;
	[tilespmem:s25+$0x0] =	vst.add.f32.msk $0xffff, v0  }
0x142: {  	s25 =	sand.u32 $0x60, s17;
	s20 =	sadd.s32 $0x1D000, s20;
	s23 =	sadd.s32 $0x14000, s23;
	[tilespmem:s18+$0x0] =	vst.add.f32.msk $0xffff, v0  }
0x143: {  	s18 =	sor.u32 s25, s20;
	s28 =	sor.u32 s25, s23;
	s25 =	sor.u32 $0x10, s25;
	[tilespmem:s19+$0x0] =	vst.add.f32.msk $0xffff, v0  }
0x144: {  	p0 =	slt.u32 s15, $0xFE;
	v0 =	vld [tilespmem:s18+$0x0];
	s19 =	sor.u32 s25, s20;
	s18 =	sor.u32 s25, s23  }
0x145: {  	_ =	sdelay $0x3  }
0x146: {  	s20 =	sor.u32 $0x80, s28;
	[tilespmem:s28+$0x0] =	vst.add.f32.msk $0xffff, v0  }
0x147: {  	[tilespmem:s20+$0x0] =	vst.add.f32.msk $0xffff, v0;
	s20 =	sor.u32 $0x100, s28  }
.Ltmp5:
0x148: {  	[tilespmem:s20+$0x0] =	vst.add.f32.msk $0xffff, v0;
	s20 =	sor.u32 $0x180, s28;
	(pc) =	sbr.rel @p0 .LBB2_12-.Ltmp5, $3  }
0x149: {  	[tilespmem:s20+$0x0] =	vst.add.f32.msk $0xffff, v0  }
0x14a: {  	v0 =	vld [tilespmem:s19+$0x0];
	_ =	sdelay $0x1  }
0x14b: {  	s17 =	sadd.s32 $0x20, s17  }
0x14c: {  	_ =	sdelay $0x1  }
0x14d: {  	s14 =	sor.u32 $0x80, s18;
	[tilespmem:s18+$0x0] =	vst.add.f32.msk $0xffff, v0  }
0x14e: {  	s17 =	sor.u32 $0x100, s18;
	[tilespmem:s14+$0x0] =	vst.add.f32.msk $0xffff, v0  }
0x14f: {  	s15 =	sor.u32 $0x180, s18;
	[tilespmem:s17+$0x0] =	vst.add.f32.msk $0xffff, v0  }
0x150: {  	s18 =	rddreg [dreg:$0x1f];
	s14 =	simm.s32 $0x0;
	[tilespmem:s15+$0x0] =	vst.add.f32.msk $0xffff, v0  }
0x151: {  	[hbm4b:s18+s14] =	stream.linear.scatter [tilespmem:s2], [sflag:$0xC], $0x4000, $0x38;
	[tilespmem:$0x1E000] =	vst v63  }
0x152: {  	_ =	swait.ge [sflag:s11], $0x4000  }
0x153: {  	s19 =	sld [smem:$0x7F1]  }
0x154: {  	[sflag:s11] =	ssyncset.done $0x0  }
0x155: {  	[sflag:s11] =	ssyncadd.s32 $0xFFFFC000  }
0x156: {  	[tilespmem:s31], [sflag:$0x5] =	stream.linear.gather [hbm4b:s19+s14], $0x4000, $0x38;
	[tilespmem:$0x1E000] =	vst v63  }
0x157: {  	s17 =	simm.s32 $0x1C000;
	s20 =	rddreg [dreg:$0xb]  }
0x158: {  	[tilespmem:s17], [sflag:$0x5] =	stream.strided.gather [hbm4b:s20+s21], $0x1000, s22, s21, $0x38;
	[tilespmem:$0x1E000] =	vst v63  }
0x159: {  	_ =	swait.ge [sflag:s1], $0x4000  }
0x15a: {  	s23 =	simm.s32 $0x0;
	[sflag:s1] =	ssyncset.done $0x0  }
0x15b: {  	s25 =	sand.u32 $0xE00, s14;
	s15 =	sand.u32 $0x3FFFFF80, s23;
	[sflag:s1] =	ssyncadd.s32 $0xFFFFC000  }
0x15c: {  	s15 =	sadd.s32 s25, s15;
	_ =	swait.ge [sflag:s1], $0x1000  }
0x15d: {  	s28 =	sand.u32 $0x60, s14;
	s15 =	sadd.s32 $0x18000, s15;
	[sflag:s1] =	ssyncset.done $0x0  }
0x15e: {  	s19 =	sor.u32 s28, s15;
	[sflag:s1] =	ssyncadd.s32 $0xFFFFF000  }
0x15f: {  	v0 =	vld [tilespmem:s19+$0x0]  }
0x160: {  	s23 =	simm.s32 $0x0  }
0x161: {  	s19 =	sand.u32 $0x3FFFF000, s23  }
0x162: {  	s17 =	sor.u32 s25, s19  }
0x163: {  	s19 =	sor.u32 s28, s17  }
0x164: {  	s20 =	sor.u32 $0x80, s19;
	[tilespmem:s19+$0x0] =	vst.add.f32.msk $0xffff, v0  }
0x165: {  	s25 =	sor.u32 $0x100, s19;
	[tilespmem:s20+$0x0] =	vst.add.f32.msk $0xffff, v0  }
0x166: {  	s18 =	sor.u32 $0x10, s28;
	s19 =	sor.u32 $0x180, s19;
	[tilespmem:s25+$0x0] =	vst.add.f32.msk $0xffff, v0  }
0x167: {  	s28 =	sor.u32 s18, s15;
	[tilespmem:s19+$0x0] =	vst.add.f32.msk $0xffff, v0  }
0x168: {  	s15 =	simm.s32 $0x0;
	s18 =	sor.u32 s18, s17;
	s17 =	simm.s32 $0x0;
	v0 =	vld [tilespmem:s28+$0x0]  }
.LBB2_14:
0x169: {  	_ =	sdelay $0x1  }
0x16a: {  	s15 =	sadd.s32 $0x2, s15;
	s14 =	sadd.s32 $0x80, s14;
	s17 =	sadd.s32 $0x20, s17  }
0x16b: {  	s23 =	sor.u32 $0x80, s18;
	s19 =	sshll.u32 s15, $0x1;
	s20 =	sshll.u32 s15, $0x6  }
0x16c: {  	s25 =	sand.u32 $0xE00, s14;
	s19 =	sand.u32 $0x3FFFFF80, s19;
	s20 =	sand.u32 $0x3FFFF000, s20;
	[tilespmem:s18+$0x0] =	vst.add.f32.msk $0xffff, v0  }
0x16d: {  	s19 =	sadd.s32 s25, s19;
	s20 =	sor.u32 s25, s20;
	[tilespmem:s23+$0x0] =	vst.add.f32.msk $0xffff, v0;
	s23 =	sor.u32 $0x100, s18  }
0x16e: {  	s25 =	sand.u32 $0x60, s17;
	s19 =	sadd.s32 $0x18000, s19;
	s18 =	sor.u32 $0x180, s18;
	[tilespmem:s23+$0x0] =	vst.add.f32.msk $0xffff, v0  }
0x16f: {  	p0 =	slt.u32 s15, $0xFE;
	s28 =	sor.u32 $0x10, s25;
	s23 =	sor.u32 s25, s19;
	[tilespmem:s18+$0x0] =	vst.add.f32.msk $0xffff, v0  }
0x170: {  	s19 =	sor.u32 s28, s19;
	s18 =	sor.u32 s28, s20;
	v0 =	vld [tilespmem:s23+$0x0];
	_ =	sdelay $0x3  }
0x171: {  	s20 =	sor.u32 s25, s20  }
.Ltmp6:
0x172: {  	s23 =	sor.u32 $0x80, s20;
	[tilespmem:s20+$0x0] =	vst.add.f32.msk $0xffff, v0;
	(pc) =	sbr.rel @p0 .LBB2_14-.Ltmp6, $4  }
0x173: {  	[tilespmem:s23+$0x0] =	vst.add.f32.msk $0xffff, v0;
	s23 =	sor.u32 $0x100, s20  }
0x174: {  	s20 =	sor.u32 $0x180, s20;
	[tilespmem:s23+$0x0] =	vst.add.f32.msk $0xffff, v0  }
0x175: {  	[tilespmem:s20+$0x0] =	vst.add.f32.msk $0xffff, v0  }
0x176: {  	v0 =	vld [tilespmem:s19+$0x0]  }
0x177: {  	_ =	sdelay $0x3  }
0x178: {  	s14 =	sor.u32 $0x80, s18;
	[tilespmem:s18+$0x0] =	vst.add.f32.msk $0xffff, v0  }
0x179: {  	s15 =	sor.u32 $0x100, s18;
	[tilespmem:s14+$0x0] =	vst.add.f32.msk $0xffff, v0  }
0x17a: {  	[tilespmem:s15+$0x0] =	vst.add.f32.msk $0xffff, v0;
	s15 =	sld [smem:$0x7EA]  }
0x17b: {  	s17 =	sor.u32 $0x180, s18  }
0x17c: {  	s14 =	simm.s32 $0x0;
	[tilespmem:s17+$0x0] =	vst.add.f32.msk $0xffff, v0  }
0x17d: {  	[hbm4b:s15+s14] =	stream.linear.scatter [tilespmem:s14], [sflag:$0x7], $0x4000, $0x38;
	[tilespmem:$0x1E000] =	vst v63  }
0x17e: {  	_ =	swait.ge [sflag:s12], $0x4000  }
0x17f: {  	s18 =	sld [smem:$0x7F3]  }
0x180: {  	[sflag:s12] =	ssyncset.done $0x0  }
0x181: {  	[sflag:s12] =	ssyncadd.s32 $0xFFFFC000  }
0x182: {  	[tilespmem:s2], [sflag:$0x6] =	stream.linear.gather [hbm4b:s18+s14], $0x4000, $0x38;
	[tilespmem:$0x1E000] =	vst v63  }
0x183: {  	s17 =	simm.s32 $0x1D000;
	s19 =	rddreg [dreg:$0x11]  }
0x184: {  	[tilespmem:s17], [sflag:$0x6] =	stream.strided.gather [hbm4b:s19+s21], $0x1000, s22, s21, $0x38;
	[tilespmem:$0x1E000] =	vst v63  }
0x185: {  	_ =	swait.ge [sflag:s4], $0x4000  }
0x186: {  	s20 =	simm.s32 $0x0;
	[sflag:s4] =	ssyncset.done $0x0  }
0x187: {  	s23 =	sand.u32 $0xE00, s14;
	s15 =	sand.u32 $0x3FFFFF80, s20;
	[sflag:s4] =	ssyncadd.s32 $0xFFFFC000  }
0x188: {  	s15 =	sadd.s32 s23, s15;
	_ =	swait.ge [sflag:s4], $0x1000  }
0x189: {  	s15 =	sadd.s32 $0x19000, s15;
	s18 =	sand.u32 $0x60, s14;
	[sflag:s4] =	ssyncset.done $0x0  }
0x18a: {  	s19 =	sor.u32 s18, s15;
	[sflag:s4] =	ssyncadd.s32 $0xFFFFF000  }
0x18b: {  	s20 =	simm.s32 $0x0;
	v0 =	vld [tilespmem:s19+$0x0]  }
0x18c: {  	s25 =	sand.u32 $0x3FFFF000, s20  }
0x18d: {  	s17 =	sor.u32 s23, s25  }
0x18e: {  	s17 =	sadd.s32 $0x4000, s17  }
0x18f: {  	s28 =	sor.u32 s18, s17  }
0x190: {  	s23 =	sor.u32 $0x80, s28;
	[tilespmem:s28+$0x0] =	vst.add.f32.msk $0xffff, v0  }
0x191: {  	s25 =	sor.u32 $0x100, s28;
	[tilespmem:s23+$0x0] =	vst.add.f32.msk $0xffff, v0  }
0x192: {  	s18 =	sor.u32 $0x10, s18;
	s19 =	sor.u32 $0x180, s28;
	[tilespmem:s25+$0x0] =	vst.add.f32.msk $0xffff, v0  }
0x193: {  	s28 =	sor.u32 s18, s15;
	[tilespmem:s19+$0x0] =	vst.add.f32.msk $0xffff, v0  }
0x194: {  	v0 =	vld [tilespmem:s28+$0x0];
	_ =	sdelay $0x1  }
0x195: {  	s15 =	simm.s32 $0x0;
	s18 =	sor.u32 s18, s17;
	s17 =	simm.s32 $0x20  }
.LBB2_16:
0x196: {  	s15 =	sadd.s32 $0x2, s15;
	s19 =	sor.u32 $0x180, s18;
	s14 =	sadd.s32 $0x80, s14  }
0x197: {  	s25 =	sor.u32 $0x80, s18;
	s20 =	sshll.u32 s15, $0x1;
	s23 =	sshll.u32 s15, $0x6  }
0x198: {  	s28 =	sand.u32 $0xE00, s14;
	s20 =	sand.u32 $0x3FFFFF80, s20;
	s23 =	sand.u32 $0x3FFFF000, s23;
	[tilespmem:s18+$0x0] =	vst.add.f32.msk $0xffff, v0  }
0x199: {  	s18 =	sor.u32 $0x100, s18;
	s20 =	sadd.s32 s28, s20;
	s23 =	sor.u32 s28, s23;
	[tilespmem:s25+$0x0] =	vst.add.f32.msk $0xffff, v0  }
0x19a: {  	s25 =	sand.u32 $0x60, s17;
	s20 =	sadd.s32 $0x19000, s20;
	s23 =	sadd.s32 $0x4000, s23;
	[tilespmem:s18+$0x0] =	vst.add.f32.msk $0xffff, v0  }
0x19b: {  	s18 =	sor.u32 s25, s20;
	s28 =	sor.u32 s25, s23;
	s25 =	sor.u32 $0x10, s25;
	[tilespmem:s19+$0x0] =	vst.add.f32.msk $0xffff, v0  }
0x19c: {  	p0 =	slt.u32 s15, $0xFE;
	v0 =	vld [tilespmem:s18+$0x0];
	s19 =	sor.u32 s25, s20;
	s18 =	sor.u32 s25, s23  }
0x19d: {  	_ =	sdelay $0x3  }
0x19e: {  	s20 =	sor.u32 $0x80, s28;
	[tilespmem:s28+$0x0] =	vst.add.f32.msk $0xffff, v0  }
0x19f: {  	[tilespmem:s20+$0x0] =	vst.add.f32.msk $0xffff, v0;
	s20 =	sor.u32 $0x100, s28  }
.Ltmp7:
0x1a0: {  	[tilespmem:s20+$0x0] =	vst.add.f32.msk $0xffff, v0;
	s20 =	sor.u32 $0x180, s28;
	(pc) =	sbr.rel @p0 .LBB2_16-.Ltmp7, $3  }
0x1a1: {  	[tilespmem:s20+$0x0] =	vst.add.f32.msk $0xffff, v0  }
0x1a2: {  	v0 =	vld [tilespmem:s19+$0x0];
	_ =	sdelay $0x1  }
0x1a3: {  	s17 =	sadd.s32 $0x20, s17  }
0x1a4: {  	_ =	sdelay $0x1  }
0x1a5: {  	s14 =	sor.u32 $0x80, s18;
	[tilespmem:s18+$0x0] =	vst.add.f32.msk $0xffff, v0  }
0x1a6: {  	s28 =	sor.u32 $0x100, s18;
	s17 =	sld [smem:$0x7EC];
	[tilespmem:s14+$0x0] =	vst.add.f32.msk $0xffff, v0  }
0x1a7: {  	s15 =	sor.u32 $0x180, s18;
	[tilespmem:s28+$0x0] =	vst.add.f32.msk $0xffff, v0  }
0x1a8: {  	s14 =	simm.s32 $0x0;
	[tilespmem:s15+$0x0] =	vst.add.f32.msk $0xffff, v0  }
0x1a9: {  	[hbm4b:s17+s14] =	stream.linear.scatter [tilespmem:s24], [sflag:$0x8], $0x4000, $0x38;
	[tilespmem:$0x1E000] =	vst v63  }
0x1aa: {  	_ =	swait.ge [sflag:s5], $0x4000  }
0x1ab: {  	s18 =	sld [smem:$0x7F4]  }
0x1ac: {  	[sflag:s5] =	ssyncset.done $0x0  }
0x1ad: {  	[sflag:s5] =	ssyncadd.s32 $0xFFFFC000  }
0x1ae: {  	[tilespmem:s14], [sflag:$0x1] =	stream.linear.gather [hbm4b:s18+s14], $0x4000, $0x38;
	[tilespmem:$0x1E000] =	vst v63  }
0x1af: {  	s17 =	simm.s32 $0x18000;
	s19 =	rddreg [dreg:$0xc]  }
0x1b0: {  	[tilespmem:s17], [sflag:$0x1] =	stream.strided.gather [hbm4b:s19+s21], $0x1000, s22, s21, $0x38;
	[tilespmem:$0x1E000] =	vst v63  }
0x1b1: {  	_ =	swait.ge [sflag:s6], $0x4000  }
0x1b2: {  	s20 =	simm.s32 $0x0;
	[sflag:s6] =	ssyncset.done $0x0  }
0x1b3: {  	s23 =	sand.u32 $0xE00, s14;
	s15 =	sand.u32 $0x3FFFFF80, s20;
	[sflag:s6] =	ssyncadd.s32 $0xFFFFC000  }
0x1b4: {  	s15 =	sadd.s32 s23, s15;
	_ =	swait.ge [sflag:s6], $0x1000  }
0x1b5: {  	s15 =	sadd.s32 $0x1A000, s15;
	s18 =	sand.u32 $0x60, s14;
	[sflag:s6] =	ssyncset.done $0x0  }
0x1b6: {  	s19 =	sor.u32 s18, s15;
	[sflag:s6] =	ssyncadd.s32 $0xFFFFF000  }
0x1b7: {  	s20 =	simm.s32 $0x0;
	v0 =	vld [tilespmem:s19+$0x0]  }
0x1b8: {  	s25 =	sand.u32 $0x3FFFF000, s20  }
0x1b9: {  	s17 =	sor.u32 s23, s25  }
0x1ba: {  	s17 =	sadd.s32 $0x8000, s17  }
0x1bb: {  	s28 =	sor.u32 s18, s17  }
0x1bc: {  	s23 =	sor.u32 $0x80, s28;
	[tilespmem:s28+$0x0] =	vst.add.f32.msk $0xffff, v0  }
0x1bd: {  	s25 =	sor.u32 $0x100, s28;
	[tilespmem:s23+$0x0] =	vst.add.f32.msk $0xffff, v0  }
0x1be: {  	s18 =	sor.u32 $0x10, s18;
	s19 =	sor.u32 $0x180, s28;
	[tilespmem:s25+$0x0] =	vst.add.f32.msk $0xffff, v0  }
0x1bf: {  	s28 =	sor.u32 s18, s15;
	[tilespmem:s19+$0x0] =	vst.add.f32.msk $0xffff, v0  }
0x1c0: {  	v0 =	vld [tilespmem:s28+$0x0];
	_ =	sdelay $0x1  }
0x1c1: {  	s15 =	simm.s32 $0x0;
	s18 =	sor.u32 s18, s17;
	s17 =	simm.s32 $0x20  }
.LBB2_18:
0x1c2: {  	s15 =	sadd.s32 $0x2, s15;
	s19 =	sor.u32 $0x180, s18;
	s14 =	sadd.s32 $0x80, s14  }
0x1c3: {  	s25 =	sor.u32 $0x80, s18;
	s20 =	sshll.u32 s15, $0x1;
	s23 =	sshll.u32 s15, $0x6  }
0x1c4: {  	s28 =	sand.u32 $0xE00, s14;
	s20 =	sand.u32 $0x3FFFFF80, s20;
	s23 =	sand.u32 $0x3FFFF000, s23;
	[tilespmem:s18+$0x0] =	vst.add.f32.msk $0xffff, v0  }
0x1c5: {  	s18 =	sor.u32 $0x100, s18;
	s20 =	sadd.s32 s28, s20;
	s23 =	sor.u32 s28, s23;
	[tilespmem:s25+$0x0] =	vst.add.f32.msk $0xffff, v0  }
0x1c6: {  	s25 =	sand.u32 $0x60, s17;
	s20 =	sadd.s32 $0x1A000, s20;
	s23 =	sadd.s32 $0x8000, s23;
	[tilespmem:s18+$0x0] =	vst.add.f32.msk $0xffff, v0  }
0x1c7: {  	s18 =	sor.u32 s25, s20;
	s28 =	sor.u32 s25, s23;
	s25 =	sor.u32 $0x10, s25;
	[tilespmem:s19+$0x0] =	vst.add.f32.msk $0xffff, v0  }
0x1c8: {  	p0 =	slt.u32 s15, $0xFE;
	v0 =	vld [tilespmem:s18+$0x0];
	s19 =	sor.u32 s25, s20;
	s18 =	sor.u32 s25, s23  }
0x1c9: {  	_ =	sdelay $0x3  }
0x1ca: {  	s20 =	sor.u32 $0x80, s28;
	[tilespmem:s28+$0x0] =	vst.add.f32.msk $0xffff, v0  }
0x1cb: {  	[tilespmem:s20+$0x0] =	vst.add.f32.msk $0xffff, v0;
	s20 =	sor.u32 $0x100, s28  }
.Ltmp8:
0x1cc: {  	[tilespmem:s20+$0x0] =	vst.add.f32.msk $0xffff, v0;
	s20 =	sor.u32 $0x180, s28;
	(pc) =	sbr.rel @p0 .LBB2_18-.Ltmp8, $3  }
0x1cd: {  	[tilespmem:s20+$0x0] =	vst.add.f32.msk $0xffff, v0  }
0x1ce: {  	v0 =	vld [tilespmem:s19+$0x0];
	_ =	sdelay $0x1  }
0x1cf: {  	s17 =	sadd.s32 $0x20, s17  }
0x1d0: {  	_ =	sdelay $0x1  }
0x1d1: {  	s14 =	sor.u32 $0x80, s18;
	[tilespmem:s18+$0x0] =	vst.add.f32.msk $0xffff, v0  }
0x1d2: {  	s28 =	sor.u32 $0x100, s18;
	s17 =	sld [smem:$0x7EE];
	[tilespmem:s14+$0x0] =	vst.add.f32.msk $0xffff, v0  }
0x1d3: {  	s15 =	sor.u32 $0x180, s18;
	[tilespmem:s28+$0x0] =	vst.add.f32.msk $0xffff, v0  }
0x1d4: {  	s14 =	simm.s32 $0x0;
	[tilespmem:s15+$0x0] =	vst.add.f32.msk $0xffff, v0  }
0x1d5: {  	[hbm4b:s17+s14] =	stream.linear.scatter [tilespmem:s26], [sflag:$0x9], $0x4000, $0x38;
	[tilespmem:$0x1E000] =	vst v63  }
0x1d6: {  	_ =	swait.ge [sflag:s7], $0x4000  }
0x1d7: {  	s18 =	sld [smem:$0x7F5]  }
0x1d8: {  	[sflag:s7] =	ssyncset.done $0x0  }
0x1d9: {  	[sflag:s7] =	ssyncadd.s32 $0xFFFFC000  }
0x1da: {  	[tilespmem:s24], [sflag:$0x2] =	stream.linear.gather [hbm4b:s18+s14], $0x4000, $0x38;
	[tilespmem:$0x1E000] =	vst v63  }
0x1db: {  	s17 =	simm.s32 $0x19000;
	s19 =	rddreg [dreg:$0x12]  }
0x1dc: {  	[tilespmem:s17], [sflag:$0x2] =	stream.strided.gather [hbm4b:s19+s21], $0x1000, s22, s21, $0x38;
	[tilespmem:$0x1E000] =	vst v63  }
0x1dd: {  	_ =	swait.ge [sflag:s0], $0x4000  }
0x1de: {  	s20 =	simm.s32 $0x0;
	[sflag:s0] =	ssyncset.done $0x0  }
0x1df: {  	s23 =	sand.u32 $0xE00, s14;
	s15 =	sand.u32 $0x3FFFFF80, s20;
	[sflag:s0] =	ssyncadd.s32 $0xFFFFC000  }
0x1e0: {  	s15 =	sadd.s32 s23, s15;
	_ =	swait.ge [sflag:s0], $0x1000  }
0x1e1: {  	s15 =	sadd.s32 $0x1B000, s15;
	s18 =	sand.u32 $0x60, s14;
	[sflag:s0] =	ssyncset.done $0x0  }
0x1e2: {  	s19 =	sor.u32 s18, s15;
	[sflag:s0] =	ssyncadd.s32 $0xFFFFF000  }
0x1e3: {  	s20 =	simm.s32 $0x0;
	v0 =	vld [tilespmem:s19+$0x0]  }
0x1e4: {  	s25 =	sand.u32 $0x3FFFF000, s20  }
0x1e5: {  	s17 =	sor.u32 s23, s25  }
0x1e6: {  	s17 =	sadd.s32 $0xC000, s17  }
0x1e7: {  	s28 =	sor.u32 s18, s17  }
0x1e8: {  	s23 =	sor.u32 $0x80, s28;
	[tilespmem:s28+$0x0] =	vst.add.f32.msk $0xffff, v0  }
0x1e9: {  	s25 =	sor.u32 $0x100, s28;
	[tilespmem:s23+$0x0] =	vst.add.f32.msk $0xffff, v0  }
0x1ea: {  	s18 =	sor.u32 $0x10, s18;
	s19 =	sor.u32 $0x180, s28;
	[tilespmem:s25+$0x0] =	vst.add.f32.msk $0xffff, v0  }
0x1eb: {  	s28 =	sor.u32 s18, s15;
	[tilespmem:s19+$0x0] =	vst.add.f32.msk $0xffff, v0  }
0x1ec: {  	v0 =	vld [tilespmem:s28+$0x0];
	_ =	sdelay $0x1  }
0x1ed: {  	s15 =	simm.s32 $0x0;
	s18 =	sor.u32 s18, s17;
	s17 =	simm.s32 $0x20  }
.LBB2_20:
0x1ee: {  	s15 =	sadd.s32 $0x2, s15;
	s19 =	sor.u32 $0x180, s18;
	s14 =	sadd.s32 $0x80, s14  }
0x1ef: {  	s25 =	sor.u32 $0x80, s18;
	s20 =	sshll.u32 s15, $0x1;
	s23 =	sshll.u32 s15, $0x6  }
0x1f0: {  	s28 =	sand.u32 $0xE00, s14;
	s20 =	sand.u32 $0x3FFFFF80, s20;
	s23 =	sand.u32 $0x3FFFF000, s23;
	[tilespmem:s18+$0x0] =	vst.add.f32.msk $0xffff, v0  }
0x1f1: {  	s18 =	sor.u32 $0x100, s18;
	s20 =	sadd.s32 s28, s20;
	s23 =	sor.u32 s28, s23;
	[tilespmem:s25+$0x0] =	vst.add.f32.msk $0xffff, v0  }
0x1f2: {  	s25 =	sand.u32 $0x60, s17;
	s20 =	sadd.s32 $0x1B000, s20;
	s23 =	sadd.s32 $0xC000, s23;
	[tilespmem:s18+$0x0] =	vst.add.f32.msk $0xffff, v0  }
0x1f3: {  	s18 =	sor.u32 s25, s20;
	s28 =	sor.u32 s25, s23;
	s25 =	sor.u32 $0x10, s25;
	[tilespmem:s19+$0x0] =	vst.add.f32.msk $0xffff, v0  }
0x1f4: {  	p0 =	slt.u32 s15, $0xFE;
	v0 =	vld [tilespmem:s18+$0x0];
	s19 =	sor.u32 s25, s20;
	s18 =	sor.u32 s25, s23  }
0x1f5: {  	_ =	sdelay $0x3  }
0x1f6: {  	s20 =	sor.u32 $0x80, s28;
	[tilespmem:s28+$0x0] =	vst.add.f32.msk $0xffff, v0  }
0x1f7: {  	[tilespmem:s20+$0x0] =	vst.add.f32.msk $0xffff, v0;
	s20 =	sor.u32 $0x100, s28  }
.Ltmp9:
0x1f8: {  	[tilespmem:s20+$0x0] =	vst.add.f32.msk $0xffff, v0;
	s20 =	sor.u32 $0x180, s28;
	(pc) =	sbr.rel @p0 .LBB2_20-.Ltmp9, $3  }
0x1f9: {  	[tilespmem:s20+$0x0] =	vst.add.f32.msk $0xffff, v0  }
0x1fa: {  	v0 =	vld [tilespmem:s19+$0x0];
	_ =	sdelay $0x1  }
0x1fb: {  	s17 =	sadd.s32 $0x20, s17  }
0x1fc: {  	_ =	sdelay $0x1  }
0x1fd: {  	s14 =	sor.u32 $0x80, s18;
	[tilespmem:s18+$0x0] =	vst.add.f32.msk $0xffff, v0  }
0x1fe: {  	s28 =	sor.u32 $0x100, s18;
	s17 =	sld [smem:$0x7F0];
	[tilespmem:s14+$0x0] =	vst.add.f32.msk $0xffff, v0  }
0x1ff: {  	s15 =	sor.u32 $0x180, s18;
	[tilespmem:s28+$0x0] =	vst.add.f32.msk $0xffff, v0  }
0x200: {  	s14 =	simm.s32 $0x0;
	[tilespmem:s15+$0x0] =	vst.add.f32.msk $0xffff, v0  }
0x201: {  	[hbm4b:s17+s14] =	stream.linear.scatter [tilespmem:s29], [sflag:$0xA], $0x4000, $0x38;
	[tilespmem:$0x1E000] =	vst v63  }
0x202: {  	_ =	swait.ge [sflag:s8], $0x4000  }
0x203: {  	s18 =	sld [smem:$0x7F6]  }
0x204: {  	[sflag:s8] =	ssyncset.done $0x0  }
0x205: {  	[sflag:s8] =	ssyncadd.s32 $0xFFFFC000  }
0x206: {  	[tilespmem:s26], [sflag:$0x3] =	stream.linear.gather [hbm4b:s18+s14], $0x4000, $0x38;
	[tilespmem:$0x1E000] =	vst v63  }
0x207: {  	s17 =	simm.s32 $0x1A000;
	s19 =	rddreg [dreg:$0xd]  }
0x208: {  	[tilespmem:s17], [sflag:$0x3] =	stream.strided.gather [hbm4b:s19+s21], $0x1000, s22, s21, $0x38;
	[tilespmem:$0x1E000] =	vst v63  }
0x209: {  	_ =	swait.ge [sflag:s9], $0x4000  }
0x20a: {  	s20 =	simm.s32 $0x0;
	[sflag:s9] =	ssyncset.done $0x0  }
0x20b: {  	s23 =	sand.u32 $0xE00, s14;
	s15 =	sand.u32 $0x3FFFFF80, s20;
	[sflag:s9] =	ssyncadd.s32 $0xFFFFC000  }
0x20c: {  	s15 =	sadd.s32 s23, s15;
	_ =	swait.ge [sflag:s9], $0x1000  }
0x20d: {  	s15 =	sadd.s32 $0x1C000, s15;
	s18 =	sand.u32 $0x60, s14;
	[sflag:s9] =	ssyncset.done $0x0  }
0x20e: {  	s19 =	sor.u32 s18, s15;
	[sflag:s9] =	ssyncadd.s32 $0xFFFFF000  }
0x20f: {  	s20 =	simm.s32 $0x0;
	v0 =	vld [tilespmem:s19+$0x0]  }
0x210: {  	s25 =	sand.u32 $0x3FFFF000, s20  }
0x211: {  	s17 =	sor.u32 s23, s25  }
0x212: {  	s17 =	sadd.s32 $0x10000, s17  }
0x213: {  	s28 =	sor.u32 s18, s17  }
0x214: {  	s23 =	sor.u32 $0x80, s28;
	[tilespmem:s28+$0x0] =	vst.add.f32.msk $0xffff, v0  }
0x215: {  	s25 =	sor.u32 $0x100, s28;
	[tilespmem:s23+$0x0] =	vst.add.f32.msk $0xffff, v0  }
0x216: {  	s18 =	sor.u32 $0x10, s18;
	s19 =	sor.u32 $0x180, s28;
	[tilespmem:s25+$0x0] =	vst.add.f32.msk $0xffff, v0  }
0x217: {  	s28 =	sor.u32 s18, s15;
	[tilespmem:s19+$0x0] =	vst.add.f32.msk $0xffff, v0  }
0x218: {  	v0 =	vld [tilespmem:s28+$0x0];
	_ =	sdelay $0x1  }
0x219: {  	s15 =	simm.s32 $0x0;
	s18 =	sor.u32 s18, s17;
	s17 =	simm.s32 $0x20  }
.LBB2_22:
0x21a: {  	s15 =	sadd.s32 $0x2, s15;
	s19 =	sor.u32 $0x180, s18;
	s14 =	sadd.s32 $0x80, s14  }
0x21b: {  	s25 =	sor.u32 $0x80, s18;
	s20 =	sshll.u32 s15, $0x1;
	s23 =	sshll.u32 s15, $0x6  }
0x21c: {  	s28 =	sand.u32 $0xE00, s14;
	s20 =	sand.u32 $0x3FFFFF80, s20;
	s23 =	sand.u32 $0x3FFFF000, s23;
	[tilespmem:s18+$0x0] =	vst.add.f32.msk $0xffff, v0  }
0x21d: {  	s18 =	sor.u32 $0x100, s18;
	s20 =	sadd.s32 s28, s20;
	s23 =	sor.u32 s28, s23;
	[tilespmem:s25+$0x0] =	vst.add.f32.msk $0xffff, v0  }
0x21e: {  	s25 =	sand.u32 $0x60, s17;
	s20 =	sadd.s32 $0x1C000, s20;
	s23 =	sadd.s32 $0x10000, s23;
	[tilespmem:s18+$0x0] =	vst.add.f32.msk $0xffff, v0  }
0x21f: {  	s18 =	sor.u32 s25, s20;
	s28 =	sor.u32 s25, s23;
	s25 =	sor.u32 $0x10, s25;
	[tilespmem:s19+$0x0] =	vst.add.f32.msk $0xffff, v0  }
0x220: {  	p0 =	slt.u32 s15, $0xFE;
	v0 =	vld [tilespmem:s18+$0x0];
	s19 =	sor.u32 s25, s20;
	s18 =	sor.u32 s25, s23  }
0x221: {  	_ =	sdelay $0x3  }
0x222: {  	s20 =	sor.u32 $0x80, s28;
	[tilespmem:s28+$0x0] =	vst.add.f32.msk $0xffff, v0  }
0x223: {  	[tilespmem:s20+$0x0] =	vst.add.f32.msk $0xffff, v0;
	s20 =	sor.u32 $0x100, s28  }
.Ltmp10:
0x224: {  	[tilespmem:s20+$0x0] =	vst.add.f32.msk $0xffff, v0;
	s20 =	sor.u32 $0x180, s28;
	(pc) =	sbr.rel @p0 .LBB2_22-.Ltmp10, $3  }
0x225: {  	[tilespmem:s20+$0x0] =	vst.add.f32.msk $0xffff, v0  }
0x226: {  	v0 =	vld [tilespmem:s19+$0x0];
	_ =	sdelay $0x1  }
0x227: {  	s17 =	sadd.s32 $0x20, s17  }
0x228: {  	_ =	sdelay $0x1  }
0x229: {  	s14 =	sor.u32 $0x80, s18;
	[tilespmem:s18+$0x0] =	vst.add.f32.msk $0xffff, v0  }
0x22a: {  	s17 =	sor.u32 $0x100, s18;
	s15 =	sor.u32 $0x180, s18;
	s18 =	sld [smem:$0x7F2];
	[tilespmem:s14+$0x0] =	vst.add.f32.msk $0xffff, v0  }
0x22b: {  	[tilespmem:s17+$0x0] =	vst.add.f32.msk $0xffff, v0  }
0x22c: {  	s14 =	simm.s32 $0x0;
	[tilespmem:s15+$0x0] =	vst.add.f32.msk $0xffff, v0  }
0x22d: {  	[hbm4b:s18+s14] =	stream.linear.scatter [tilespmem:s31], [sflag:$0xB], $0x4000, $0x38;
	[tilespmem:$0x1E000] =	vst v63  }
0x22e: {  	_ =	swait.ge [sflag:s3], $0x4000  }
0x22f: {  	s19 =	sld [smem:$0x7F7]  }
0x230: {  	[sflag:s3] =	ssyncset.done $0x0  }
0x231: {  	[sflag:s3] =	ssyncadd.s32 $0xFFFFC000  }
0x232: {  	[tilespmem:s29], [sflag:$0x4] =	stream.linear.gather [hbm4b:s19+s14], $0x4000, $0x38;
	[tilespmem:$0x1E000] =	vst v63  }
0x233: {  	s20 =	rddreg [dreg:$0x13]  }
0x234: {  	[tilespmem:s30], [sflag:$0x4] =	stream.strided.gather [hbm4b:s20+s21], $0x1000, s22, s21, $0x38;
	[tilespmem:$0x1E000] =	vst v63  }
0x235: {  	_ =	swait.ge [sflag:s10], $0x4000  }
0x236: {  	s23 =	simm.s32 $0x0;
	[sflag:s10] =	ssyncset.done $0x0  }
0x237: {  	s17 =	sand.u32 $0xE00, s14;
	s15 =	sand.u32 $0x3FFFFF80, s23;
	[sflag:s10] =	ssyncadd.s32 $0xFFFFC000  }
0x238: {  	s15 =	sadd.s32 s17, s15;
	_ =	swait.ge [sflag:s10], $0x1000  }
0x239: {  	s18 =	sand.u32 $0x60, s14;
	s15 =	sadd.s32 $0x1D000, s15;
	[sflag:s10] =	ssyncset.done $0x0  }
0x23a: {  	s19 =	sor.u32 s18, s15;
	[sflag:s10] =	ssyncadd.s32 $0xFFFFF000  }
0x23b: {  	s20 =	simm.s32 $0x0;
	v0 =	vld [tilespmem:s19+$0x0]  }
0x23c: {  	s25 =	sand.u32 $0x3FFFF000, s20  }
0x23d: {  	s17 =	sor.u32 s17, s25  }
0x23e: {  	s17 =	sadd.s32 $0x14000, s17  }
0x23f: {  	s28 =	sor.u32 s18, s17  }
0x240: {  	s23 =	sor.u32 $0x80, s28;
	[tilespmem:s28+$0x0] =	vst.add.f32.msk $0xffff, v0  }
0x241: {  	s25 =	sor.u32 $0x100, s28;
	[tilespmem:s23+$0x0] =	vst.add.f32.msk $0xffff, v0  }
0x242: {  	s18 =	sor.u32 $0x10, s18;
	s19 =	sor.u32 $0x180, s28;
	[tilespmem:s25+$0x0] =	vst.add.f32.msk $0xffff, v0  }
0x243: {  	s28 =	sor.u32 s18, s15;
	[tilespmem:s19+$0x0] =	vst.add.f32.msk $0xffff, v0  }
0x244: {  	v0 =	vld [tilespmem:s28+$0x0];
	_ =	sdelay $0x1  }
0x245: {  	s15 =	simm.s32 $0x0;
	s18 =	sor.u32 s18, s17;
	s17 =	simm.s32 $0x20  }
.LBB2_24:
0x246: {  	s15 =	sadd.s32 $0x2, s15;
	s19 =	sor.u32 $0x180, s18;
	s14 =	sadd.s32 $0x80, s14  }
0x247: {  	s25 =	sor.u32 $0x80, s18;
	s20 =	sshll.u32 s15, $0x1;
	s23 =	sshll.u32 s15, $0x6  }
0x248: {  	s28 =	sand.u32 $0xE00, s14;
	s20 =	sand.u32 $0x3FFFFF80, s20;
	s23 =	sand.u32 $0x3FFFF000, s23;
	[tilespmem:s18+$0x0] =	vst.add.f32.msk $0xffff, v0  }
0x249: {  	s18 =	sor.u32 $0x100, s18;
	s20 =	sadd.s32 s28, s20;
	s23 =	sor.u32 s28, s23;
	[tilespmem:s25+$0x0] =	vst.add.f32.msk $0xffff, v0  }
0x24a: {  	s25 =	sand.u32 $0x60, s17;
	s20 =	sadd.s32 $0x1D000, s20;
	s23 =	sadd.s32 $0x14000, s23;
	[tilespmem:s18+$0x0] =	vst.add.f32.msk $0xffff, v0  }
0x24b: {  	s18 =	sor.u32 s25, s20;
	s28 =	sor.u32 s25, s23;
	s25 =	sor.u32 $0x10, s25;
	[tilespmem:s19+$0x0] =	vst.add.f32.msk $0xffff, v0  }
0x24c: {  	p0 =	slt.u32 s15, $0xFE;
	v0 =	vld [tilespmem:s18+$0x0];
	s19 =	sor.u32 s25, s20;
	s18 =	sor.u32 s25, s23  }
0x24d: {  	_ =	sdelay $0x3  }
0x24e: {  	s20 =	sor.u32 $0x80, s28;
	[tilespmem:s28+$0x0] =	vst.add.f32.msk $0xffff, v0  }
0x24f: {  	[tilespmem:s20+$0x0] =	vst.add.f32.msk $0xffff, v0;
	s20 =	sor.u32 $0x100, s28  }
.Ltmp11:
0x250: {  	[tilespmem:s20+$0x0] =	vst.add.f32.msk $0xffff, v0;
	s20 =	sor.u32 $0x180, s28;
	(pc) =	sbr.rel @p0 .LBB2_24-.Ltmp11, $3  }
0x251: {  	[tilespmem:s20+$0x0] =	vst.add.f32.msk $0xffff, v0  }
0x252: {  	v0 =	vld [tilespmem:s19+$0x0];
	_ =	sdelay $0x1  }
0x253: {  	s17 =	sadd.s32 $0x20, s17  }
0x254: {  	_ =	sdelay $0x1  }
0x255: {  	s14 =	sor.u32 $0x80, s18;
	[tilespmem:s18+$0x0] =	vst.add.f32.msk $0xffff, v0  }
0x256: {  	s20 =	sor.u32 $0x100, s18;
	s23 =	sld [smem:$0x7F8];
	[tilespmem:s14+$0x0] =	vst.add.f32.msk $0xffff, v0  }
0x257: {  	s15 =	sor.u32 $0x180, s18;
	[tilespmem:s20+$0x0] =	vst.add.f32.msk $0xffff, v0  }
0x258: {  	s14 =	simm.s32 $0x0;
	[tilespmem:s15+$0x0] =	vst.add.f32.msk $0xffff, v0  }
0x259: {  	[hbm4b:s23+s14] =	stream.linear.scatter [tilespmem:s2], [sflag:$0xC], $0x4000, $0x38;
	[tilespmem:$0x1E000] =	vst v63  }
0x25a: {  	_ =	swait.ge [sflag:s1], $0x4000  }
0x25b: {  	s25 =	simm.s32 $0x0;
	[sflag:s1] =	ssyncset.done $0x0  }
0x25c: {  	s17 =	sand.u32 $0xE00, s14;
	s15 =	sand.u32 $0x3FFFFF80, s25;
	[sflag:s1] =	ssyncadd.s32 $0xFFFFC000  }
0x25d: {  	s15 =	sadd.s32 s17, s15;
	_ =	swait.ge [sflag:s1], $0x1000  }
0x25e: {  	s28 =	sand.u32 $0x60, s14;
	s15 =	sadd.s32 $0x18000, s15;
	[sflag:s1] =	ssyncset.done $0x0  }
0x25f: {  	s19 =	sor.u32 s28, s15;
	[sflag:s1] =	ssyncadd.s32 $0xFFFFF000  }
0x260: {  	v0 =	vld [tilespmem:s19+$0x0]  }
0x261: {  	s23 =	simm.s32 $0x0  }
0x262: {  	s19 =	sand.u32 $0x3FFFF000, s23  }
0x263: {  	s17 =	sor.u32 s17, s19  }
0x264: {  	s19 =	sor.u32 s28, s17  }
0x265: {  	s20 =	sor.u32 $0x80, s19;
	[tilespmem:s19+$0x0] =	vst.add.f32.msk $0xffff, v0  }
0x266: {  	s25 =	sor.u32 $0x100, s19;
	[tilespmem:s20+$0x0] =	vst.add.f32.msk $0xffff, v0  }
0x267: {  	s18 =	sor.u32 $0x10, s28;
	s19 =	sor.u32 $0x180, s19;
	[tilespmem:s25+$0x0] =	vst.add.f32.msk $0xffff, v0  }
0x268: {  	s28 =	sor.u32 s18, s15;
	[tilespmem:s19+$0x0] =	vst.add.f32.msk $0xffff, v0  }
0x269: {  	s15 =	simm.s32 $0x0;
	s18 =	sor.u32 s18, s17;
	s17 =	simm.s32 $0x0;
	v0 =	vld [tilespmem:s28+$0x0]  }
.LBB2_26:
0x26a: {  	_ =	sdelay $0x1  }
0x26b: {  	s15 =	sadd.s32 $0x2, s15;
	s14 =	sadd.s32 $0x80, s14;
	s17 =	sadd.s32 $0x20, s17  }
0x26c: {  	s23 =	sor.u32 $0x80, s18;
	s19 =	sshll.u32 s15, $0x1;
	s20 =	sshll.u32 s15, $0x6  }
0x26d: {  	s25 =	sand.u32 $0xE00, s14;
	s19 =	sand.u32 $0x3FFFFF80, s19;
	s20 =	sand.u32 $0x3FFFF000, s20;
	[tilespmem:s18+$0x0] =	vst.add.f32.msk $0xffff, v0  }
0x26e: {  	s19 =	sadd.s32 s25, s19;
	s20 =	sor.u32 s25, s20;
	[tilespmem:s23+$0x0] =	vst.add.f32.msk $0xffff, v0;
	s23 =	sor.u32 $0x100, s18  }
0x26f: {  	s25 =	sand.u32 $0x60, s17;
	s19 =	sadd.s32 $0x18000, s19;
	s18 =	sor.u32 $0x180, s18;
	[tilespmem:s23+$0x0] =	vst.add.f32.msk $0xffff, v0  }
0x270: {  	p0 =	slt.u32 s15, $0xFE;
	s28 =	sor.u32 $0x10, s25;
	s23 =	sor.u32 s25, s19;
	[tilespmem:s18+$0x0] =	vst.add.f32.msk $0xffff, v0  }
0x271: {  	s19 =	sor.u32 s28, s19;
	s18 =	sor.u32 s28, s20;
	v0 =	vld [tilespmem:s23+$0x0];
	_ =	sdelay $0x3  }
0x272: {  	s20 =	sor.u32 s25, s20  }
.Ltmp12:
0x273: {  	s23 =	sor.u32 $0x80, s20;
	[tilespmem:s20+$0x0] =	vst.add.f32.msk $0xffff, v0;
	(pc) =	sbr.rel @p0 .LBB2_26-.Ltmp12, $4  }
0x274: {  	[tilespmem:s23+$0x0] =	vst.add.f32.msk $0xffff, v0;
	s23 =	sor.u32 $0x100, s20  }
0x275: {  	s20 =	sor.u32 $0x180, s20;
	[tilespmem:s23+$0x0] =	vst.add.f32.msk $0xffff, v0  }
0x276: {  	[tilespmem:s20+$0x0] =	vst.add.f32.msk $0xffff, v0  }
0x277: {  	v0 =	vld [tilespmem:s19+$0x0]  }
0x278: {  	_ =	sdelay $0x3  }
0x279: {  	s14 =	sor.u32 $0x80, s18;
	[tilespmem:s18+$0x0] =	vst.add.f32.msk $0xffff, v0  }
0x27a: {  	s19 =	sor.u32 $0x100, s18;
	s15 =	sld [smem:$0x7F9];
	[tilespmem:s14+$0x0] =	vst.add.f32.msk $0xffff, v0  }
0x27b: {  	s20 =	sor.u32 $0x180, s18;
	[tilespmem:s19+$0x0] =	vst.add.f32.msk $0xffff, v0  }
0x27c: {  	s14 =	simm.s32 $0x0;
	[tilespmem:s20+$0x0] =	vst.add.f32.msk $0xffff, v0  }
0x27d: {  	[hbm4b:s15+s14] =	stream.linear.scatter [tilespmem:s14], [sflag:$0x7], $0x4000, $0x38;
	[tilespmem:$0x1E000] =	vst v63  }
0x27e: {  	_ =	swait.ge [sflag:s4], $0x4000  }
0x27f: {  	s23 =	simm.s32 $0x0;
	[sflag:s4] =	ssyncset.done $0x0  }
0x280: {  	s17 =	sand.u32 $0xE00, s14;
	s15 =	sand.u32 $0x3FFFFF80, s23;
	[sflag:s4] =	ssyncadd.s32 $0xFFFFC000  }
0x281: {  	s15 =	sadd.s32 s17, s15;
	_ =	swait.ge [sflag:s4], $0x1000  }
0x282: {  	s18 =	sand.u32 $0x60, s14;
	s15 =	sadd.s32 $0x19000, s15;
	[sflag:s4] =	ssyncset.done $0x0  }
0x283: {  	s19 =	sor.u32 s18, s15;
	[sflag:s4] =	ssyncadd.s32 $0xFFFFF000  }
0x284: {  	s20 =	simm.s32 $0x0;
	v0 =	vld [tilespmem:s19+$0x0]  }
0x285: {  	s25 =	sand.u32 $0x3FFFF000, s20  }
0x286: {  	s17 =	sor.u32 s17, s25  }
0x287: {  	s17 =	sadd.s32 $0x4000, s17  }
0x288: {  	s28 =	sor.u32 s18, s17  }
0x289: {  	s23 =	sor.u32 $0x80, s28;
	[tilespmem:s28+$0x0] =	vst.add.f32.msk $0xffff, v0  }
0x28a: {  	s25 =	sor.u32 $0x100, s28;
	[tilespmem:s23+$0x0] =	vst.add.f32.msk $0xffff, v0  }
0x28b: {  	s18 =	sor.u32 $0x10, s18;
	s19 =	sor.u32 $0x180, s28;
	[tilespmem:s25+$0x0] =	vst.add.f32.msk $0xffff, v0  }
0x28c: {  	s28 =	sor.u32 s18, s15;
	[tilespmem:s19+$0x0] =	vst.add.f32.msk $0xffff, v0  }
0x28d: {  	v0 =	vld [tilespmem:s28+$0x0];
	_ =	sdelay $0x1  }
0x28e: {  	s15 =	simm.s32 $0x0;
	s18 =	sor.u32 s18, s17;
	s17 =	simm.s32 $0x20  }
.LBB2_28:
0x28f: {  	s15 =	sadd.s32 $0x2, s15;
	s19 =	sor.u32 $0x180, s18;
	s14 =	sadd.s32 $0x80, s14  }
0x290: {  	s25 =	sor.u32 $0x80, s18;
	s20 =	sshll.u32 s15, $0x1;
	s23 =	sshll.u32 s15, $0x6  }
0x291: {  	s28 =	sand.u32 $0xE00, s14;
	s20 =	sand.u32 $0x3FFFFF80, s20;
	s23 =	sand.u32 $0x3FFFF000, s23;
	[tilespmem:s18+$0x0] =	vst.add.f32.msk $0xffff, v0  }
0x292: {  	s18 =	sor.u32 $0x100, s18;
	s20 =	sadd.s32 s28, s20;
	s23 =	sor.u32 s28, s23;
	[tilespmem:s25+$0x0] =	vst.add.f32.msk $0xffff, v0  }
0x293: {  	s25 =	sand.u32 $0x60, s17;
	s20 =	sadd.s32 $0x19000, s20;
	s23 =	sadd.s32 $0x4000, s23;
	[tilespmem:s18+$0x0] =	vst.add.f32.msk $0xffff, v0  }
0x294: {  	s18 =	sor.u32 s25, s20;
	s28 =	sor.u32 s25, s23;
	s25 =	sor.u32 $0x10, s25;
	[tilespmem:s19+$0x0] =	vst.add.f32.msk $0xffff, v0  }
0x295: {  	p0 =	slt.u32 s15, $0xFE;
	v0 =	vld [tilespmem:s18+$0x0];
	s19 =	sor.u32 s25, s20;
	s18 =	sor.u32 s25, s23  }
0x296: {  	_ =	sdelay $0x3  }
0x297: {  	s20 =	sor.u32 $0x80, s28;
	[tilespmem:s28+$0x0] =	vst.add.f32.msk $0xffff, v0  }
0x298: {  	[tilespmem:s20+$0x0] =	vst.add.f32.msk $0xffff, v0;
	s20 =	sor.u32 $0x100, s28  }
.Ltmp13:
0x299: {  	[tilespmem:s20+$0x0] =	vst.add.f32.msk $0xffff, v0;
	s20 =	sor.u32 $0x180, s28;
	(pc) =	sbr.rel @p0 .LBB2_28-.Ltmp13, $3  }
0x29a: {  	[tilespmem:s20+$0x0] =	vst.add.f32.msk $0xffff, v0  }
0x29b: {  	v0 =	vld [tilespmem:s19+$0x0];
	_ =	sdelay $0x1  }
0x29c: {  	s17 =	sadd.s32 $0x20, s17  }
0x29d: {  	_ =	sdelay $0x1  }
0x29e: {  	s14 =	sor.u32 $0x80, s18;
	[tilespmem:s18+$0x0] =	vst.add.f32.msk $0xffff, v0  }
0x29f: {  	s19 =	sor.u32 $0x100, s18;
	s20 =	sld [smem:$0x7FA];
	[tilespmem:s14+$0x0] =	vst.add.f32.msk $0xffff, v0  }
0x2a0: {  	s15 =	sor.u32 $0x180, s18;
	[tilespmem:s19+$0x0] =	vst.add.f32.msk $0xffff, v0  }
0x2a1: {  	s14 =	simm.s32 $0x0;
	[tilespmem:s15+$0x0] =	vst.add.f32.msk $0xffff, v0  }
0x2a2: {  	[hbm4b:s20+s14] =	stream.linear.scatter [tilespmem:s24], [sflag:$0x8], $0x4000, $0x38;
	[tilespmem:$0x1E000] =	vst v63  }
0x2a3: {  	_ =	swait.ge [sflag:s6], $0x4000  }
0x2a4: {  	s23 =	simm.s32 $0x0;
	[sflag:s6] =	ssyncset.done $0x0  }
0x2a5: {  	s17 =	sand.u32 $0xE00, s14;
	s15 =	sand.u32 $0x3FFFFF80, s23;
	[sflag:s6] =	ssyncadd.s32 $0xFFFFC000  }
0x2a6: {  	s15 =	sadd.s32 s17, s15;
	_ =	swait.ge [sflag:s6], $0x1000  }
0x2a7: {  	s18 =	sand.u32 $0x60, s14;
	s15 =	sadd.s32 $0x1A000, s15;
	[sflag:s6] =	ssyncset.done $0x0  }
0x2a8: {  	s19 =	sor.u32 s18, s15;
	[sflag:s6] =	ssyncadd.s32 $0xFFFFF000  }
0x2a9: {  	s20 =	simm.s32 $0x0;
	v0 =	vld [tilespmem:s19+$0x0]  }
0x2aa: {  	s25 =	sand.u32 $0x3FFFF000, s20  }
0x2ab: {  	s17 =	sor.u32 s17, s25  }
0x2ac: {  	s17 =	sadd.s32 $0x8000, s17  }
0x2ad: {  	s28 =	sor.u32 s18, s17  }
0x2ae: {  	s23 =	sor.u32 $0x80, s28;
	[tilespmem:s28+$0x0] =	vst.add.f32.msk $0xffff, v0  }
0x2af: {  	s25 =	sor.u32 $0x100, s28;
	[tilespmem:s23+$0x0] =	vst.add.f32.msk $0xffff, v0  }
0x2b0: {  	s18 =	sor.u32 $0x10, s18;
	s19 =	sor.u32 $0x180, s28;
	[tilespmem:s25+$0x0] =	vst.add.f32.msk $0xffff, v0  }
0x2b1: {  	s28 =	sor.u32 s18, s15;
	[tilespmem:s19+$0x0] =	vst.add.f32.msk $0xffff, v0  }
0x2b2: {  	v0 =	vld [tilespmem:s28+$0x0];
	_ =	sdelay $0x1  }
0x2b3: {  	s15 =	simm.s32 $0x0;
	s18 =	sor.u32 s18, s17;
	s17 =	simm.s32 $0x20  }
.LBB2_30:
0x2b4: {  	s15 =	sadd.s32 $0x2, s15;
	s19 =	sor.u32 $0x180, s18;
	s14 =	sadd.s32 $0x80, s14  }
0x2b5: {  	s25 =	sor.u32 $0x80, s18;
	s20 =	sshll.u32 s15, $0x1;
	s23 =	sshll.u32 s15, $0x6  }
0x2b6: {  	s28 =	sand.u32 $0xE00, s14;
	s20 =	sand.u32 $0x3FFFFF80, s20;
	s23 =	sand.u32 $0x3FFFF000, s23;
	[tilespmem:s18+$0x0] =	vst.add.f32.msk $0xffff, v0  }
0x2b7: {  	s18 =	sor.u32 $0x100, s18;
	s20 =	sadd.s32 s28, s20;
	s23 =	sor.u32 s28, s23;
	[tilespmem:s25+$0x0] =	vst.add.f32.msk $0xffff, v0  }
0x2b8: {  	s25 =	sand.u32 $0x60, s17;
	s20 =	sadd.s32 $0x1A000, s20;
	s23 =	sadd.s32 $0x8000, s23;
	[tilespmem:s18+$0x0] =	vst.add.f32.msk $0xffff, v0  }
0x2b9: {  	s18 =	sor.u32 s25, s20;
	s28 =	sor.u32 s25, s23;
	s25 =	sor.u32 $0x10, s25;
	[tilespmem:s19+$0x0] =	vst.add.f32.msk $0xffff, v0  }
0x2ba: {  	p0 =	slt.u32 s15, $0xFE;
	v0 =	vld [tilespmem:s18+$0x0];
	s19 =	sor.u32 s25, s20;
	s18 =	sor.u32 s25, s23  }
0x2bb: {  	_ =	sdelay $0x3  }
0x2bc: {  	s20 =	sor.u32 $0x80, s28;
	[tilespmem:s28+$0x0] =	vst.add.f32.msk $0xffff, v0  }
0x2bd: {  	[tilespmem:s20+$0x0] =	vst.add.f32.msk $0xffff, v0;
	s20 =	sor.u32 $0x100, s28  }
.Ltmp14:
0x2be: {  	[tilespmem:s20+$0x0] =	vst.add.f32.msk $0xffff, v0;
	s20 =	sor.u32 $0x180, s28;
	(pc) =	sbr.rel @p0 .LBB2_30-.Ltmp14, $3  }
0x2bf: {  	[tilespmem:s20+$0x0] =	vst.add.f32.msk $0xffff, v0  }
0x2c0: {  	v0 =	vld [tilespmem:s19+$0x0];
	_ =	sdelay $0x1  }
0x2c1: {  	s17 =	sadd.s32 $0x20, s17  }
0x2c2: {  	_ =	sdelay $0x1  }
0x2c3: {  	s14 =	sor.u32 $0x80, s18;
	[tilespmem:s18+$0x0] =	vst.add.f32.msk $0xffff, v0  }
0x2c4: {  	s19 =	sor.u32 $0x100, s18;
	s20 =	sld [smem:$0x7FB];
	[tilespmem:s14+$0x0] =	vst.add.f32.msk $0xffff, v0  }
0x2c5: {  	s15 =	sor.u32 $0x180, s18;
	[tilespmem:s19+$0x0] =	vst.add.f32.msk $0xffff, v0  }
0x2c6: {  	s14 =	simm.s32 $0x0;
	[tilespmem:s15+$0x0] =	vst.add.f32.msk $0xffff, v0  }
0x2c7: {  	[hbm4b:s20+s14] =	stream.linear.scatter [tilespmem:s26], [sflag:$0x9], $0x4000, $0x38;
	[tilespmem:$0x1E000] =	vst v63  }
0x2c8: {  	_ =	swait.ge [sflag:s0], $0x4000  }
0x2c9: {  	s23 =	simm.s32 $0x0;
	[sflag:s0] =	ssyncset.done $0x0  }
0x2ca: {  	s17 =	sand.u32 $0xE00, s14;
	s15 =	sand.u32 $0x3FFFFF80, s23;
	[sflag:s0] =	ssyncadd.s32 $0xFFFFC000  }
0x2cb: {  	s15 =	sadd.s32 s17, s15;
	_ =	swait.ge [sflag:s0], $0x1000  }
0x2cc: {  	s18 =	sand.u32 $0x60, s14;
	s15 =	sadd.s32 $0x1B000, s15;
	[sflag:s0] =	ssyncset.done $0x0  }
0x2cd: {  	s19 =	sor.u32 s18, s15;
	[sflag:s0] =	ssyncadd.s32 $0xFFFFF000  }
0x2ce: {  	s20 =	simm.s32 $0x0;
	v0 =	vld [tilespmem:s19+$0x0]  }
0x2cf: {  	s25 =	sand.u32 $0x3FFFF000, s20  }
0x2d0: {  	s17 =	sor.u32 s17, s25  }
0x2d1: {  	s17 =	sadd.s32 $0xC000, s17  }
0x2d2: {  	s28 =	sor.u32 s18, s17  }
0x2d3: {  	s23 =	sor.u32 $0x80, s28;
	[tilespmem:s28+$0x0] =	vst.add.f32.msk $0xffff, v0  }
0x2d4: {  	s25 =	sor.u32 $0x100, s28;
	[tilespmem:s23+$0x0] =	vst.add.f32.msk $0xffff, v0  }
0x2d5: {  	s18 =	sor.u32 $0x10, s18;
	s19 =	sor.u32 $0x180, s28;
	[tilespmem:s25+$0x0] =	vst.add.f32.msk $0xffff, v0  }
0x2d6: {  	s28 =	sor.u32 s18, s15;
	[tilespmem:s19+$0x0] =	vst.add.f32.msk $0xffff, v0  }
0x2d7: {  	v0 =	vld [tilespmem:s28+$0x0];
	_ =	sdelay $0x1  }
0x2d8: {  	s15 =	simm.s32 $0x0;
	s18 =	sor.u32 s18, s17;
	s17 =	simm.s32 $0x20  }
.LBB2_32:
0x2d9: {  	s15 =	sadd.s32 $0x2, s15;
	s19 =	sor.u32 $0x180, s18;
	s14 =	sadd.s32 $0x80, s14  }
0x2da: {  	s25 =	sor.u32 $0x80, s18;
	s20 =	sshll.u32 s15, $0x1;
	s23 =	sshll.u32 s15, $0x6  }
0x2db: {  	s28 =	sand.u32 $0xE00, s14;
	s20 =	sand.u32 $0x3FFFFF80, s20;
	s23 =	sand.u32 $0x3FFFF000, s23;
	[tilespmem:s18+$0x0] =	vst.add.f32.msk $0xffff, v0  }
0x2dc: {  	s18 =	sor.u32 $0x100, s18;
	s20 =	sadd.s32 s28, s20;
	s23 =	sor.u32 s28, s23;
	[tilespmem:s25+$0x0] =	vst.add.f32.msk $0xffff, v0  }
0x2dd: {  	s25 =	sand.u32 $0x60, s17;
	s20 =	sadd.s32 $0x1B000, s20;
	s23 =	sadd.s32 $0xC000, s23;
	[tilespmem:s18+$0x0] =	vst.add.f32.msk $0xffff, v0  }
0x2de: {  	s18 =	sor.u32 s25, s20;
	s28 =	sor.u32 s25, s23;
	s25 =	sor.u32 $0x10, s25;
	[tilespmem:s19+$0x0] =	vst.add.f32.msk $0xffff, v0  }
0x2df: {  	p0 =	slt.u32 s15, $0xFE;
	v0 =	vld [tilespmem:s18+$0x0];
	s19 =	sor.u32 s25, s20;
	s18 =	sor.u32 s25, s23  }
0x2e0: {  	_ =	sdelay $0x3  }
0x2e1: {  	s20 =	sor.u32 $0x80, s28;
	[tilespmem:s28+$0x0] =	vst.add.f32.msk $0xffff, v0  }
0x2e2: {  	[tilespmem:s20+$0x0] =	vst.add.f32.msk $0xffff, v0;
	s20 =	sor.u32 $0x100, s28  }
.Ltmp15:
0x2e3: {  	[tilespmem:s20+$0x0] =	vst.add.f32.msk $0xffff, v0;
	s20 =	sor.u32 $0x180, s28;
	(pc) =	sbr.rel @p0 .LBB2_32-.Ltmp15, $3  }
0x2e4: {  	[tilespmem:s20+$0x0] =	vst.add.f32.msk $0xffff, v0  }
0x2e5: {  	v0 =	vld [tilespmem:s19+$0x0];
	_ =	sdelay $0x1  }
0x2e6: {  	s17 =	sadd.s32 $0x20, s17  }
0x2e7: {  	_ =	sdelay $0x1  }
0x2e8: {  	s14 =	sor.u32 $0x80, s18;
	[tilespmem:s18+$0x0] =	vst.add.f32.msk $0xffff, v0  }
0x2e9: {  	s23 =	sor.u32 $0x100, s18;
	s25 =	sld [smem:$0x7FC];
	[tilespmem:s14+$0x0] =	vst.add.f32.msk $0xffff, v0  }
0x2ea: {  	s15 =	sor.u32 $0x180, s18;
	[tilespmem:s23+$0x0] =	vst.add.f32.msk $0xffff, v0  }
0x2eb: {  	[tilespmem:s15+$0x0] =	vst.add.f32.msk $0xffff, v0  }
0x2ec: {  	[hbm4b:s25+s16] =	stream.linear.scatter [tilespmem:s29], [sflag:$0xA], $0x4000, $0x38;
	[tilespmem:$0x1E000] =	vst v63  }
0x2ed: {  	_ =	swait.ge [sflag:s11], $0x4000  }
0x2ee: {  	[sflag:s11] =	ssyncset.done $0x0  }
0x2ef: {  	[sflag:s11] =	ssyncadd.s32 $0xFFFFC000  }
0x2f0: {  	_ =	swait.ge [sflag:s12], $0x4000  }
0x2f1: {  	[sflag:s12] =	ssyncset.done $0x0  }
0x2f2: {  	[sflag:s12] =	ssyncadd.s32 $0xFFFFC000  }
0x2f3: {  	_ =	swait.ge [sflag:s5], $0x4000  }
0x2f4: {  	[sflag:s5] =	ssyncset.done $0x0  }
0x2f5: {  	[sflag:s5] =	ssyncadd.s32 $0xFFFFC000  }
0x2f6: {  	_ =	swait.ge [sflag:s7], $0x4000  }
0x2f7: {  	[sflag:s7] =	ssyncset.done $0x0  }
0x2f8: {  	[sflag:s7] =	ssyncadd.s32 $0xFFFFC000  }
0x2f9: {  	_ =	swait.ge [sflag:s8], $0x4000  }
0x2fa: {  	[sflag:s8] =	ssyncset.done $0x0  }
0x2fb: {  	[sflag:s8] =	ssyncadd.s32 $0xFFFFC000  }
0x2fc: {  	_ =	swait.ge [sflag:s3], $0x4000  }
0x2fd: {  	s28 =	sld [smem:$0x7FD];
	_ =	sdelay $0x1  }
0x2fe: {  	s13 =	sadd.s32 $0x1, s13  }
0x2ff: {  	p0 =	sne.s32 s13, s28  }
.Ltmp16:
0x300: {  	_ = 	snop;
	(pc) =	sbr.rel @p0 .LBB2_1-.Ltmp16, $3  }
0x301: {  	_ =	sdelay $0x1  }
0x302: {  	[sflag:s3] =	ssyncset.done $0x0  }
0x303: {  	[sflag:s3] =	ssyncadd.s32 $0xFFFFC000  }
0x304: {  	_ =	sfence.sel $0x180000  }
0x305: {  	[bflag:$0x0] =	sbarrier.arrive $0xFFFF  }
0x306: {  	_ =	strace $0x90000047  }
0x307: {  	s0 =	stileid.u32;
	[bflag:$0x2] =	sbarrier.arrive $0xFFFF  }
0x308: {  	p0 =	sne.s32 s0, $0x0;
	s0 =	rddreg [dreg:$0x3]  }
0x309: {  	s0 =	sadd.s32 @!p0 $0x100000, s0  }
0x30a: {  	[sflag:s0] =	ssyncadd.tile.s32 @!p0 $0x1;
	_ =	shalt  }
.Lfunc_end2:
_tile_overlayer_lowered:
.L_overlay_start_2:
0x30b: {  	(tag) =	ssettag $0x2  }
0x30c: {  	s0 =	rddreg [dreg:$0x0];
	s2 =	stileid.u32  }
0x30d: {  	s1 =	rddreg [dreg:$0x1];
	p0 =	sne.s32 s2, $0x0  }
0x30e: {  	s3 =	rddreg [dreg:$0x2];
	[bflag:$0x3] =	sbarrier.arrive $0xFFFF;
	s2 =	simm.s32 @!p0 $0x1C0D  }
0x30f: {  	[timem:s3], [sflag:s2] =	dma.local @!p0 [hbm:s0], s1  }
0x310: {  	s0 =	simm.s32 @!p0 $0xD  }
0x311: {  	_ =	swait.ge @!p0 [sflag:s0], s1  }
0x312: {  	s1 =	ssub.s32 @!p0 $0x0, s1;
	[sflag:s0] =	ssyncset.done @!p0 $0x0  }
0x313: {  	[sflag:s0] =	ssyncadd.s32 @!p0 s1  }
0x314: {  	[bflag:$0x3] =	sbarrier.arrive $0xFFFF  }
0x315: {  	_ =	shalt  }

</sc_bundles>
